<compile_context>
chip_gen: v7x
topology: tpu7x:2x2x1
jax: 0.10.2.dev20260603
libtpu: 0.0.44.dev20260713+nightly
codegen_flags: <defaults>
</compile_context>

<pallas_src>
import math

import jax
import jax.numpy as jnp
from jax import lax
from jax.experimental import pallas as pl
from jax.experimental.pallas import tpu as pltpu
from jax.experimental.pallas import tpu_sc as plsc

_NS = 16
_NC = 2
_B = 128


_CB = 16


def _build_sc_kernel(n_pad, stripe, nb, d, interpret=False):
  mesh = plsc.VectorSubcoreMesh(
      core_axis_name="c", subcore_axis_name="s",
      num_cores=_NC, num_subcores=_NS)
  chunks = stripe // _B
  nch = nb // _CB

  def body(x_hbm, src_hbm, dst_hbm, sums_hbm, degs_hbm,
           src_v, dst_v, rows_a, rows_b, ones_b, degt, acc_sh, deg_sh,
           isem, gsem, ssem, dsem, d2sem, rsem, wsem):
    cid = lax.axis_index("c")
    sid = lax.axis_index("s")
    w = cid * _NS + sid
    base = sid * stripe
    rows = [rows_a, rows_b]
    ones16 = jnp.ones((16,), jnp.float32)

    def _zrow(i, c):
      for k in range(d // 16):
        rows_a[i, pl.ds(k * 16, 16)] = jnp.zeros((16,), jnp.float32)
      return c
    lax.fori_loop(0, _B, _zrow, 0)

    def _zob(i, c):
      ones_b[pl.ds(i * 16, 16)] = jnp.zeros((16,), jnp.float32)
      return c
    lax.fori_loop(0, _B // 16, _zob, 0)

    zd = [pltpu.async_copy(rows_a, acc_sh.at[pl.ds(base + k * _B, _B)], ssem)
          for k in range(chunks)]
    zg = [pltpu.async_copy(ones_b, deg_sh.at[pl.ds(base + k * _B, _B)], d2sem)
          for k in range(chunks)]
    for z in zd + zg:
      z.wait()

    def _ones(i, c):
      ones_b[pl.ds(i * 16, 16)] = ones16
      return c
    lax.fori_loop(0, _B // 16, _ones, 0)
    plsc.subcore_barrier()

    def _chunk(c, carry):
      i1 = pltpu.async_copy(src_hbm.at[w, pl.ds(c * _CB, _CB)], src_v, isem)
      i2 = pltpu.async_copy(dst_hbm.at[w, pl.ds(c * _CB, _CB)], dst_v, isem)
      i1.wait()
      i2.wait()
      g = [None, None]
      g[0] = pltpu.async_copy(x_hbm.at[src_v.at[0]], rows[0], gsem)
      for j in range(_CB):
        g[j % 2].wait()
        if j + 1 < _CB:
          g[(j + 1) % 2] = pltpu.async_copy(
              x_hbm.at[src_v.at[j + 1]], rows[(j + 1) % 2], gsem)
        sc = pltpu.async_copy(
            rows[j % 2], acc_sh.at[dst_v.at[j]], ssem, add=True)
        dgc = pltpu.async_copy(
            ones_b, deg_sh.at[dst_v.at[j]], d2sem, add=True)
        sc.wait()
        dgc.wait()
      return carry
    lax.fori_loop(0, nch, _chunk, 0)
    plsc.subcore_barrier()
    db = pltpu.async_copy(deg_sh.at[pl.ds(base, stripe)], degt, d2sem)
    db.wait()
    dw = pltpu.async_copy(
        degt, degs_hbm.at[cid, pl.ds(base, stripe)], dsem)

    out_base = cid * n_pad + base
    rd = [None] * chunks
    wr = [None] * chunks
    rd[0] = pltpu.async_copy(acc_sh.at[pl.ds(base, _B)], rows[0], rsem)
    for k in range(chunks):
      rd[k].wait()
      if k >= 1:
        wr[k - 1].wait()
      if k + 1 < chunks:
        rd[k + 1] = pltpu.async_copy(
            acc_sh.at[pl.ds(base + (k + 1) * _B, _B)], rows[(k + 1) % 2], rsem)
      wr[k] = pltpu.async_copy(
          rows[k % 2], sums_hbm.at[pl.ds(out_base + k * _B, _B)], wsem)
    wr[chunks - 1].wait()
    dw.wait()

  return pl.kernel(
      body,
      out_type=(
          jax.ShapeDtypeStruct((_NC * n_pad, d), jnp.float32),
          jax.ShapeDtypeStruct((_NC, n_pad), jnp.float32),
      ),
      mesh=mesh,
      scratch_types=[
          pltpu.VMEM((_CB, _B), jnp.int32),
          pltpu.VMEM((_CB, _B), jnp.int32),
          pltpu.VMEM((_B, d), jnp.float32),
          pltpu.VMEM((_B, d), jnp.float32),
          pltpu.VMEM((_B,), jnp.float32),
          pltpu.VMEM((stripe,), jnp.float32),
          pltpu.VMEM_SHARED((n_pad, d), jnp.float32),
          pltpu.VMEM_SHARED((n_pad,), jnp.float32),
          pltpu.SemaphoreType.DMA,
          pltpu.SemaphoreType.DMA,
          pltpu.SemaphoreType.DMA,
          pltpu.SemaphoreType.DMA,
          pltpu.SemaphoreType.DMA,
          pltpu.SemaphoreType.DMA,
          pltpu.SemaphoreType.DMA,
      ],
      interpret=interpret,
  )


def _build_tc_kernel(n_dst, d, rows, interpret=False):
  grid = (n_dst // rows,)

  def body(sf_ref, sc_ref, df_ref, dc_ref, wf_ref, wc_ref, o_ref):
    sf = sf_ref[0]
    sc_ = sc_ref[0]
    df = df_ref[0]
    dc = dc_ref[0]
    hf = sf * (1.0 / jnp.maximum(df, 1.0))
    hc = sc_ * (1.0 / jnp.maximum(dc, 1.0))
    o_ref[...] = (
        jnp.dot(hf, wf_ref[...], preferred_element_type=jnp.float32)
        + jnp.dot(hc, wc_ref[...], preferred_element_type=jnp.float32))

  return pl.pallas_call(
      body,
      grid=grid,
      in_specs=[
          pl.BlockSpec((1, rows, d), lambda i: (0, i, 0)),
          pl.BlockSpec((1, rows, d), lambda i: (1, i, 0)),
          pl.BlockSpec((1, rows, 1), lambda i: (0, i, 0)),
          pl.BlockSpec((1, rows, 1), lambda i: (1, i, 0)),
          pl.BlockSpec((d, d), lambda i: (0, 0)),
          pl.BlockSpec((d, d), lambda i: (0, 0)),
      ],
      out_specs=pl.BlockSpec((rows, d), lambda i: (i, 0)),
      out_shape=jax.ShapeDtypeStruct((n_dst, d), jnp.float32),
      interpret=interpret,
  )


def _row_block(n):
  for r in range(min(512, n), 0, -8):
    if n % r == 0:
      return r
  return 8


def kernel(x_user, x_item, edge_index_follows, edge_index_clicks,
           W_follows, W_clicked):
  n_user, d = x_user.shape
  e = edge_index_follows.shape[1]
  stripe = math.ceil((n_user + 1) / (_NS * _B)) * _B
  n_pad = _NS * stripe
  nb = math.ceil(e / (_NS * _B * _CB)) * _CB
  e_pad = _NS * _B * nb

  x_cat = jnp.concatenate([x_user, x_item], axis=0)

  def prep(src, dst):
    ps = jnp.concatenate([src, jnp.zeros((e_pad - e,), jnp.int32)])
    pd = jnp.concatenate(
        [dst, jnp.full((e_pad - e,), n_user, jnp.int32)])
    return ps, pd

  sf, dstf = prep(edge_index_follows[0], edge_index_follows[1])
  sc_, dstc = prep(edge_index_clicks[0] + n_user, edge_index_clicks[1])
  src_all = jnp.stack([sf, sc_]).reshape(_NC * _NS, nb, _B)
  dst_all = jnp.stack([dstf, dstc]).reshape(_NC * _NS, nb, _B)

  sums, degs = _build_sc_kernel(n_pad, stripe, nb, d)(
      x_cat, src_all, dst_all)
  sums3 = sums.reshape(_NC, n_pad, d)
  degs4 = degs.reshape(_NC, n_pad, 1)

  rows = _row_block(n_user)
  return _build_tc_kernel(n_user, d, rows)(
      sums3, sums3, degs4, degs4, W_follows, W_clicked)

# --- scband reference (transcript-rebuilt; emitter-appended) ---
"""Pipeline reference for scband-hetero-graph-conv-87514253623557 (READ-ONLY COPY).

The authoritative reference and input builder live on the scoring server;
editing this copy changes nothing except your own understanding.
"""

import jax, jax.numpy as jnp
import numpy as np

N_USER = 10000
N_ITEM = 10000
E = 160000
D = 128


def setup_inputs(seed: int = 0) -> dict:
    key = jax.random.key(seed)
    ks = jax.random.split(key, 6)
    x_user = jax.random.normal(ks[0], (N_USER, D), dtype=jnp.float32)
    x_item = jax.random.normal(ks[1], (N_ITEM, D), dtype=jnp.float32)
    edge_index_follows = jax.random.randint(ks[2], (2, E), 0, N_USER, dtype=jnp.int32)
    edge_index_clicks = jnp.stack([
        jax.random.randint(ks[3], (E,), 0, N_ITEM, dtype=jnp.int32),
        jax.random.randint(ks[4], (E,), 0, N_USER, dtype=jnp.int32),
    ], axis=0)
    W_follows = jax.random.normal(ks[5], (D, D), dtype=jnp.float32) * (1.0 / np.sqrt(D))
    W_clicked = jax.random.normal(jax.random.fold_in(key, 7), (D, D), dtype=jnp.float32) * (1.0 / np.sqrt(D))
    return {
        "x_user": x_user,
        "x_item": x_item,
        "edge_index_follows": edge_index_follows,
        "edge_index_clicks": edge_index_clicks,
        "W_follows": W_follows,
        "W_clicked": W_clicked,
    }


def _graph_conv(x_src, edge_index, W, n_dst):
    # GraphConv with norm='right' (mean over incoming edges), then linear projection.
    src = edge_index[0]
    dst = edge_index[1]
    msgs = jnp.take(x_src, src, axis=0)  # gather: [E, D]
    summed = jax.ops.segment_sum(msgs, dst, num_segments=n_dst)  # scatter-add: [n_dst, D]
    deg = jax.ops.segment_sum(jnp.ones((edge_index.shape[1],), dtype=x_src.dtype), dst, num_segments=n_dst)
    h = summed / jnp.clip(deg, 1.0)[:, None]
    return h @ W


def reference(x_user, x_item, edge_index_follows, edge_index_clicks, W_follows, W_clicked):
    # HeteroGraphConv: run per-relation conv, then aggregate per dst ntype with 'sum'
    # (stack along dim 0 then sum over dim 0, as in _agg_func/_sum_reduce_func).
    out_follows = _graph_conv(x_user, edge_index_follows, W_follows, N_USER)   # ('user','follows','user')
    out_clicks = _graph_conv(x_item, edge_index_clicks, W_clicked, N_USER)     # ('item','clicked','user')
    stacked = jnp.stack([out_follows, out_clicks], axis=0)
    rst_user = jnp.sum(stacked, axis=0)
    return rst_user

if __name__ == "__main__":
    import jax
    _d = setup_inputs()
    print(jax.jit(kernel)(*tuple(_d.values())))

</pallas_src>

<mosaic_0001>
#map = affine_map<(d0, d1) -> (0, 0)>
#map1 = affine_map<(d0, d1) -> (0, 0, 0)>
module attributes {stable_mosaic.version = 14 : i64} {
  func.func @body(%arg0: i32, %arg1: i32, %arg2: memref<20000x128xf32, #tpu.memory_space<hbm>>, %arg3: memref<32x80x128xi32, #tpu.memory_space<hbm>>, %arg4: memref<32x80x128xi32, #tpu.memory_space<hbm>>, %arg5: memref<20480x128xf32, #tpu.memory_space<hbm>>, %arg6: memref<2x10240xf32, #tpu.memory_space<hbm>>, %arg7: memref<16x128xi32, #tpu.memory_space<vmem>>, %arg8: memref<16x128xi32, #tpu.memory_space<vmem>>, %arg9: memref<128x128xf32, #tpu.memory_space<vmem>>, %arg10: memref<128x128xf32, #tpu.memory_space<vmem>>, %arg11: memref<128xf32, #tpu.memory_space<vmem>>, %arg12: memref<640xf32, #tpu.memory_space<vmem>>, %arg13: memref<10240x128xf32, #tpu.memory_space<vmem_shared>>, %arg14: memref<10240xf32, #tpu.memory_space<vmem_shared>>, %arg15: memref<!tpu.dma_semaphore, #tpu.memory_space<semaphore_mem>>, %arg16: memref<!tpu.dma_semaphore, #tpu.memory_space<semaphore_mem>>, %arg17: memref<!tpu.dma_semaphore, #tpu.memory_space<semaphore_mem>>, %arg18: memref<!tpu.dma_semaphore, #tpu.memory_space<semaphore_mem>>, %arg19: memref<!tpu.dma_semaphore, #tpu.memory_space<semaphore_mem>>, %arg20: memref<!tpu.dma_semaphore, #tpu.memory_space<semaphore_mem>>, %arg21: memref<!tpu.dma_semaphore, #tpu.memory_space<semaphore_mem>>) attributes {dimension_semantics = [#tpu.dimension_semantics<core_parallel>, #tpu.dimension_semantics<subcore_parallel>], iteration_bounds = array<i64: 2, 16>, scalar_prefetch = 0 : i64, scratch_operands = 15 : i64, tpu.core_type = #tpu.core_type<sc_vector_subcore>, window_params = [{transform_indices = #map}, {transform_indices = #map1}, {transform_indices = #map1}, {transform_indices = #map}, {transform_indices = #map}]} {
    %mul3A = arith.constant 16 : i32
    %mul3A_0 = arith.muli %arg0, %mul3A : i32
    %add3A = arith.addi %mul3A_0, %arg1 : i32
    %mul3A_1 = arith.constant 640 : i32
    %mul3A_2 = arith.muli %arg1, %mul3A_1 : i32
    %broadcast_in_dim3A = arith.constant 1.000000e+00 : f32
    %broadcast_in_dim3A_3 = vector.broadcast %broadcast_in_dim3A : f32 to vector<16xf32>
    %scan3A = arith.constant 0 : i32
    %scan3A_4 = arith.constant 0 : i32
    %scan3A_5 = arith.constant 128 : i32
    %scan3A_6 = arith.addi %scan3A_4, %scan3A_5 : i32
    %scan3A_7 = arith.constant 1 : i32
    scf.for %scan3A_219 = %scan3A_4 to %scan3A_6 step %scan3A_7  : i32 {
      %broadcast_in_dim3A_220 = arith.constant 0.000000e+00 : f32
      %broadcast_in_dim3A_221 = vector.broadcast %broadcast_in_dim3A_220 : f32 to vector<16xf32>
      %swap3A = arith.index_cast %scan3A_219 : i32 to index
      %swap3A_222 = arith.constant 0 : index
      %swap3A_223 = tpu.vector_load %arg9[%swap3A, %swap3A_222] {strides = array<i32>} : memref<128x128xf32, #tpu.memory_space<vmem>>, vector<1x16xf32>,
      %swap3A_224 = vector.shape_cast %swap3A_223 : vector<1x16xf32> to vector<16xf32>
      %swap3A_225 = vector.shape_cast %broadcast_in_dim3A_221 : vector<16xf32> to vector<1x16xf32>
      tpu.vector_store %arg9[%swap3A, %swap3A_222], %swap3A_225 {strides = array<i32>} : memref<128x128xf32, #tpu.memory_space<vmem>>, vector<1x16xf32>,
      %broadcast_in_dim3A_226 = arith.constant 0.000000e+00 : f32
      %broadcast_in_dim3A_227 = vector.broadcast %broadcast_in_dim3A_226 : f32 to vector<16xf32>
      %swap3A_228 = arith.index_cast %scan3A_219 : i32 to index
      %swap3A_229 = arith.constant 16 : index
      %swap3A_230 = tpu.vector_load %arg9[%swap3A_228, %swap3A_229] {strides = array<i32>} : memref<128x128xf32, #tpu.memory_space<vmem>>, vector<1x16xf32>,
      %swap3A_231 = vector.shape_cast %swap3A_230 : vector<1x16xf32> to vector<16xf32>
      %swap3A_232 = vector.shape_cast %broadcast_in_dim3A_227 : vector<16xf32> to vector<1x16xf32>
      tpu.vector_store %arg9[%swap3A_228, %swap3A_229], %swap3A_232 {strides = array<i32>} : memref<128x128xf32, #tpu.memory_space<vmem>>, vector<1x16xf32>,
      %broadcast_in_dim3A_233 = arith.constant 0.000000e+00 : f32
      %broadcast_in_dim3A_234 = vector.broadcast %broadcast_in_dim3A_233 : f32 to vector<16xf32>
      %swap3A_235 = arith.index_cast %scan3A_219 : i32 to index
      %swap3A_236 = arith.constant 32 : index
      %swap3A_237 = tpu.vector_load %arg9[%swap3A_235, %swap3A_236] {strides = array<i32>} : memref<128x128xf32, #tpu.memory_space<vmem>>, vector<1x16xf32>,
      %swap3A_238 = vector.shape_cast %swap3A_237 : vector<1x16xf32> to vector<16xf32>
      %swap3A_239 = vector.shape_cast %broadcast_in_dim3A_234 : vector<16xf32> to vector<1x16xf32>
      tpu.vector_store %arg9[%swap3A_235, %swap3A_236], %swap3A_239 {strides = array<i32>} : memref<128x128xf32, #tpu.memory_space<vmem>>, vector<1x16xf32>,
      %broadcast_in_dim3A_240 = arith.constant 0.000000e+00 : f32
      %broadcast_in_dim3A_241 = vector.broadcast %broadcast_in_dim3A_240 : f32 to vector<16xf32>
      %swap3A_242 = arith.index_cast %scan3A_219 : i32 to index
      %swap3A_243 = arith.constant 48 : index
      %swap3A_244 = tpu.vector_load %arg9[%swap3A_242, %swap3A_243] {strides = array<i32>} : memref<128x128xf32, #tpu.memory_space<vmem>>, vector<1x16xf32>,
      %swap3A_245 = vector.shape_cast %swap3A_244 : vector<1x16xf32> to vector<16xf32>
      %swap3A_246 = vector.shape_cast %broadcast_in_dim3A_241 : vector<16xf32> to vector<1x16xf32>
      tpu.vector_store %arg9[%swap3A_242, %swap3A_243], %swap3A_246 {strides = array<i32>} : memref<128x128xf32, #tpu.memory_space<vmem>>, vector<1x16xf32>,
      %broadcast_in_dim3A_247 = arith.constant 0.000000e+00 : f32
      %broadcast_in_dim3A_248 = vector.broadcast %broadcast_in_dim3A_247 : f32 to vector<16xf32>
      %swap3A_249 = arith.index_cast %scan3A_219 : i32 to index
      %swap3A_250 = arith.constant 64 : index
      %swap3A_251 = tpu.vector_load %arg9[%swap3A_249, %swap3A_250] {strides = array<i32>} : memref<128x128xf32, #tpu.memory_space<vmem>>, vector<1x16xf32>,
      %swap3A_252 = vector.shape_cast %swap3A_251 : vector<1x16xf32> to vector<16xf32>
      %swap3A_253 = vector.shape_cast %broadcast_in_dim3A_248 : vector<16xf32> to vector<1x16xf32>
      tpu.vector_store %arg9[%swap3A_249, %swap3A_250], %swap3A_253 {strides = array<i32>} : memref<128x128xf32, #tpu.memory_space<vmem>>, vector<1x16xf32>,
      %broadcast_in_dim3A_254 = arith.constant 0.000000e+00 : f32
      %broadcast_in_dim3A_255 = vector.broadcast %broadcast_in_dim3A_254 : f32 to vector<16xf32>
      %swap3A_256 = arith.index_cast %scan3A_219 : i32 to index
      %swap3A_257 = arith.constant 80 : index
      %swap3A_258 = tpu.vector_load %arg9[%swap3A_256, %swap3A_257] {strides = array<i32>} : memref<128x128xf32, #tpu.memory_space<vmem>>, vector<1x16xf32>,
      %swap3A_259 = vector.shape_cast %swap3A_258 : vector<1x16xf32> to vector<16xf32>
      %swap3A_260 = vector.shape_cast %broadcast_in_dim3A_255 : vector<16xf32> to vector<1x16xf32>
      tpu.vector_store %arg9[%swap3A_256, %swap3A_257], %swap3A_260 {strides = array<i32>} : memref<128x128xf32, #tpu.memory_space<vmem>>, vector<1x16xf32>,
      %broadcast_in_dim3A_261 = arith.constant 0.000000e+00 : f32
      %broadcast_in_dim3A_262 = vector.broadcast %broadcast_in_dim3A_261 : f32 to vector<16xf32>
      %swap3A_263 = arith.index_cast %scan3A_219 : i32 to index
      %swap3A_264 = arith.constant 96 : index
      %swap3A_265 = tpu.vector_load %arg9[%swap3A_263, %swap3A_264] {strides = array<i32>} : memref<128x128xf32, #tpu.memory_space<vmem>>, vector<1x16xf32>,
      %swap3A_266 = vector.shape_cast %swap3A_265 : vector<1x16xf32> to vector<16xf32>
      %swap3A_267 = vector.shape_cast %broadcast_in_dim3A_262 : vector<16xf32> to vector<1x16xf32>
      tpu.vector_store %arg9[%swap3A_263, %swap3A_264], %swap3A_267 {strides = array<i32>} : memref<128x128xf32, #tpu.memory_space<vmem>>, vector<1x16xf32>,
      %broadcast_in_dim3A_268 = arith.constant 0.000000e+00 : f32
      %broadcast_in_dim3A_269 = vector.broadcast %broadcast_in_dim3A_268 : f32 to vector<16xf32>
      %swap3A_270 = arith.index_cast %scan3A_219 : i32 to index
      %swap3A_271 = arith.constant 112 : index
      %swap3A_272 = tpu.vector_load %arg9[%swap3A_270, %swap3A_271] {strides = array<i32>} : memref<128x128xf32, #tpu.memory_space<vmem>>, vector<1x16xf32>,
      %swap3A_273 = vector.shape_cast %swap3A_272 : vector<1x16xf32> to vector<16xf32>
      %swap3A_274 = vector.shape_cast %broadcast_in_dim3A_269 : vector<16xf32> to vector<1x16xf32>
      tpu.vector_store %arg9[%swap3A_270, %swap3A_271], %swap3A_274 {strides = array<i32>} : memref<128x128xf32, #tpu.memory_space<vmem>>, vector<1x16xf32>,
    }
    %scan3A_8 = arith.constant 128 : i32
    %scan3A_9 = arith.constant 0 : i32
    %scan3A_10 = arith.constant 0 : i32
    %scan3A_11 = arith.constant 8 : i32
    %scan3A_12 = arith.addi %scan3A_10, %scan3A_11 : i32
    %scan3A_13 = arith.constant 1 : i32
    scf.for %scan3A_219 = %scan3A_10 to %scan3A_12 step %scan3A_13  : i32 {
      %broadcast_in_dim3A_220 = arith.constant 0.000000e+00 : f32
      %broadcast_in_dim3A_221 = vector.broadcast %broadcast_in_dim3A_220 : f32 to vector<16xf32>
      %mul3A_222 = arith.constant 16 : i32
      %mul3A_223 = arith.muli %scan3A_219, %mul3A_222 : i32
      %swap3A = arith.index_cast %mul3A_223 : i32 to index
      %swap3A_224 = tpu.vector_load %arg11[%swap3A] {strides = array<i32>} : memref<128xf32, #tpu.memory_space<vmem>>, vector<16xf32>,
      %swap3A_225 = vector.shape_cast %swap3A_224 : vector<16xf32> to vector<16xf32>
      %swap3A_226 = vector.shape_cast %broadcast_in_dim3A_221 : vector<16xf32> to vector<16xf32>
      tpu.vector_store %arg11[%swap3A], %swap3A_226 {strides = array<i32>} : memref<128xf32, #tpu.memory_space<vmem>>, vector<16xf32>,
    }
    %scan3A_14 = arith.constant 8 : i32
    %add3A_15 = arith.constant 0 : i32
    %add3A_16 = arith.addi %mul3A_2, %add3A_15 : i32
    %dma_start3A = arith.constant 0 : i32
    %dma_start3A_17 = tpu.memref_slice %arg13[%add3A_16, %dma_start3A] : memref<10240x128xf32, #tpu.memory_space<vmem_shared>> -> memref<128x128xf32, #tpu.memory_space<vmem_shared>>
    %dma_start3A_18 = arith.constant 0 : i32
    %dma_start3A_19 = tpu.memref_slice %arg13[%add3A_16, %dma_start3A_18] : memref<10240x128xf32, #tpu.memory_space<vmem_shared>> -> memref<128x128xf32, #tpu.memory_space<vmem_shared>>
    tpu.enqueue_dma source(%arg9 : memref<128x128xf32, #tpu.memory_space<vmem>>) target(%dma_start3A_19 : memref<128x128xf32, #tpu.memory_space<vmem_shared>>) target_semaphore(%arg17 : memref<!tpu.dma_semaphore, #tpu.memory_space<semaphore_mem>>)
    %add3A_20 = arith.constant 128 : i32
    %add3A_21 = arith.addi %mul3A_2, %add3A_20 : i32
    %dma_start3A_22 = arith.constant 0 : i32
    %dma_start3A_23 = tpu.memref_slice %arg13[%add3A_21, %dma_start3A_22] : memref<10240x128xf32, #tpu.memory_space<vmem_shared>> -> memref<128x128xf32, #tpu.memory_space<vmem_shared>>
    %dma_start3A_24 = arith.constant 0 : i32
    %dma_start3A_25 = tpu.memref_slice %arg13[%add3A_21, %dma_start3A_24] : memref<10240x128xf32, #tpu.memory_space<vmem_shared>> -> memref<128x128xf32, #tpu.memory_space<vmem_shared>>
    tpu.enqueue_dma source(%arg9 : memref<128x128xf32, #tpu.memory_space<vmem>>) target(%dma_start3A_25 : memref<128x128xf32, #tpu.memory_space<vmem_shared>>) target_semaphore(%arg17 : memref<!tpu.dma_semaphore, #tpu.memory_space<semaphore_mem>>)
    %add3A_26 = arith.constant 256 : i32
    %add3A_27 = arith.addi %mul3A_2, %add3A_26 : i32
    %dma_start3A_28 = arith.constant 0 : i32
    %dma_start3A_29 = tpu.memref_slice %arg13[%add3A_27, %dma_start3A_28] : memref<10240x128xf32, #tpu.memory_space<vmem_shared>> -> memref<128x128xf32, #tpu.memory_space<vmem_shared>>
    %dma_start3A_30 = arith.constant 0 : i32
    %dma_start3A_31 = tpu.memref_slice %arg13[%add3A_27, %dma_start3A_30] : memref<10240x128xf32, #tpu.memory_space<vmem_shared>> -> memref<128x128xf32, #tpu.memory_space<vmem_shared>>
    tpu.enqueue_dma source(%arg9 : memref<128x128xf32, #tpu.memory_space<vmem>>) target(%dma_start3A_31 : memref<128x128xf32, #tpu.memory_space<vmem_shared>>) target_semaphore(%arg17 : memref<!tpu.dma_semaphore, #tpu.memory_space<semaphore_mem>>)
    %add3A_32 = arith.constant 384 : i32
    %add3A_33 = arith.addi %mul3A_2, %add3A_32 : i32
    %dma_start3A_34 = arith.constant 0 : i32
    %dma_start3A_35 = tpu.memref_slice %arg13[%add3A_33, %dma_start3A_34] : memref<10240x128xf32, #tpu.memory_space<vmem_shared>> -> memref<128x128xf32, #tpu.memory_space<vmem_shared>>
    %dma_start3A_36 = arith.constant 0 : i32
    %dma_start3A_37 = tpu.memref_slice %arg13[%add3A_33, %dma_start3A_36] : memref<10240x128xf32, #tpu.memory_space<vmem_shared>> -> memref<128x128xf32, #tpu.memory_space<vmem_shared>>
    tpu.enqueue_dma source(%arg9 : memref<128x128xf32, #tpu.memory_space<vmem>>) target(%dma_start3A_37 : memref<128x128xf32, #tpu.memory_space<vmem_shared>>) target_semaphore(%arg17 : memref<!tpu.dma_semaphore, #tpu.memory_space<semaphore_mem>>)
    %add3A_38 = arith.constant 512 : i32
    %add3A_39 = arith.addi %mul3A_2, %add3A_38 : i32
    %dma_start3A_40 = arith.constant 0 : i32
    %dma_start3A_41 = tpu.memref_slice %arg13[%add3A_39, %dma_start3A_40] : memref<10240x128xf32, #tpu.memory_space<vmem_shared>> -> memref<128x128xf32, #tpu.memory_space<vmem_shared>>
    %dma_start3A_42 = arith.constant 0 : i32
    %dma_start3A_43 = tpu.memref_slice %arg13[%add3A_39, %dma_start3A_42] : memref<10240x128xf32, #tpu.memory_space<vmem_shared>> -> memref<128x128xf32, #tpu.memory_space<vmem_shared>>
    tpu.enqueue_dma source(%arg9 : memref<128x128xf32, #tpu.memory_space<vmem>>) target(%dma_start3A_43 : memref<128x128xf32, #tpu.memory_space<vmem_shared>>) target_semaphore(%arg17 : memref<!tpu.dma_semaphore, #tpu.memory_space<semaphore_mem>>)
    %add3A_44 = arith.constant 0 : i32
    %add3A_45 = arith.addi %mul3A_2, %add3A_44 : i32
    %dma_start3A_46 = tpu.memref_slice %arg14[%add3A_45] : memref<10240xf32, #tpu.memory_space<vmem_shared>> -> memref<128xf32, #tpu.memory_space<vmem_shared>>
    %dma_start3A_47 = tpu.memref_slice %arg14[%add3A_45] : memref<10240xf32, #tpu.memory_space<vmem_shared>> -> memref<128xf32, #tpu.memory_space<vmem_shared>>
    tpu.enqueue_dma source(%arg11 : memref<128xf32, #tpu.memory_space<vmem>>) target(%dma_start3A_47 : memref<128xf32, #tpu.memory_space<vmem_shared>>) target_semaphore(%arg19 : memref<!tpu.dma_semaphore, #tpu.memory_space<semaphore_mem>>)
    %add3A_48 = arith.constant 128 : i32
    %add3A_49 = arith.addi %mul3A_2, %add3A_48 : i32
    %dma_start3A_50 = tpu.memref_slice %arg14[%add3A_49] : memref<10240xf32, #tpu.memory_space<vmem_shared>> -> memref<128xf32, #tpu.memory_space<vmem_shared>>
    %dma_start3A_51 = tpu.memref_slice %arg14[%add3A_49] : memref<10240xf32, #tpu.memory_space<vmem_shared>> -> memref<128xf32, #tpu.memory_space<vmem_shared>>
    tpu.enqueue_dma source(%arg11 : memref<128xf32, #tpu.memory_space<vmem>>) target(%dma_start3A_51 : memref<128xf32, #tpu.memory_space<vmem_shared>>) target_semaphore(%arg19 : memref<!tpu.dma_semaphore, #tpu.memory_space<semaphore_mem>>)
    %add3A_52 = arith.constant 256 : i32
    %add3A_53 = arith.addi %mul3A_2, %add3A_52 : i32
    %dma_start3A_54 = tpu.memref_slice %arg14[%add3A_53] : memref<10240xf32, #tpu.memory_space<vmem_shared>> -> memref<128xf32, #tpu.memory_space<vmem_shared>>
    %dma_start3A_55 = tpu.memref_slice %arg14[%add3A_53] : memref<10240xf32, #tpu.memory_space<vmem_shared>> -> memref<128xf32, #tpu.memory_space<vmem_shared>>
    tpu.enqueue_dma source(%arg11 : memref<128xf32, #tpu.memory_space<vmem>>) target(%dma_start3A_55 : memref<128xf32, #tpu.memory_space<vmem_shared>>) target_semaphore(%arg19 : memref<!tpu.dma_semaphore, #tpu.memory_space<semaphore_mem>>)
    %add3A_56 = arith.constant 384 : i32
    %add3A_57 = arith.addi %mul3A_2, %add3A_56 : i32
    %dma_start3A_58 = tpu.memref_slice %arg14[%add3A_57] : memref<10240xf32, #tpu.memory_space<vmem_shared>> -> memref<128xf32, #tpu.memory_space<vmem_shared>>
    %dma_start3A_59 = tpu.memref_slice %arg14[%add3A_57] : memref<10240xf32, #tpu.memory_space<vmem_shared>> -> memref<128xf32, #tpu.memory_space<vmem_shared>>
    tpu.enqueue_dma source(%arg11 : memref<128xf32, #tpu.memory_space<vmem>>) target(%dma_start3A_59 : memref<128xf32, #tpu.memory_space<vmem_shared>>) target_semaphore(%arg19 : memref<!tpu.dma_semaphore, #tpu.memory_space<semaphore_mem>>)
    %add3A_60 = arith.constant 512 : i32
    %add3A_61 = arith.addi %mul3A_2, %add3A_60 : i32
    %dma_start3A_62 = tpu.memref_slice %arg14[%add3A_61] : memref<10240xf32, #tpu.memory_space<vmem_shared>> -> memref<128xf32, #tpu.memory_space<vmem_shared>>
    %dma_start3A_63 = tpu.memref_slice %arg14[%add3A_61] : memref<10240xf32, #tpu.memory_space<vmem_shared>> -> memref<128xf32, #tpu.memory_space<vmem_shared>>
    tpu.enqueue_dma source(%arg11 : memref<128xf32, #tpu.memory_space<vmem>>) target(%dma_start3A_63 : memref<128xf32, #tpu.memory_space<vmem_shared>>) target_semaphore(%arg19 : memref<!tpu.dma_semaphore, #tpu.memory_space<semaphore_mem>>)
    %dma_wait3A = arith.constant 0 : i32
    %dma_wait3A_64 = tpu.memref_slice %arg13[%add3A_16, %dma_wait3A] : memref<10240x128xf32, #tpu.memory_space<vmem_shared>> -> memref<128x128xf32, #tpu.memory_space<vmem_shared>>
    %dma_wait3A_65 = arith.constant 0 : i32
    %dma_wait3A_66 = tpu.memref_slice %arg13[%add3A_16, %dma_wait3A_65] : memref<10240x128xf32, #tpu.memory_space<vmem_shared>> -> memref<128x128xf32, #tpu.memory_space<vmem_shared>>
    tpu.wait_dma2 semaphore(%arg17 : memref<!tpu.dma_semaphore, #tpu.memory_space<semaphore_mem>>) src(%arg9 : memref<128x128xf32, #tpu.memory_space<vmem>>) dst(%dma_wait3A_66 : memref<128x128xf32, #tpu.memory_space<vmem_shared>>)
    %dma_wait3A_67 = arith.constant 0 : i32
    %dma_wait3A_68 = tpu.memref_slice %arg13[%add3A_21, %dma_wait3A_67] : memref<10240x128xf32, #tpu.memory_space<vmem_shared>> -> memref<128x128xf32, #tpu.memory_space<vmem_shared>>
    %dma_wait3A_69 = arith.constant 0 : i32
    %dma_wait3A_70 = tpu.memref_slice %arg13[%add3A_21, %dma_wait3A_69] : memref<10240x128xf32, #tpu.memory_space<vmem_shared>> -> memref<128x128xf32, #tpu.memory_space<vmem_shared>>
    tpu.wait_dma2 semaphore(%arg17 : memref<!tpu.dma_semaphore, #tpu.memory_space<semaphore_mem>>) src(%arg9 : memref<128x128xf32, #tpu.memory_space<vmem>>) dst(%dma_wait3A_70 : memref<128x128xf32, #tpu.memory_space<vmem_shared>>)
    %dma_wait3A_71 = arith.constant 0 : i32
    %dma_wait3A_72 = tpu.memref_slice %arg13[%add3A_27, %dma_wait3A_71] : memref<10240x128xf32, #tpu.memory_space<vmem_shared>> -> memref<128x128xf32, #tpu.memory_space<vmem_shared>>
    %dma_wait3A_73 = arith.constant 0 : i32
    %dma_wait3A_74 = tpu.memref_slice %arg13[%add3A_27, %dma_wait3A_73] : memref<10240x128xf32, #tpu.memory_space<vmem_shared>> -> memref<128x128xf32, #tpu.memory_space<vmem_shared>>
    tpu.wait_dma2 semaphore(%arg17 : memref<!tpu.dma_semaphore, #tpu.memory_space<semaphore_mem>>) src(%arg9 : memref<128x128xf32, #tpu.memory_space<vmem>>) dst(%dma_wait3A_74 : memref<128x128xf32, #tpu.memory_space<vmem_shared>>)
    %dma_wait3A_75 = arith.constant 0 : i32
    %dma_wait3A_76 = tpu.memref_slice %arg13[%add3A_33, %dma_wait3A_75] : memref<10240x128xf32, #tpu.memory_space<vmem_shared>> -> memref<128x128xf32, #tpu.memory_space<vmem_shared>>
    %dma_wait3A_77 = arith.constant 0 : i32
    %dma_wait3A_78 = tpu.memref_slice %arg13[%add3A_33, %dma_wait3A_77] : memref<10240x128xf32, #tpu.memory_space<vmem_shared>> -> memref<128x128xf32, #tpu.memory_space<vmem_shared>>
    tpu.wait_dma2 semaphore(%arg17 : memref<!tpu.dma_semaphore, #tpu.memory_space<semaphore_mem>>) src(%arg9 : memref<128x128xf32, #tpu.memory_space<vmem>>) dst(%dma_wait3A_78 : memref<128x128xf32, #tpu.memory_space<vmem_shared>>)
    %dma_wait3A_79 = arith.constant 0 : i32
    %dma_wait3A_80 = tpu.memref_slice %arg13[%add3A_39, %dma_wait3A_79] : memref<10240x128xf32, #tpu.memory_space<vmem_shared>> -> memref<128x128xf32, #tpu.memory_space<vmem_shared>>
    %dma_wait3A_81 = arith.constant 0 : i32
    %dma_wait3A_82 = tpu.memref_slice %arg13[%add3A_39, %dma_wait3A_81] : memref<10240x128xf32, #tpu.memory_space<vmem_shared>> -> memref<128x128xf32, #tpu.memory_space<vmem_shared>>
    tpu.wait_dma2 semaphore(%arg17 : memref<!tpu.dma_semaphore, #tpu.memory_space<semaphore_mem>>) src(%arg9 : memref<128x128xf32, #tpu.memory_space<vmem>>) dst(%dma_wait3A_82 : memref<128x128xf32, #tpu.memory_space<vmem_shared>>)
    %dma_wait3A_83 = tpu.memref_slice %arg14[%add3A_45] : memref<10240xf32, #tpu.memory_space<vmem_shared>> -> memref<128xf32, #tpu.memory_space<vmem_shared>>
    %dma_wait3A_84 = tpu.memref_slice %arg14[%add3A_45] : memref<10240xf32, #tpu.memory_space<vmem_shared>> -> memref<128xf32, #tpu.memory_space<vmem_shared>>
    tpu.wait_dma2 semaphore(%arg19 : memref<!tpu.dma_semaphore, #tpu.memory_space<semaphore_mem>>) src(%arg11 : memref<128xf32, #tpu.memory_space<vmem>>) dst(%dma_wait3A_84 : memref<128xf32, #tpu.memory_space<vmem_shared>>)
    %dma_wait3A_85 = tpu.memref_slice %arg14[%add3A_49] : memref<10240xf32, #tpu.memory_space<vmem_shared>> -> memref<128xf32, #tpu.memory_space<vmem_shared>>
    %dma_wait3A_86 = tpu.memref_slice %arg14[%add3A_49] : memref<10240xf32, #tpu.memory_space<vmem_shared>> -> memref<128xf32, #tpu.memory_space<vmem_shared>>
    tpu.wait_dma2 semaphore(%arg19 : memref<!tpu.dma_semaphore, #tpu.memory_space<semaphore_mem>>) src(%arg11 : memref<128xf32, #tpu.memory_space<vmem>>) dst(%dma_wait3A_86 : memref<128xf32, #tpu.memory_space<vmem_shared>>)
    %dma_wait3A_87 = tpu.memref_slice %arg14[%add3A_53] : memref<10240xf32, #tpu.memory_space<vmem_shared>> -> memref<128xf32, #tpu.memory_space<vmem_shared>>
    %dma_wait3A_88 = tpu.memref_slice %arg14[%add3A_53] : memref<10240xf32, #tpu.memory_space<vmem_shared>> -> memref<128xf32, #tpu.memory_space<vmem_shared>>
    tpu.wait_dma2 semaphore(%arg19 : memref<!tpu.dma_semaphore, #tpu.memory_space<semaphore_mem>>) src(%arg11 : memref<128xf32, #tpu.memory_space<vmem>>) dst(%dma_wait3A_88 : memref<128xf32, #tpu.memory_space<vmem_shared>>)
    %dma_wait3A_89 = tpu.memref_slice %arg14[%add3A_57] : memref<10240xf32, #tpu.memory_space<vmem_shared>> -> memref<128xf32, #tpu.memory_space<vmem_shared>>
    %dma_wait3A_90 = tpu.memref_slice %arg14[%add3A_57] : memref<10240xf32, #tpu.memory_space<vmem_shared>> -> memref<128xf32, #tpu.memory_space<vmem_shared>>
    tpu.wait_dma2 semaphore(%arg19 : memref<!tpu.dma_semaphore, #tpu.memory_space<semaphore_mem>>) src(%arg11 : memref<128xf32, #tpu.memory_space<vmem>>) dst(%dma_wait3A_90 : memref<128xf32, #tpu.memory_space<vmem_shared>>)
    %dma_wait3A_91 = tpu.memref_slice %arg14[%add3A_61] : memref<10240xf32, #tpu.memory_space<vmem_shared>> -> memref<128xf32, #tpu.memory_space<vmem_shared>>
    %dma_wait3A_92 = tpu.memref_slice %arg14[%add3A_61] : memref<10240xf32, #tpu.memory_space<vmem_shared>> -> memref<128xf32, #tpu.memory_space<vmem_shared>>
    tpu.wait_dma2 semaphore(%arg19 : memref<!tpu.dma_semaphore, #tpu.memory_space<semaphore_mem>>) src(%arg11 : memref<128xf32, #tpu.memory_space<vmem>>) dst(%dma_wait3A_92 : memref<128xf32, #tpu.memory_space<vmem_shared>>)
    %scan3A_93 = arith.constant 0 : i32
    %scan3A_94 = arith.constant 0 : i32
    %scan3A_95 = arith.constant 8 : i32
    %scan3A_96 = arith.addi %scan3A_94, %scan3A_95 : i32
    %scan3A_97 = arith.constant 1 : i32
    scf.for %scan3A_219 = %scan3A_94 to %scan3A_96 step %scan3A_97  : i32 {
      %mul3A_220 = arith.constant 16 : i32
      %mul3A_221 = arith.muli %scan3A_219, %mul3A_220 : i32
      %swap3A = arith.index_cast %mul3A_221 : i32 to index
      %swap3A_222 = tpu.vector_load %arg11[%swap3A] {strides = array<i32>} : memref<128xf32, #tpu.memory_space<vmem>>, vector<16xf32>,
      %swap3A_223 = vector.shape_cast %swap3A_222 : vector<16xf32> to vector<16xf32>
      %swap3A_224 = vector.shape_cast %broadcast_in_dim3A_3 : vector<16xf32> to vector<16xf32>
      tpu.vector_store %arg11[%swap3A], %swap3A_224 {strides = array<i32>} : memref<128xf32, #tpu.memory_space<vmem>>, vector<16xf32>,
    }
    %scan3A_98 = arith.constant 8 : i32
    %barrier3A = arith.constant 0 : index
    tpu.barrier barrier_id(%barrier3A)
    %scan3A_99 = arith.constant 0 : i32
    %scan3A_100 = arith.constant 0 : i32
    %scan3A_101 = arith.constant 5 : i32
    %scan3A_102 = arith.addi %scan3A_100, %scan3A_101 : i32
    %scan3A_103 = arith.constant 1 : i32
    scf.for %scan3A_219 = %scan3A_100 to %scan3A_102 step %scan3A_103  : i32 {
      %mul3A_220 = arith.constant 16 : i32
      %mul3A_221 = arith.muli %scan3A_219, %mul3A_220 : i32
      %dma_start3A_222 = arith.constant 0 : i32
      %dma_start3A_223 = tpu.memref_slice %arg3[%add3A, %mul3A_221, %dma_start3A_222] : memref<32x80x128xi32, #tpu.memory_space<hbm>> -> memref<1x16x128xi32, #tpu.memory_space<hbm>>
      %dma_start3A_224 = tpu.memref_squeeze %dma_start3A_223 : memref<1x16x128xi32, #tpu.memory_space<hbm>> -> memref<16x128xi32, #tpu.memory_space<hbm>>
      %dma_start3A_225 = arith.constant 0 : i32
      %dma_start3A_226 = tpu.memref_slice %arg3[%add3A, %mul3A_221, %dma_start3A_225] : memref<32x80x128xi32, #tpu.memory_space<hbm>> -> memref<1x16x128xi32, #tpu.memory_space<hbm>>
      %dma_start3A_227 = tpu.memref_squeeze %dma_start3A_226 : memref<1x16x128xi32, #tpu.memory_space<hbm>> -> memref<16x128xi32, #tpu.memory_space<hbm>>
      tpu.enqueue_dma source(%dma_start3A_227 : memref<16x128xi32, #tpu.memory_space<hbm>>) target(%arg7 : memref<16x128xi32, #tpu.memory_space<vmem>>) target_semaphore(%arg15 : memref<!tpu.dma_semaphore, #tpu.memory_space<semaphore_mem>>)
      %mul3A_228 = arith.constant 16 : i32
      %mul3A_229 = arith.muli %scan3A_219, %mul3A_228 : i32
      %dma_start3A_230 = arith.constant 0 : i32
      %dma_start3A_231 = tpu.memref_slice %arg4[%add3A, %mul3A_229, %dma_start3A_230] : memref<32x80x128xi32, #tpu.memory_space<hbm>> -> memref<1x16x128xi32, #tpu.memory_space<hbm>>
      %dma_start3A_232 = tpu.memref_squeeze %dma_start3A_231 : memref<1x16x128xi32, #tpu.memory_space<hbm>> -> memref<16x128xi32, #tpu.memory_space<hbm>>
      %dma_start3A_233 = arith.constant 0 : i32
      %dma_start3A_234 = tpu.memref_slice %arg4[%add3A, %mul3A_229, %dma_start3A_233] : memref<32x80x128xi32, #tpu.memory_space<hbm>> -> memref<1x16x128xi32, #tpu.memory_space<hbm>>
      %dma_start3A_235 = tpu.memref_squeeze %dma_start3A_234 : memref<1x16x128xi32, #tpu.memory_space<hbm>> -> memref<16x128xi32, #tpu.memory_space<hbm>>
      tpu.enqueue_dma source(%dma_start3A_235 : memref<16x128xi32, #tpu.memory_space<hbm>>) target(%arg8 : memref<16x128xi32, #tpu.memory_space<vmem>>) target_semaphore(%arg15 : memref<!tpu.dma_semaphore, #tpu.memory_space<semaphore_mem>>)
      %dma_wait3A_236 = arith.constant 0 : i32
      %dma_wait3A_237 = tpu.memref_slice %arg3[%add3A, %mul3A_221, %dma_wait3A_236] : memref<32x80x128xi32, #tpu.memory_space<hbm>> -> memref<1x16x128xi32, #tpu.memory_space<hbm>>
      %dma_wait3A_238 = tpu.memref_squeeze %dma_wait3A_237 : memref<1x16x128xi32, #tpu.memory_space<hbm>> -> memref<16x128xi32, #tpu.memory_space<hbm>>
      %dma_wait3A_239 = arith.constant 0 : i32
      %dma_wait3A_240 = tpu.memref_slice %arg3[%add3A, %mul3A_221, %dma_wait3A_239] : memref<32x80x128xi32, #tpu.memory_space<hbm>> -> memref<1x16x128xi32, #tpu.memory_space<hbm>>
      %dma_wait3A_241 = tpu.memref_squeeze %dma_wait3A_240 : memref<1x16x128xi32, #tpu.memory_space<hbm>> -> memref<16x128xi32, #tpu.memory_space<hbm>>
      tpu.wait_dma2 semaphore(%arg15 : memref<!tpu.dma_semaphore, #tpu.memory_space<semaphore_mem>>) src(%dma_wait3A_241 : memref<16x128xi32, #tpu.memory_space<hbm>>) dst(%arg7 : memref<16x128xi32, #tpu.memory_space<vmem>>)
      %dma_wait3A_242 = arith.constant 0 : i32
      %dma_wait3A_243 = tpu.memref_slice %arg4[%add3A, %mul3A_229, %dma_wait3A_242] : memref<32x80x128xi32, #tpu.memory_space<hbm>> -> memref<1x16x128xi32, #tpu.memory_space<hbm>>
      %dma_wait3A_244 = tpu.memref_squeeze %dma_wait3A_243 : memref<1x16x128xi32, #tpu.memory_space<hbm>> -> memref<16x128xi32, #tpu.memory_space<hbm>>
      %dma_wait3A_245 = arith.constant 0 : i32
      %dma_wait3A_246 = tpu.memref_slice %arg4[%add3A, %mul3A_229, %dma_wait3A_245] : memref<32x80x128xi32, #tpu.memory_space<hbm>> -> memref<1x16x128xi32, #tpu.memory_space<hbm>>
      %dma_wait3A_247 = tpu.memref_squeeze %dma_wait3A_246 : memref<1x16x128xi32, #tpu.memory_space<hbm>> -> memref<16x128xi32, #tpu.memory_space<hbm>>
      tpu.wait_dma2 semaphore(%arg15 : memref<!tpu.dma_semaphore, #tpu.memory_space<semaphore_mem>>) src(%dma_wait3A_247 : memref<16x128xi32, #tpu.memory_space<hbm>>) dst(%arg8 : memref<16x128xi32, #tpu.memory_space<vmem>>)
      %dma_start3A_248 = arith.constant 0 : i32
      %dma_start3A_249 = arith.constant 0 : i32
      %dma_start3A_250 = tpu.memref_slice %arg7[%dma_start3A_248, %dma_start3A_249] : memref<16x128xi32, #tpu.memory_space<vmem>> -> memref<1x128xi32, #tpu.memory_space<vmem>>
      %dma_start3A_251 = tpu.memref_squeeze %dma_start3A_250 : memref<1x128xi32, #tpu.memory_space<vmem>> -> memref<128xi32, #tpu.memory_space<vmem>>
      %dma_start3A_252 = arith.constant 0 : i32
      %dma_start3A_253 = arith.constant 0 : i32
      %dma_start3A_254 = tpu.memref_slice %arg2[%dma_start3A_252, %dma_start3A_253] : memref<20000x128xf32, #tpu.memory_space<hbm>> -> memref<20000x128xf32, #tpu.memory_space<hbm>>
      tpu.enqueue_indirect_dma source(%dma_start3A_254 : memref<20000x128xf32, #tpu.memory_space<hbm>>) target(%arg9 : memref<128x128xf32, #tpu.memory_space<vmem>>) offsets(%dma_start3A_251 : memref<128xi32, #tpu.memory_space<vmem>>) semaphore(%arg16 : memref<!tpu.dma_semaphore, #tpu.memory_space<semaphore_mem>>)
      %dma_wait3A_255 = arith.constant 0 : i32
      %dma_wait3A_256 = arith.constant 0 : i32
      %dma_wait3A_257 = tpu.memref_slice %arg7[%dma_wait3A_255, %dma_wait3A_256] : memref<16x128xi32, #tpu.memory_space<vmem>> -> memref<1x128xi32, #tpu.memory_space<vmem>>
      %dma_wait3A_258 = tpu.memref_squeeze %dma_wait3A_257 : memref<1x128xi32, #tpu.memory_space<vmem>> -> memref<128xi32, #tpu.memory_space<vmem>>
      %dma_wait3A_259 = arith.constant 0 : i32
      %dma_wait3A_260 = arith.constant 0 : i32
      %dma_wait3A_261 = tpu.memref_slice %arg2[%dma_wait3A_259, %dma_wait3A_260] : memref<20000x128xf32, #tpu.memory_space<hbm>> -> memref<20000x128xf32, #tpu.memory_space<hbm>>
      tpu.wait_indirect_dma semaphore(%arg16 : memref<!tpu.dma_semaphore, #tpu.memory_space<semaphore_mem>>) src(%dma_wait3A_261 : memref<20000x128xf32, #tpu.memory_space<hbm>>) dst(%arg9 : memref<128x128xf32, #tpu.memory_space<vmem>>)
      %dma_start3A_262 = arith.constant 1 : i32
      %dma_start3A_263 = arith.constant 0 : i32
      %dma_start3A_264 = tpu.memref_slice %arg7[%dma_start3A_262, %dma_start3A_263] : memref<16x128xi32, #tpu.memory_space<vmem>> -> memref<1x128xi32, #tpu.memory_space<vmem>>
      %dma_start3A_265 = tpu.memref_squeeze %dma_start3A_264 : memref<1x128xi32, #tpu.memory_space<vmem>> -> memref<128xi32, #tpu.memory_space<vmem>>
      %dma_start3A_266 = arith.constant 0 : i32
      %dma_start3A_267 = arith.constant 0 : i32
      %dma_start3A_268 = tpu.memref_slice %arg2[%dma_start3A_266, %dma_start3A_267] : memref<20000x128xf32, #tpu.memory_space<hbm>> -> memref<20000x128xf32, #tpu.memory_space<hbm>>
      tpu.enqueue_indirect_dma source(%dma_start3A_268 : memref<20000x128xf32, #tpu.memory_space<hbm>>) target(%arg10 : memref<128x128xf32, #tpu.memory_space<vmem>>) offsets(%dma_start3A_265 : memref<128xi32, #tpu.memory_space<vmem>>) semaphore(%arg16 : memref<!tpu.dma_semaphore, #tpu.memory_space<semaphore_mem>>)
      %dma_start3A_269 = arith.constant 0 : i32
      %dma_start3A_270 = arith.constant 0 : i32
      %dma_start3A_271 = tpu.memref_slice %arg8[%dma_start3A_269, %dma_start3A_270] : memref<16x128xi32, #tpu.memory_space<vmem>> -> memref<1x128xi32, #tpu.memory_space<vmem>>
      %dma_start3A_272 = tpu.memref_squeeze %dma_start3A_271 : memref<1x128xi32, #tpu.memory_space<vmem>> -> memref<128xi32, #tpu.memory_space<vmem>>
      %dma_start3A_273 = arith.constant 0 : i32
      %dma_start3A_274 = arith.constant 0 : i32
      %dma_start3A_275 = tpu.memref_slice %arg13[%dma_start3A_273, %dma_start3A_274] : memref<10240x128xf32, #tpu.memory_space<vmem_shared>> -> memref<10240x128xf32, #tpu.memory_space<vmem_shared>>
      tpu.enqueue_indirect_dma source(%arg9 : memref<128x128xf32, #tpu.memory_space<vmem>>) target(%dma_start3A_275 : memref<10240x128xf32, #tpu.memory_space<vmem_shared>>) offsets(%dma_start3A_272 : memref<128xi32, #tpu.memory_space<vmem>>) semaphore(%arg17 : memref<!tpu.dma_semaphore, #tpu.memory_space<semaphore_mem>>) {add = true}
      %dma_start3A_276 = arith.constant 0 : i32
      %dma_start3A_277 = arith.constant 0 : i32
      %dma_start3A_278 = tpu.memref_slice %arg8[%dma_start3A_276, %dma_start3A_277] : memref<16x128xi32, #tpu.memory_space<vmem>> -> memref<1x128xi32, #tpu.memory_space<vmem>>
      %dma_start3A_279 = tpu.memref_squeeze %dma_start3A_278 : memref<1x128xi32, #tpu.memory_space<vmem>> -> memref<128xi32, #tpu.memory_space<vmem>>
      %dma_start3A_280 = arith.constant 0 : i32
      %dma_start3A_281 = tpu.memref_slice %arg14[%dma_start3A_280] : memref<10240xf32, #tpu.memory_space<vmem_shared>> -> memref<10240xf32, #tpu.memory_space<vmem_shared>>
      tpu.enqueue_indirect_dma source(%arg11 : memref<128xf32, #tpu.memory_space<vmem>>) target(%dma_start3A_281 : memref<10240xf32, #tpu.memory_space<vmem_shared>>) offsets(%dma_start3A_279 : memref<128xi32, #tpu.memory_space<vmem>>) semaphore(%arg19 : memref<!tpu.dma_semaphore, #tpu.memory_space<semaphore_mem>>) {add = true}
      %dma_wait3A_282 = arith.constant 0 : i32
      %dma_wait3A_283 = arith.constant 0 : i32
      %dma_wait3A_284 = tpu.memref_slice %arg8[%dma_wait3A_282, %dma_wait3A_283] : memref<16x128xi32, #tpu.memory_space<vmem>> -> memref<1x128xi32, #tpu.memory_space<vmem>>
      %dma_wait3A_285 = tpu.memref_squeeze %dma_wait3A_284 : memref<1x128xi32, #tpu.memory_space<vmem>> -> memref<128xi32, #tpu.memory_space<vmem>>
      %dma_wait3A_286 = arith.constant 0 : i32
      %dma_wait3A_287 = arith.constant 0 : i32
      %dma_wait3A_288 = tpu.memref_slice %arg13[%dma_wait3A_286, %dma_wait3A_287] : memref<10240x128xf32, #tpu.memory_space<vmem_shared>> -> memref<10240x128xf32, #tpu.memory_space<vmem_shared>>
      tpu.wait_indirect_dma semaphore(%arg17 : memref<!tpu.dma_semaphore, #tpu.memory_space<semaphore_mem>>) src(%arg9 : memref<128x128xf32, #tpu.memory_space<vmem>>) dst(%dma_wait3A_288 : memref<10240x128xf32, #tpu.memory_space<vmem_shared>>)
      %dma_wait3A_289 = arith.constant 0 : i32
      %dma_wait3A_290 = arith.constant 0 : i32
      %dma_wait3A_291 = tpu.memref_slice %arg8[%dma_wait3A_289, %dma_wait3A_290] : memref<16x128xi32, #tpu.memory_space<vmem>> -> memref<1x128xi32, #tpu.memory_space<vmem>>
      %dma_wait3A_292 = tpu.memref_squeeze %dma_wait3A_291 : memref<1x128xi32, #tpu.memory_space<vmem>> -> memref<128xi32, #tpu.memory_space<vmem>>
      %dma_wait3A_293 = arith.constant 0 : i32
      %dma_wait3A_294 = tpu.memref_slice %arg14[%dma_wait3A_293] : memref<10240xf32, #tpu.memory_space<vmem_shared>> -> memref<10240xf32, #tpu.memory_space<vmem_shared>>
      tpu.wait_indirect_dma semaphore(%arg19 : memref<!tpu.dma_semaphore, #tpu.memory_space<semaphore_mem>>) src(%arg11 : memref<128xf32, #tpu.memory_space<vmem>>) dst(%dma_wait3A_294 : memref<10240xf32, #tpu.memory_space<vmem_shared>>)
      %dma_wait3A_295 = arith.constant 1 : i32
      %dma_wait3A_296 = arith.constant 0 : i32
      %dma_wait3A_297 = tpu.memref_slice %arg7[%dma_wait3A_295, %dma_wait3A_296] : memref<16x128xi32, #tpu.memory_space<vmem>> -> memref<1x128xi32, #tpu.memory_space<vmem>>
      %dma_wait3A_298 = tpu.memref_squeeze %dma_wait3A_297 : memref<1x128xi32, #tpu.memory_space<vmem>> -> memref<128xi32, #tpu.memory_space<vmem>>
      %dma_wait3A_299 = arith.constant 0 : i32
      %dma_wait3A_300 = arith.constant 0 : i32
      %dma_wait3A_301 = tpu.memref_slice %arg2[%dma_wait3A_299, %dma_wait3A_300] : memref<20000x128xf32, #tpu.memory_space<hbm>> -> memref<20000x128xf32, #tpu.memory_space<hbm>>
      tpu.wait_indirect_dma semaphore(%arg16 : memref<!tpu.dma_semaphore, #tpu.memory_space<semaphore_mem>>) src(%dma_wait3A_301 : memref<20000x128xf32, #tpu.memory_space<hbm>>) dst(%arg10 : memref<128x128xf32, #tpu.memory_space<vmem>>)
      %dma_start3A_302 = arith.constant 2 : i32
      %dma_start3A_303 = arith.constant 0 : i32
      %dma_start3A_304 = tpu.memref_slice %arg7[%dma_start3A_302, %dma_start3A_303] : memref<16x128xi32, #tpu.memory_space<vmem>> -> memref<1x128xi32, #tpu.memory_space<vmem>>
      %dma_start3A_305 = tpu.memref_squeeze %dma_start3A_304 : memref<1x128xi32, #tpu.memory_space<vmem>> -> memref<128xi32, #tpu.memory_space<vmem>>
      %dma_start3A_306 = arith.constant 0 : i32
      %dma_start3A_307 = arith.constant 0 : i32
      %dma_start3A_308 = tpu.memref_slice %arg2[%dma_start3A_306, %dma_start3A_307] : memref<20000x128xf32, #tpu.memory_space<hbm>> -> memref<20000x128xf32, #tpu.memory_space<hbm>>
      tpu.enqueue_indirect_dma source(%dma_start3A_308 : memref<20000x128xf32, #tpu.memory_space<hbm>>) target(%arg9 : memref<128x128xf32, #tpu.memory_space<vmem>>) offsets(%dma_start3A_305 : memref<128xi32, #tpu.memory_space<vmem>>) semaphore(%arg16 : memref<!tpu.dma_semaphore, #tpu.memory_space<semaphore_mem>>)
      %dma_start3A_309 = arith.constant 1 : i32
      %dma_start3A_310 = arith.constant 0 : i32
      %dma_start3A_311 = tpu.memref_slice %arg8[%dma_start3A_309, %dma_start3A_310] : memref<16x128xi32, #tpu.memory_space<vmem>> -> memref<1x128xi32, #tpu.memory_space<vmem>>
      %dma_start3A_312 = tpu.memref_squeeze %dma_start3A_311 : memref<1x128xi32, #tpu.memory_space<vmem>> -> memref<128xi32, #tpu.memory_space<vmem>>
      %dma_start3A_313 = arith.constant 0 : i32
      %dma_start3A_314 = arith.constant 0 : i32
      %dma_start3A_315 = tpu.memref_slice %arg13[%dma_start3A_313, %dma_start3A_314] : memref<10240x128xf32, #tpu.memory_space<vmem_shared>> -> memref<10240x128xf32, #tpu.memory_space<vmem_shared>>
      tpu.enqueue_indirect_dma source(%arg10 : memref<128x128xf32, #tpu.memory_space<vmem>>) target(%dma_start3A_315 : memref<10240x128xf32, #tpu.memory_space<vmem_shared>>) offsets(%dma_start3A_312 : memref<128xi32, #tpu.memory_space<vmem>>) semaphore(%arg17 : memref<!tpu.dma_semaphore, #tpu.memory_space<semaphore_mem>>) {add = true}
      %dma_start3A_316 = arith.constant 1 : i32
      %dma_start3A_317 = arith.constant 0 : i32
      %dma_start3A_318 = tpu.memref_slice %arg8[%dma_start3A_316, %dma_start3A_317] : memref<16x128xi32, #tpu.memory_space<vmem>> -> memref<1x128xi32, #tpu.memory_space<vmem>>
      %dma_start3A_319 = tpu.memref_squeeze %dma_start3A_318 : memref<1x128xi32, #tpu.memory_space<vmem>> -> memref<128xi32, #tpu.memory_space<vmem>>
      %dma_start3A_320 = arith.constant 0 : i32
      %dma_start3A_321 = tpu.memref_slice %arg14[%dma_start3A_320] : memref<10240xf32, #tpu.memory_space<vmem_shared>> -> memref<10240xf32, #tpu.memory_space<vmem_shared>>
      tpu.enqueue_indirect_dma source(%arg11 : memref<128xf32, #tpu.memory_space<vmem>>) target(%dma_start3A_321 : memref<10240xf32, #tpu.memory_space<vmem_shared>>) offsets(%dma_start3A_319 : memref<128xi32, #tpu.memory_space<vmem>>) semaphore(%arg19 : memref<!tpu.dma_semaphore, #tpu.memory_space<semaphore_mem>>) {add = true}
      %dma_wait3A_322 = arith.constant 1 : i32
      %dma_wait3A_323 = arith.constant 0 : i32
      %dma_wait3A_324 = tpu.memref_slice %arg8[%dma_wait3A_322, %dma_wait3A_323] : memref<16x128xi32, #tpu.memory_space<vmem>> -> memref<1x128xi32, #tpu.memory_space<vmem>>
      %dma_wait3A_325 = tpu.memref_squeeze %dma_wait3A_324 : memref<1x128xi32, #tpu.memory_space<vmem>> -> memref<128xi32, #tpu.memory_space<vmem>>
      %dma_wait3A_326 = arith.constant 0 : i32
      %dma_wait3A_327 = arith.constant 0 : i32
      %dma_wait3A_328 = tpu.memref_slice %arg13[%dma_wait3A_326, %dma_wait3A_327] : memref<10240x128xf32, #tpu.memory_space<vmem_shared>> -> memref<10240x128xf32, #tpu.memory_space<vmem_shared>>
      tpu.wait_indirect_dma semaphore(%arg17 : memref<!tpu.dma_semaphore, #tpu.memory_space<semaphore_mem>>) src(%arg10 : memref<128x128xf32, #tpu.memory_space<vmem>>) dst(%dma_wait3A_328 : memref<10240x128xf32, #tpu.memory_space<vmem_shared>>)
      %dma_wait3A_329 = arith.constant 1 : i32
      %dma_wait3A_330 = arith.constant 0 : i32
      %dma_wait3A_331 = tpu.memref_slice %arg8[%dma_wait3A_329, %dma_wait3A_330] : memref<16x128xi32, #tpu.memory_space<vmem>> -> memref<1x128xi32, #tpu.memory_space<vmem>>
      %dma_wait3A_332 = tpu.memref_squeeze %dma_wait3A_331 : memref<1x128xi32, #tpu.memory_space<vmem>> -> memref<128xi32, #tpu.memory_space<vmem>>
      %dma_wait3A_333 = arith.constant 0 : i32
      %dma_wait3A_334 = tpu.memref_slice %arg14[%dma_wait3A_333] : memref<10240xf32, #tpu.memory_space<vmem_shared>> -> memref<10240xf32, #tpu.memory_space<vmem_shared>>
      tpu.wait_indirect_dma semaphore(%arg19 : memref<!tpu.dma_semaphore, #tpu.memory_space<semaphore_mem>>) src(%arg11 : memref<128xf32, #tpu.memory_space<vmem>>) dst(%dma_wait3A_334 : memref<10240xf32, #tpu.memory_space<vmem_shared>>)
      %dma_wait3A_335 = arith.constant 2 : i32
      %dma_wait3A_336 = arith.constant 0 : i32
      %dma_wait3A_337 = tpu.memref_slice %arg7[%dma_wait3A_335, %dma_wait3A_336] : memref<16x128xi32, #tpu.memory_space<vmem>> -> memref<1x128xi32, #tpu.memory_space<vmem>>
      %dma_wait3A_338 = tpu.memref_squeeze %dma_wait3A_337 : memref<1x128xi32, #tpu.memory_space<vmem>> -> memref<128xi32, #tpu.memory_space<vmem>>
      %dma_wait3A_339 = arith.constant 0 : i32
      %dma_wait3A_340 = arith.constant 0 : i32
      %dma_wait3A_341 = tpu.memref_slice %arg2[%dma_wait3A_339, %dma_wait3A_340] : memref<20000x128xf32, #tpu.memory_space<hbm>> -> memref<20000x128xf32, #tpu.memory_space<hbm>>
      tpu.wait_indirect_dma semaphore(%arg16 : memref<!tpu.dma_semaphore, #tpu.memory_space<semaphore_mem>>) src(%dma_wait3A_341 : memref<20000x128xf32, #tpu.memory_space<hbm>>) dst(%arg9 : memref<128x128xf32, #tpu.memory_space<vmem>>)
      %dma_start3A_342 = arith.constant 3 : i32
      %dma_start3A_343 = arith.constant 0 : i32
      %dma_start3A_344 = tpu.memref_slice %arg7[%dma_start3A_342, %dma_start3A_343] : memref<16x128xi32, #tpu.memory_space<vmem>> -> memref<1x128xi32, #tpu.memory_space<vmem>>
      %dma_start3A_345 = tpu.memref_squeeze %dma_start3A_344 : memref<1x128xi32, #tpu.memory_space<vmem>> -> memref<128xi32, #tpu.memory_space<vmem>>
      %dma_start3A_346 = arith.constant 0 : i32
      %dma_start3A_347 = arith.constant 0 : i32
      %dma_start3A_348 = tpu.memref_slice %arg2[%dma_start3A_346, %dma_start3A_347] : memref<20000x128xf32, #tpu.memory_space<hbm>> -> memref<20000x128xf32, #tpu.memory_space<hbm>>
      tpu.enqueue_indirect_dma source(%dma_start3A_348 : memref<20000x128xf32, #tpu.memory_space<hbm>>) target(%arg10 : memref<128x128xf32, #tpu.memory_space<vmem>>) offsets(%dma_start3A_345 : memref<128xi32, #tpu.memory_space<vmem>>) semaphore(%arg16 : memref<!tpu.dma_semaphore, #tpu.memory_space<semaphore_mem>>)
      %dma_start3A_349 = arith.constant 2 : i32
      %dma_start3A_350 = arith.constant 0 : i32
      %dma_start3A_351 = tpu.memref_slice %arg8[%dma_start3A_349, %dma_start3A_350] : memref<16x128xi32, #tpu.memory_space<vmem>> -> memref<1x128xi32, #tpu.memory_space<vmem>>
      %dma_start3A_352 = tpu.memref_squeeze %dma_start3A_351 : memref<1x128xi32, #tpu.memory_space<vmem>> -> memref<128xi32, #tpu.memory_space<vmem>>
      %dma_start3A_353 = arith.constant 0 : i32
      %dma_start3A_354 = arith.constant 0 : i32
      %dma_start3A_355 = tpu.memref_slice %arg13[%dma_start3A_353, %dma_start3A_354] : memref<10240x128xf32, #tpu.memory_space<vmem_shared>> -> memref<10240x128xf32, #tpu.memory_space<vmem_shared>>
      tpu.enqueue_indirect_dma source(%arg9 : memref<128x128xf32, #tpu.memory_space<vmem>>) target(%dma_start3A_355 : memref<10240x128xf32, #tpu.memory_space<vmem_shared>>) offsets(%dma_start3A_352 : memref<128xi32, #tpu.memory_space<vmem>>) semaphore(%arg17 : memref<!tpu.dma_semaphore, #tpu.memory_space<semaphore_mem>>) {add = true}
      %dma_start3A_356 = arith.constant 2 : i32
      %dma_start3A_357 = arith.constant 0 : i32
      %dma_start3A_358 = tpu.memref_slice %arg8[%dma_start3A_356, %dma_start3A_357] : memref<16x128xi32, #tpu.memory_space<vmem>> -> memref<1x128xi32, #tpu.memory_space<vmem>>
      %dma_start3A_359 = tpu.memref_squeeze %dma_start3A_358 : memref<1x128xi32, #tpu.memory_space<vmem>> -> memref<128xi32, #tpu.memory_space<vmem>>
      %dma_start3A_360 = arith.constant 0 : i32
      %dma_start3A_361 = tpu.memref_slice %arg14[%dma_start3A_360] : memref<10240xf32, #tpu.memory_space<vmem_shared>> -> memref<10240xf32, #tpu.memory_space<vmem_shared>>
      tpu.enqueue_indirect_dma source(%arg11 : memref<128xf32, #tpu.memory_space<vmem>>) target(%dma_start3A_361 : memref<10240xf32, #tpu.memory_space<vmem_shared>>) offsets(%dma_start3A_359 : memref<128xi32, #tpu.memory_space<vmem>>) semaphore(%arg19 : memref<!tpu.dma_semaphore, #tpu.memory_space<semaphore_mem>>) {add = true}
      %dma_wait3A_362 = arith.constant 2 : i32
      %dma_wait3A_363 = arith.constant 0 : i32
      %dma_wait3A_364 = tpu.memref_slice %arg8[%dma_wait3A_362, %dma_wait3A_363] : memref<16x128xi32, #tpu.memory_space<vmem>> -> memref<1x128xi32, #tpu.memory_space<vmem>>
      %dma_wait3A_365 = tpu.memref_squeeze %dma_wait3A_364 : memref<1x128xi32, #tpu.memory_space<vmem>> -> memref<128xi32, #tpu.memory_space<vmem>>
      %dma_wait3A_366 = arith.constant 0 : i32
      %dma_wait3A_367 = arith.constant 0 : i32
      %dma_wait3A_368 = tpu.memref_slice %arg13[%dma_wait3A_366, %dma_wait3A_367] : memref<10240x128xf32, #tpu.memory_space<vmem_shared>> -> memref<10240x128xf32, #tpu.memory_space<vmem_shared>>
      tpu.wait_indirect_dma semaphore(%arg17 : memref<!tpu.dma_semaphore, #tpu.memory_space<semaphore_mem>>) src(%arg9 : memref<128x128xf32, #tpu.memory_space<vmem>>) dst(%dma_wait3A_368 : memref<10240x128xf32, #tpu.memory_space<vmem_shared>>)
      %dma_wait3A_369 = arith.constant 2 : i32
      %dma_wait3A_370 = arith.constant 0 : i32
      %dma_wait3A_371 = tpu.memref_slice %arg8[%dma_wait3A_369, %dma_wait3A_370] : memref<16x128xi32, #tpu.memory_space<vmem>> -> memref<1x128xi32, #tpu.memory_space<vmem>>
      %dma_wait3A_372 = tpu.memref_squeeze %dma_wait3A_371 : memref<1x128xi32, #tpu.memory_space<vmem>> -> memref<128xi32, #tpu.memory_space<vmem>>
      %dma_wait3A_373 = arith.constant 0 : i32
      %dma_wait3A_374 = tpu.memref_slice %arg14[%dma_wait3A_373] : memref<10240xf32, #tpu.memory_space<vmem_shared>> -> memref<10240xf32, #tpu.memory_space<vmem_shared>>
      tpu.wait_indirect_dma semaphore(%arg19 : memref<!tpu.dma_semaphore, #tpu.memory_space<semaphore_mem>>) src(%arg11 : memref<128xf32, #tpu.memory_space<vmem>>) dst(%dma_wait3A_374 : memref<10240xf32, #tpu.memory_space<vmem_shared>>)
      %dma_wait3A_375 = arith.constant 3 : i32
      %dma_wait3A_376 = arith.constant 0 : i32
      %dma_wait3A_377 = tpu.memref_slice %arg7[%dma_wait3A_375, %dma_wait3A_376] : memref<16x128xi32, #tpu.memory_space<vmem>> -> memref<1x128xi32, #tpu.memory_space<vmem>>
      %dma_wait3A_378 = tpu.memref_squeeze %dma_wait3A_377 : memref<1x128xi32, #tpu.memory_space<vmem>> -> memref<128xi32, #tpu.memory_space<vmem>>
      %dma_wait3A_379 = arith.constant 0 : i32
      %dma_wait3A_380 = arith.constant 0 : i32
      %dma_wait3A_381 = tpu.memref_slice %arg2[%dma_wait3A_379, %dma_wait3A_380] : memref<20000x128xf32, #tpu.memory_space<hbm>> -> memref<20000x128xf32, #tpu.memory_space<hbm>>
      tpu.wait_indirect_dma semaphore(%arg16 : memref<!tpu.dma_semaphore, #tpu.memory_space<semaphore_mem>>) src(%dma_wait3A_381 : memref<20000x128xf32, #tpu.memory_space<hbm>>) dst(%arg10 : memref<128x128xf32, #tpu.memory_space<vmem>>)
      %dma_start3A_382 = arith.constant 4 : i32
      %dma_start3A_383 = arith.constant 0 : i32
      %dma_start3A_384 = tpu.memref_slice %arg7[%dma_start3A_382, %dma_start3A_383] : memref<16x128xi32, #tpu.memory_space<vmem>> -> memref<1x128xi32, #tpu.memory_space<vmem>>
      %dma_start3A_385 = tpu.memref_squeeze %dma_start3A_384 : memref<1x128xi32, #tpu.memory_space<vmem>> -> memref<128xi32, #tpu.memory_space<vmem>>
      %dma_start3A_386 = arith.constant 0 : i32
      %dma_start3A_387 = arith.constant 0 : i32
      %dma_start3A_388 = tpu.memref_slice %arg2[%dma_start3A_386, %dma_start3A_387] : memref<20000x128xf32, #tpu.memory_space<hbm>> -> memref<20000x128xf32, #tpu.memory_space<hbm>>
      tpu.enqueue_indirect_dma source(%dma_start3A_388 : memref<20000x128xf32, #tpu.memory_space<hbm>>) target(%arg9 : memref<128x128xf32, #tpu.memory_space<vmem>>) offsets(%dma_start3A_385 : memref<128xi32, #tpu.memory_space<vmem>>) semaphore(%arg16 : memref<!tpu.dma_semaphore, #tpu.memory_space<semaphore_mem>>)
      %dma_start3A_389 = arith.constant 3 : i32
      %dma_start3A_390 = arith.constant 0 : i32
      %dma_start3A_391 = tpu.memref_slice %arg8[%dma_start3A_389, %dma_start3A_390] : memref<16x128xi32, #tpu.memory_space<vmem>> -> memref<1x128xi32, #tpu.memory_space<vmem>>
      %dma_start3A_392 = tpu.memref_squeeze %dma_start3A_391 : memref<1x128xi32, #tpu.memory_space<vmem>> -> memref<128xi32, #tpu.memory_space<vmem>>
      %dma_start3A_393 = arith.constant 0 : i32
      %dma_start3A_394 = arith.constant 0 : i32
      %dma_start3A_395 = tpu.memref_slice %arg13[%dma_start3A_393, %dma_start3A_394] : memref<10240x128xf32, #tpu.memory_space<vmem_shared>> -> memref<10240x128xf32, #tpu.memory_space<vmem_shared>>
      tpu.enqueue_indirect_dma source(%arg10 : memref<128x128xf32, #tpu.memory_space<vmem>>) target(%dma_start3A_395 : memref<10240x128xf32, #tpu.memory_space<vmem_shared>>) offsets(%dma_start3A_392 : memref<128xi32, #tpu.memory_space<vmem>>) semaphore(%arg17 : memref<!tpu.dma_semaphore, #tpu.memory_space<semaphore_mem>>) {add = true}
      %dma_start3A_396 = arith.constant 3 : i32
      %dma_start3A_397 = arith.constant 0 : i32
      %dma_start3A_398 = tpu.memref_slice %arg8[%dma_start3A_396, %dma_start3A_397] : memref<16x128xi32, #tpu.memory_space<vmem>> -> memref<1x128xi32, #tpu.memory_space<vmem>>
      %dma_start3A_399 = tpu.memref_squeeze %dma_start3A_398 : memref<1x128xi32, #tpu.memory_space<vmem>> -> memref<128xi32, #tpu.memory_space<vmem>>
      %dma_start3A_400 = arith.constant 0 : i32
      %dma_start3A_401 = tpu.memref_slice %arg14[%dma_start3A_400] : memref<10240xf32, #tpu.memory_space<vmem_shared>> -> memref<10240xf32, #tpu.memory_space<vmem_shared>>
      tpu.enqueue_indirect_dma source(%arg11 : memref<128xf32, #tpu.memory_space<vmem>>) target(%dma_start3A_401 : memref<10240xf32, #tpu.memory_space<vmem_shared>>) offsets(%dma_start3A_399 : memref<128xi32, #tpu.memory_space<vmem>>) semaphore(%arg19 : memref<!tpu.dma_semaphore, #tpu.memory_space<semaphore_mem>>) {add = true}
      %dma_wait3A_402 = arith.constant 3 : i32
      %dma_wait3A_403 = arith.constant 0 : i32
      %dma_wait3A_404 = tpu.memref_slice %arg8[%dma_wait3A_402, %dma_wait3A_403] : memref<16x128xi32, #tpu.memory_space<vmem>> -> memref<1x128xi32, #tpu.memory_space<vmem>>
      %dma_wait3A_405 = tpu.memref_squeeze %dma_wait3A_404 : memref<1x128xi32, #tpu.memory_space<vmem>> -> memref<128xi32, #tpu.memory_space<vmem>>
      %dma_wait3A_406 = arith.constant 0 : i32
      %dma_wait3A_407 = arith.constant 0 : i32
      %dma_wait3A_408 = tpu.memref_slice %arg13[%dma_wait3A_406, %dma_wait3A_407] : memref<10240x128xf32, #tpu.memory_space<vmem_shared>> -> memref<10240x128xf32, #tpu.memory_space<vmem_shared>>
      tpu.wait_indirect_dma semaphore(%arg17 : memref<!tpu.dma_semaphore, #tpu.memory_space<semaphore_mem>>) src(%arg10 : memref<128x128xf32, #tpu.memory_space<vmem>>) dst(%dma_wait3A_408 : memref<10240x128xf32, #tpu.memory_space<vmem_shared>>)
      %dma_wait3A_409 = arith.constant 3 : i32
      %dma_wait3A_410 = arith.constant 0 : i32
      %dma_wait3A_411 = tpu.memref_slice %arg8[%dma_wait3A_409, %dma_wait3A_410] : memref<16x128xi32, #tpu.memory_space<vmem>> -> memref<1x128xi32, #tpu.memory_space<vmem>>
      %dma_wait3A_412 = tpu.memref_squeeze %dma_wait3A_411 : memref<1x128xi32, #tpu.memory_space<vmem>> -> memref<128xi32, #tpu.memory_space<vmem>>
      %dma_wait3A_413 = arith.constant 0 : i32
      %dma_wait3A_414 = tpu.memref_slice %arg14[%dma_wait3A_413] : memref<10240xf32, #tpu.memory_space<vmem_shared>> -> memref<10240xf32, #tpu.memory_space<vmem_shared>>
      tpu.wait_indirect_dma semaphore(%arg19 : memref<!tpu.dma_semaphore, #tpu.memory_space<semaphore_mem>>) src(%arg11 : memref<128xf32, #tpu.memory_space<vmem>>) dst(%dma_wait3A_414 : memref<10240xf32, #tpu.memory_space<vmem_shared>>)
      %dma_wait3A_415 = arith.constant 4 : i32
      %dma_wait3A_416 = arith.constant 0 : i32
      %dma_wait3A_417 = tpu.memref_slice %arg7[%dma_wait3A_415, %dma_wait3A_416] : memref<16x128xi32, #tpu.memory_space<vmem>> -> memref<1x128xi32, #tpu.memory_space<vmem>>
      %dma_wait3A_418 = tpu.memref_squeeze %dma_wait3A_417 : memref<1x128xi32, #tpu.memory_space<vmem>> -> memref<128xi32, #tpu.memory_space<vmem>>
      %dma_wait3A_419 = arith.constant 0 : i32
      %dma_wait3A_420 = arith.constant 0 : i32
      %dma_wait3A_421 = tpu.memref_slice %arg2[%dma_wait3A_419, %dma_wait3A_420] : memref<20000x128xf32, #tpu.memory_space<hbm>> -> memref<20000x128xf32, #tpu.memory_space<hbm>>
      tpu.wait_indirect_dma semaphore(%arg16 : memref<!tpu.dma_semaphore, #tpu.memory_space<semaphore_mem>>) src(%dma_wait3A_421 : memref<20000x128xf32, #tpu.memory_space<hbm>>) dst(%arg9 : memref<128x128xf32, #tpu.memory_space<vmem>>)
      %dma_start3A_422 = arith.constant 5 : i32
      %dma_start3A_423 = arith.constant 0 : i32
      %dma_start3A_424 = tpu.memref_slice %arg7[%dma_start3A_422, %dma_start3A_423] : memref<16x128xi32, #tpu.memory_space<vmem>> -> memref<1x128xi32, #tpu.memory_space<vmem>>
      %dma_start3A_425 = tpu.memref_squeeze %dma_start3A_424 : memref<1x128xi32, #tpu.memory_space<vmem>> -> memref<128xi32, #tpu.memory_space<vmem>>
      %dma_start3A_426 = arith.constant 0 : i32
      %dma_start3A_427 = arith.constant 0 : i32
      %dma_start3A_428 = tpu.memref_slice %arg2[%dma_start3A_426, %dma_start3A_427] : memref<20000x128xf32, #tpu.memory_space<hbm>> -> memref<20000x128xf32, #tpu.memory_space<hbm>>
      tpu.enqueue_indirect_dma source(%dma_start3A_428 : memref<20000x128xf32, #tpu.memory_space<hbm>>) target(%arg10 : memref<128x128xf32, #tpu.memory_space<vmem>>) offsets(%dma_start3A_425 : memref<128xi32, #tpu.memory_space<vmem>>) semaphore(%arg16 : memref<!tpu.dma_semaphore, #tpu.memory_space<semaphore_mem>>)
      %dma_start3A_429 = arith.constant 4 : i32
      %dma_start3A_430 = arith.constant 0 : i32
      %dma_start3A_431 = tpu.memref_slice %arg8[%dma_start3A_429, %dma_start3A_430] : memref<16x128xi32, #tpu.memory_space<vmem>> -> memref<1x128xi32, #tpu.memory_space<vmem>>
      %dma_start3A_432 = tpu.memref_squeeze %dma_start3A_431 : memref<1x128xi32, #tpu.memory_space<vmem>> -> memref<128xi32, #tpu.memory_space<vmem>>
      %dma_start3A_433 = arith.constant 0 : i32
      %dma_start3A_434 = arith.constant 0 : i32
      %dma_start3A_435 = tpu.memref_slice %arg13[%dma_start3A_433, %dma_start3A_434] : memref<10240x128xf32, #tpu.memory_space<vmem_shared>> -> memref<10240x128xf32, #tpu.memory_space<vmem_shared>>
      tpu.enqueue_indirect_dma source(%arg9 : memref<128x128xf32, #tpu.memory_space<vmem>>) target(%dma_start3A_435 : memref<10240x128xf32, #tpu.memory_space<vmem_shared>>) offsets(%dma_start3A_432 : memref<128xi32, #tpu.memory_space<vmem>>) semaphore(%arg17 : memref<!tpu.dma_semaphore, #tpu.memory_space<semaphore_mem>>) {add = true}
      %dma_start3A_436 = arith.constant 4 : i32
      %dma_start3A_437 = arith.constant 0 : i32
      %dma_start3A_438 = tpu.memref_slice %arg8[%dma_start3A_436, %dma_start3A_437] : memref<16x128xi32, #tpu.memory_space<vmem>> -> memref<1x128xi32, #tpu.memory_space<vmem>>
      %dma_start3A_439 = tpu.memref_squeeze %dma_start3A_438 : memref<1x128xi32, #tpu.memory_space<vmem>> -> memref<128xi32, #tpu.memory_space<vmem>>
      %dma_start3A_440 = arith.constant 0 : i32
      %dma_start3A_441 = tpu.memref_slice %arg14[%dma_start3A_440] : memref<10240xf32, #tpu.memory_space<vmem_shared>> -> memref<10240xf32, #tpu.memory_space<vmem_shared>>
      tpu.enqueue_indirect_dma source(%arg11 : memref<128xf32, #tpu.memory_space<vmem>>) target(%dma_start3A_441 : memref<10240xf32, #tpu.memory_space<vmem_shared>>) offsets(%dma_start3A_439 : memref<128xi32, #tpu.memory_space<vmem>>) semaphore(%arg19 : memref<!tpu.dma_semaphore, #tpu.memory_space<semaphore_mem>>) {add = true}
      %dma_wait3A_442 = arith.constant 4 : i32
      %dma_wait3A_443 = arith.constant 0 : i32
      %dma_wait3A_444 = tpu.memref_slice %arg8[%dma_wait3A_442, %dma_wait3A_443] : memref<16x128xi32, #tpu.memory_space<vmem>> -> memref<1x128xi32, #tpu.memory_space<vmem>>
      %dma_wait3A_445 = tpu.memref_squeeze %dma_wait3A_444 : memref<1x128xi32, #tpu.memory_space<vmem>> -> memref<128xi32, #tpu.memory_space<vmem>>
      %dma_wait3A_446 = arith.constant 0 : i32
      %dma_wait3A_447 = arith.constant 0 : i32
      %dma_wait3A_448 = tpu.memref_slice %arg13[%dma_wait3A_446, %dma_wait3A_447] : memref<10240x128xf32, #tpu.memory_space<vmem_shared>> -> memref<10240x128xf32, #tpu.memory_space<vmem_shared>>
      tpu.wait_indirect_dma semaphore(%arg17 : memref<!tpu.dma_semaphore, #tpu.memory_space<semaphore_mem>>) src(%arg9 : memref<128x128xf32, #tpu.memory_space<vmem>>) dst(%dma_wait3A_448 : memref<10240x128xf32, #tpu.memory_space<vmem_shared>>)
      %dma_wait3A_449 = arith.constant 4 : i32
      %dma_wait3A_450 = arith.constant 0 : i32
      %dma_wait3A_451 = tpu.memref_slice %arg8[%dma_wait3A_449, %dma_wait3A_450] : memref<16x128xi32, #tpu.memory_space<vmem>> -> memref<1x128xi32, #tpu.memory_space<vmem>>
      %dma_wait3A_452 = tpu.memref_squeeze %dma_wait3A_451 : memref<1x128xi32, #tpu.memory_space<vmem>> -> memref<128xi32, #tpu.memory_space<vmem>>
      %dma_wait3A_453 = arith.constant 0 : i32
      %dma_wait3A_454 = tpu.memref_slice %arg14[%dma_wait3A_453] : memref<10240xf32, #tpu.memory_space<vmem_shared>> -> memref<10240xf32, #tpu.memory_space<vmem_shared>>
      tpu.wait_indirect_dma semaphore(%arg19 : memref<!tpu.dma_semaphore, #tpu.memory_space<semaphore_mem>>) src(%arg11 : memref<128xf32, #tpu.memory_space<vmem>>) dst(%dma_wait3A_454 : memref<10240xf32, #tpu.memory_space<vmem_shared>>)
      %dma_wait3A_455 = arith.constant 5 : i32
      %dma_wait3A_456 = arith.constant 0 : i32
      %dma_wait3A_457 = tpu.memref_slice %arg7[%dma_wait3A_455, %dma_wait3A_456] : memref<16x128xi32, #tpu.memory_space<vmem>> -> memref<1x128xi32, #tpu.memory_space<vmem>>
      %dma_wait3A_458 = tpu.memref_squeeze %dma_wait3A_457 : memref<1x128xi32, #tpu.memory_space<vmem>> -> memref<128xi32, #tpu.memory_space<vmem>>
      %dma_wait3A_459 = arith.constant 0 : i32
      %dma_wait3A_460 = arith.constant 0 : i32
      %dma_wait3A_461 = tpu.memref_slice %arg2[%dma_wait3A_459, %dma_wait3A_460] : memref<20000x128xf32, #tpu.memory_space<hbm>> -> memref<20000x128xf32, #tpu.memory_space<hbm>>
      tpu.wait_indirect_dma semaphore(%arg16 : memref<!tpu.dma_semaphore, #tpu.memory_space<semaphore_mem>>) src(%dma_wait3A_461 : memref<20000x128xf32, #tpu.memory_space<hbm>>) dst(%arg10 : memref<128x128xf32, #tpu.memory_space<vmem>>)
      %dma_start3A_462 = arith.constant 6 : i32
      %dma_start3A_463 = arith.constant 0 : i32
      %dma_start3A_464 = tpu.memref_slice %arg7[%dma_start3A_462, %dma_start3A_463] : memref<16x128xi32, #tpu.memory_space<vmem>> -> memref<1x128xi32, #tpu.memory_space<vmem>>
      %dma_start3A_465 = tpu.memref_squeeze %dma_start3A_464 : memref<1x128xi32, #tpu.memory_space<vmem>> -> memref<128xi32, #tpu.memory_space<vmem>>
      %dma_start3A_466 = arith.constant 0 : i32
      %dma_start3A_467 = arith.constant 0 : i32
      %dma_start3A_468 = tpu.memref_slice %arg2[%dma_start3A_466, %dma_start3A_467] : memref<20000x128xf32, #tpu.memory_space<hbm>> -> memref<20000x128xf32, #tpu.memory_space<hbm>>
      tpu.enqueue_indirect_dma source(%dma_start3A_468 : memref<20000x128xf32, #tpu.memory_space<hbm>>) target(%arg9 : memref<128x128xf32, #tpu.memory_space<vmem>>) offsets(%dma_start3A_465 : memref<128xi32, #tpu.memory_space<vmem>>) semaphore(%arg16 : memref<!tpu.dma_semaphore, #tpu.memory_space<semaphore_mem>>)
      %dma_start3A_469 = arith.constant 5 : i32
      %dma_start3A_470 = arith.constant 0 : i32
      %dma_start3A_471 = tpu.memref_slice %arg8[%dma_start3A_469, %dma_start3A_470] : memref<16x128xi32, #tpu.memory_space<vmem>> -> memref<1x128xi32, #tpu.memory_space<vmem>>
      %dma_start3A_472 = tpu.memref_squeeze %dma_start3A_471 : memref<1x128xi32, #tpu.memory_space<vmem>> -> memref<128xi32, #tpu.memory_space<vmem>>
      %dma_start3A_473 = arith.constant 0 : i32
      %dma_start3A_474 = arith.constant 0 : i32
      %dma_start3A_475 = tpu.memref_slice %arg13[%dma_start3A_473, %dma_start3A_474] : memref<10240x128xf32, #tpu.memory_space<vmem_shared>> -> memref<10240x128xf32, #tpu.memory_space<vmem_shared>>
      tpu.enqueue_indirect_dma source(%arg10 : memref<128x128xf32, #tpu.memory_space<vmem>>) target(%dma_start3A_475 : memref<10240x128xf32, #tpu.memory_space<vmem_shared>>) offsets(%dma_start3A_472 : memref<128xi32, #tpu.memory_space<vmem>>) semaphore(%arg17 : memref<!tpu.dma_semaphore, #tpu.memory_space<semaphore_mem>>) {add = true}
      %dma_start3A_476 = arith.constant 5 : i32
      %dma_start3A_477 = arith.constant 0 : i32
      %dma_start3A_478 = tpu.memref_slice %arg8[%dma_start3A_476, %dma_start3A_477] : memref<16x128xi32, #tpu.memory_space<vmem>> -> memref<1x128xi32, #tpu.memory_space<vmem>>
      %dma_start3A_479 = tpu.memref_squeeze %dma_start3A_478 : memref<1x128xi32, #tpu.memory_space<vmem>> -> memref<128xi32, #tpu.memory_space<vmem>>
      %dma_start3A_480 = arith.constant 0 : i32
      %dma_start3A_481 = tpu.memref_slice %arg14[%dma_start3A_480] : memref<10240xf32, #tpu.memory_space<vmem_shared>> -> memref<10240xf32, #tpu.memory_space<vmem_shared>>
      tpu.enqueue_indirect_dma source(%arg11 : memref<128xf32, #tpu.memory_space<vmem>>) target(%dma_start3A_481 : memref<10240xf32, #tpu.memory_space<vmem_shared>>) offsets(%dma_start3A_479 : memref<128xi32, #tpu.memory_space<vmem>>) semaphore(%arg19 : memref<!tpu.dma_semaphore, #tpu.memory_space<semaphore_mem>>) {add = true}
      %dma_wait3A_482 = arith.constant 5 : i32
      %dma_wait3A_483 = arith.constant 0 : i32
      %dma_wait3A_484 = tpu.memref_slice %arg8[%dma_wait3A_482, %dma_wait3A_483] : memref<16x128xi32, #tpu.memory_space<vmem>> -> memref<1x128xi32, #tpu.memory_space<vmem>>
      %dma_wait3A_485 = tpu.memref_squeeze %dma_wait3A_484 : memref<1x128xi32, #tpu.memory_space<vmem>> -> memref<128xi32, #tpu.memory_space<vmem>>
      %dma_wait3A_486 = arith.constant 0 : i32
      %dma_wait3A_487 = arith.constant 0 : i32
      %dma_wait3A_488 = tpu.memref_slice %arg13[%dma_wait3A_486, %dma_wait3A_487] : memref<10240x128xf32, #tpu.memory_space<vmem_shared>> -> memref<10240x128xf32, #tpu.memory_space<vmem_shared>>
      tpu.wait_indirect_dma semaphore(%arg17 : memref<!tpu.dma_semaphore, #tpu.memory_space<semaphore_mem>>) src(%arg10 : memref<128x128xf32, #tpu.memory_space<vmem>>) dst(%dma_wait3A_488 : memref<10240x128xf32, #tpu.memory_space<vmem_shared>>)
      %dma_wait3A_489 = arith.constant 5 : i32
      %dma_wait3A_490 = arith.constant 0 : i32
      %dma_wait3A_491 = tpu.memref_slice %arg8[%dma_wait3A_489, %dma_wait3A_490] : memref<16x128xi32, #tpu.memory_space<vmem>> -> memref<1x128xi32, #tpu.memory_space<vmem>>
      %dma_wait3A_492 = tpu.memref_squeeze %dma_wait3A_491 : memref<1x128xi32, #tpu.memory_space<vmem>> -> memref<128xi32, #tpu.memory_space<vmem>>
      %dma_wait3A_493 = arith.constant 0 : i32
      %dma_wait3A_494 = tpu.memref_slice %arg14[%dma_wait3A_493] : memref<10240xf32, #tpu.memory_space<vmem_shared>> -> memref<10240xf32, #tpu.memory_space<vmem_shared>>
      tpu.wait_indirect_dma semaphore(%arg19 : memref<!tpu.dma_semaphore, #tpu.memory_space<semaphore_mem>>) src(%arg11 : memref<128xf32, #tpu.memory_space<vmem>>) dst(%dma_wait3A_494 : memref<10240xf32, #tpu.memory_space<vmem_shared>>)
      %dma_wait3A_495 = arith.constant 6 : i32
      %dma_wait3A_496 = arith.constant 0 : i32
      %dma_wait3A_497 = tpu.memref_slice %arg7[%dma_wait3A_495, %dma_wait3A_496] : memref<16x128xi32, #tpu.memory_space<vmem>> -> memref<1x128xi32, #tpu.memory_space<vmem>>
      %dma_wait3A_498 = tpu.memref_squeeze %dma_wait3A_497 : memref<1x128xi32, #tpu.memory_space<vmem>> -> memref<128xi32, #tpu.memory_space<vmem>>
      %dma_wait3A_499 = arith.constant 0 : i32
      %dma_wait3A_500 = arith.constant 0 : i32
      %dma_wait3A_501 = tpu.memref_slice %arg2[%dma_wait3A_499, %dma_wait3A_500] : memref<20000x128xf32, #tpu.memory_space<hbm>> -> memref<20000x128xf32, #tpu.memory_space<hbm>>
      tpu.wait_indirect_dma semaphore(%arg16 : memref<!tpu.dma_semaphore, #tpu.memory_space<semaphore_mem>>) src(%dma_wait3A_501 : memref<20000x128xf32, #tpu.memory_space<hbm>>) dst(%arg9 : memref<128x128xf32, #tpu.memory_space<vmem>>)
      %dma_start3A_502 = arith.constant 7 : i32
      %dma_start3A_503 = arith.constant 0 : i32
      %dma_start3A_504 = tpu.memref_slice %arg7[%dma_start3A_502, %dma_start3A_503] : memref<16x128xi32, #tpu.memory_space<vmem>> -> memref<1x128xi32, #tpu.memory_space<vmem>>
      %dma_start3A_505 = tpu.memref_squeeze %dma_start3A_504 : memref<1x128xi32, #tpu.memory_space<vmem>> -> memref<128xi32, #tpu.memory_space<vmem>>
      %dma_start3A_506 = arith.constant 0 : i32
      %dma_start3A_507 = arith.constant 0 : i32
      %dma_start3A_508 = tpu.memref_slice %arg2[%dma_start3A_506, %dma_start3A_507] : memref<20000x128xf32, #tpu.memory_space<hbm>> -> memref<20000x128xf32, #tpu.memory_space<hbm>>
      tpu.enqueue_indirect_dma source(%dma_start3A_508 : memref<20000x128xf32, #tpu.memory_space<hbm>>) target(%arg10 : memref<128x128xf32, #tpu.memory_space<vmem>>) offsets(%dma_start3A_505 : memref<128xi32, #tpu.memory_space<vmem>>) semaphore(%arg16 : memref<!tpu.dma_semaphore, #tpu.memory_space<semaphore_mem>>)
      %dma_start3A_509 = arith.constant 6 : i32
      %dma_start3A_510 = arith.constant 0 : i32
      %dma_start3A_511 = tpu.memref_slice %arg8[%dma_start3A_509, %dma_start3A_510] : memref<16x128xi32, #tpu.memory_space<vmem>> -> memref<1x128xi32, #tpu.memory_space<vmem>>
      %dma_start3A_512 = tpu.memref_squeeze %dma_start3A_511 : memref<1x128xi32, #tpu.memory_space<vmem>> -> memref<128xi32, #tpu.memory_space<vmem>>
      %dma_start3A_513 = arith.constant 0 : i32
      %dma_start3A_514 = arith.constant 0 : i32
      %dma_start3A_515 = tpu.memref_slice %arg13[%dma_start3A_513, %dma_start3A_514] : memref<10240x128xf32, #tpu.memory_space<vmem_shared>> -> memref<10240x128xf32, #tpu.memory_space<vmem_shared>>
      tpu.enqueue_indirect_dma source(%arg9 : memref<128x128xf32, #tpu.memory_space<vmem>>) target(%dma_start3A_515 : memref<10240x128xf32, #tpu.memory_space<vmem_shared>>) offsets(%dma_start3A_512 : memref<128xi32, #tpu.memory_space<vmem>>) semaphore(%arg17 : memref<!tpu.dma_semaphore, #tpu.memory_space<semaphore_mem>>) {add = true}
      %dma_start3A_516 = arith.constant 6 : i32
      %dma_start3A_517 = arith.constant 0 : i32
      %dma_start3A_518 = tpu.memref_slice %arg8[%dma_start3A_516, %dma_start3A_517] : memref<16x128xi32, #tpu.memory_space<vmem>> -> memref<1x128xi32, #tpu.memory_space<vmem>>
      %dma_start3A_519 = tpu.memref_squeeze %dma_start3A_518 : memref<1x128xi32, #tpu.memory_space<vmem>> -> memref<128xi32, #tpu.memory_space<vmem>>
      %dma_start3A_520 = arith.constant 0 : i32
      %dma_start3A_521 = tpu.memref_slice %arg14[%dma_start3A_520] : memref<10240xf32, #tpu.memory_space<vmem_shared>> -> memref<10240xf32, #tpu.memory_space<vmem_shared>>
      tpu.enqueue_indirect_dma source(%arg11 : memref<128xf32, #tpu.memory_space<vmem>>) target(%dma_start3A_521 : memref<10240xf32, #tpu.memory_space<vmem_shared>>) offsets(%dma_start3A_519 : memref<128xi32, #tpu.memory_space<vmem>>) semaphore(%arg19 : memref<!tpu.dma_semaphore, #tpu.memory_space<semaphore_mem>>) {add = true}
      %dma_wait3A_522 = arith.constant 6 : i32
      %dma_wait3A_523 = arith.constant 0 : i32
      %dma_wait3A_524 = tpu.memref_slice %arg8[%dma_wait3A_522, %dma_wait3A_523] : memref<16x128xi32, #tpu.memory_space<vmem>> -> memref<1x128xi32, #tpu.memory_space<vmem>>
      %dma_wait3A_525 = tpu.memref_squeeze %dma_wait3A_524 : memref<1x128xi32, #tpu.memory_space<vmem>> -> memref<128xi32, #tpu.memory_space<vmem>>
      %dma_wait3A_526 = arith.constant 0 : i32
      %dma_wait3A_527 = arith.constant 0 : i32
      %dma_wait3A_528 = tpu.memref_slice %arg13[%dma_wait3A_526, %dma_wait3A_527] : memref<10240x128xf32, #tpu.memory_space<vmem_shared>> -> memref<10240x128xf32, #tpu.memory_space<vmem_shared>>
      tpu.wait_indirect_dma semaphore(%arg17 : memref<!tpu.dma_semaphore, #tpu.memory_space<semaphore_mem>>) src(%arg9 : memref<128x128xf32, #tpu.memory_space<vmem>>) dst(%dma_wait3A_528 : memref<10240x128xf32, #tpu.memory_space<vmem_shared>>)
      %dma_wait3A_529 = arith.constant 6 : i32
      %dma_wait3A_530 = arith.constant 0 : i32
      %dma_wait3A_531 = tpu.memref_slice %arg8[%dma_wait3A_529, %dma_wait3A_530] : memref<16x128xi32, #tpu.memory_space<vmem>> -> memref<1x128xi32, #tpu.memory_space<vmem>>
      %dma_wait3A_532 = tpu.memref_squeeze %dma_wait3A_531 : memref<1x128xi32, #tpu.memory_space<vmem>> -> memref<128xi32, #tpu.memory_space<vmem>>
      %dma_wait3A_533 = arith.constant 0 : i32
      %dma_wait3A_534 = tpu.memref_slice %arg14[%dma_wait3A_533] : memref<10240xf32, #tpu.memory_space<vmem_shared>> -> memref<10240xf32, #tpu.memory_space<vmem_shared>>
      tpu.wait_indirect_dma semaphore(%arg19 : memref<!tpu.dma_semaphore, #tpu.memory_space<semaphore_mem>>) src(%arg11 : memref<128xf32, #tpu.memory_space<vmem>>) dst(%dma_wait3A_534 : memref<10240xf32, #tpu.memory_space<vmem_shared>>)
      %dma_wait3A_535 = arith.constant 7 : i32
      %dma_wait3A_536 = arith.constant 0 : i32
      %dma_wait3A_537 = tpu.memref_slice %arg7[%dma_wait3A_535, %dma_wait3A_536] : memref<16x128xi32, #tpu.memory_space<vmem>> -> memref<1x128xi32, #tpu.memory_space<vmem>>
      %dma_wait3A_538 = tpu.memref_squeeze %dma_wait3A_537 : memref<1x128xi32, #tpu.memory_space<vmem>> -> memref<128xi32, #tpu.memory_space<vmem>>
      %dma_wait3A_539 = arith.constant 0 : i32
      %dma_wait3A_540 = arith.constant 0 : i32
      %dma_wait3A_541 = tpu.memref_slice %arg2[%dma_wait3A_539, %dma_wait3A_540] : memref<20000x128xf32, #tpu.memory_space<hbm>> -> memref<20000x128xf32, #tpu.memory_space<hbm>>
      tpu.wait_indirect_dma semaphore(%arg16 : memref<!tpu.dma_semaphore, #tpu.memory_space<semaphore_mem>>) src(%dma_wait3A_541 : memref<20000x128xf32, #tpu.memory_space<hbm>>) dst(%arg10 : memref<128x128xf32, #tpu.memory_space<vmem>>)
      %dma_start3A_542 = arith.constant 8 : i32
      %dma_start3A_543 = arith.constant 0 : i32
      %dma_start3A_544 = tpu.memref_slice %arg7[%dma_start3A_542, %dma_start3A_543] : memref<16x128xi32, #tpu.memory_space<vmem>> -> memref<1x128xi32, #tpu.memory_space<vmem>>
      %dma_start3A_545 = tpu.memref_squeeze %dma_start3A_544 : memref<1x128xi32, #tpu.memory_space<vmem>> -> memref<128xi32, #tpu.memory_space<vmem>>
      %dma_start3A_546 = arith.constant 0 : i32
      %dma_start3A_547 = arith.constant 0 : i32
      %dma_start3A_548 = tpu.memref_slice %arg2[%dma_start3A_546, %dma_start3A_547] : memref<20000x128xf32, #tpu.memory_space<hbm>> -> memref<20000x128xf32, #tpu.memory_space<hbm>>
      tpu.enqueue_indirect_dma source(%dma_start3A_548 : memref<20000x128xf32, #tpu.memory_space<hbm>>) target(%arg9 : memref<128x128xf32, #tpu.memory_space<vmem>>) offsets(%dma_start3A_545 : memref<128xi32, #tpu.memory_space<vmem>>) semaphore(%arg16 : memref<!tpu.dma_semaphore, #tpu.memory_space<semaphore_mem>>)
      %dma_start3A_549 = arith.constant 7 : i32
      %dma_start3A_550 = arith.constant 0 : i32
      %dma_start3A_551 = tpu.memref_slice %arg8[%dma_start3A_549, %dma_start3A_550] : memref<16x128xi32, #tpu.memory_space<vmem>> -> memref<1x128xi32, #tpu.memory_space<vmem>>
      %dma_start3A_552 = tpu.memref_squeeze %dma_start3A_551 : memref<1x128xi32, #tpu.memory_space<vmem>> -> memref<128xi32, #tpu.memory_space<vmem>>
      %dma_start3A_553 = arith.constant 0 : i32
      %dma_start3A_554 = arith.constant 0 : i32
      %dma_start3A_555 = tpu.memref_slice %arg13[%dma_start3A_553, %dma_start3A_554] : memref<10240x128xf32, #tpu.memory_space<vmem_shared>> -> memref<10240x128xf32, #tpu.memory_space<vmem_shared>>
      tpu.enqueue_indirect_dma source(%arg10 : memref<128x128xf32, #tpu.memory_space<vmem>>) target(%dma_start3A_555 : memref<10240x128xf32, #tpu.memory_space<vmem_shared>>) offsets(%dma_start3A_552 : memref<128xi32, #tpu.memory_space<vmem>>) semaphore(%arg17 : memref<!tpu.dma_semaphore, #tpu.memory_space<semaphore_mem>>) {add = true}
      %dma_start3A_556 = arith.constant 7 : i32
      %dma_start3A_557 = arith.constant 0 : i32
      %dma_start3A_558 = tpu.memref_slice %arg8[%dma_start3A_556, %dma_start3A_557] : memref<16x128xi32, #tpu.memory_space<vmem>> -> memref<1x128xi32, #tpu.memory_space<vmem>>
      %dma_start3A_559 = tpu.memref_squeeze %dma_start3A_558 : memref<1x128xi32, #tpu.memory_space<vmem>> -> memref<128xi32, #tpu.memory_space<vmem>>
      %dma_start3A_560 = arith.constant 0 : i32
      %dma_start3A_561 = tpu.memref_slice %arg14[%dma_start3A_560] : memref<10240xf32, #tpu.memory_space<vmem_shared>> -> memref<10240xf32, #tpu.memory_space<vmem_shared>>
      tpu.enqueue_indirect_dma source(%arg11 : memref<128xf32, #tpu.memory_space<vmem>>) target(%dma_start3A_561 : memref<10240xf32, #tpu.memory_space<vmem_shared>>) offsets(%dma_start3A_559 : memref<128xi32, #tpu.memory_space<vmem>>) semaphore(%arg19 : memref<!tpu.dma_semaphore, #tpu.memory_space<semaphore_mem>>) {add = true}
      %dma_wait3A_562 = arith.constant 7 : i32
      %dma_wait3A_563 = arith.constant 0 : i32
      %dma_wait3A_564 = tpu.memref_slice %arg8[%dma_wait3A_562, %dma_wait3A_563] : memref<16x128xi32, #tpu.memory_space<vmem>> -> memref<1x128xi32, #tpu.memory_space<vmem>>
      %dma_wait3A_565 = tpu.memref_squeeze %dma_wait3A_564 : memref<1x128xi32, #tpu.memory_space<vmem>> -> memref<128xi32, #tpu.memory_space<vmem>>
      %dma_wait3A_566 = arith.constant 0 : i32
      %dma_wait3A_567 = arith.constant 0 : i32
      %dma_wait3A_568 = tpu.memref_slice %arg13[%dma_wait3A_566, %dma_wait3A_567] : memref<10240x128xf32, #tpu.memory_space<vmem_shared>> -> memref<10240x128xf32, #tpu.memory_space<vmem_shared>>
      tpu.wait_indirect_dma semaphore(%arg17 : memref<!tpu.dma_semaphore, #tpu.memory_space<semaphore_mem>>) src(%arg10 : memref<128x128xf32, #tpu.memory_space<vmem>>) dst(%dma_wait3A_568 : memref<10240x128xf32, #tpu.memory_space<vmem_shared>>)
      %dma_wait3A_569 = arith.constant 7 : i32
      %dma_wait3A_570 = arith.constant 0 : i32
      %dma_wait3A_571 = tpu.memref_slice %arg8[%dma_wait3A_569, %dma_wait3A_570] : memref<16x128xi32, #tpu.memory_space<vmem>> -> memref<1x128xi32, #tpu.memory_space<vmem>>
      %dma_wait3A_572 = tpu.memref_squeeze %dma_wait3A_571 : memref<1x128xi32, #tpu.memory_space<vmem>> -> memref<128xi32, #tpu.memory_space<vmem>>
      %dma_wait3A_573 = arith.constant 0 : i32
      %dma_wait3A_574 = tpu.memref_slice %arg14[%dma_wait3A_573] : memref<10240xf32, #tpu.memory_space<vmem_shared>> -> memref<10240xf32, #tpu.memory_space<vmem_shared>>
      tpu.wait_indirect_dma semaphore(%arg19 : memref<!tpu.dma_semaphore, #tpu.memory_space<semaphore_mem>>) src(%arg11 : memref<128xf32, #tpu.memory_space<vmem>>) dst(%dma_wait3A_574 : memref<10240xf32, #tpu.memory_space<vmem_shared>>)
      %dma_wait3A_575 = arith.constant 8 : i32
      %dma_wait3A_576 = arith.constant 0 : i32
      %dma_wait3A_577 = tpu.memref_slice %arg7[%dma_wait3A_575, %dma_wait3A_576] : memref<16x128xi32, #tpu.memory_space<vmem>> -> memref<1x128xi32, #tpu.memory_space<vmem>>
      %dma_wait3A_578 = tpu.memref_squeeze %dma_wait3A_577 : memref<1x128xi32, #tpu.memory_space<vmem>> -> memref<128xi32, #tpu.memory_space<vmem>>
      %dma_wait3A_579 = arith.constant 0 : i32
      %dma_wait3A_580 = arith.constant 0 : i32
      %dma_wait3A_581 = tpu.memref_slice %arg2[%dma_wait3A_579, %dma_wait3A_580] : memref<20000x128xf32, #tpu.memory_space<hbm>> -> memref<20000x128xf32, #tpu.memory_space<hbm>>
      tpu.wait_indirect_dma semaphore(%arg16 : memref<!tpu.dma_semaphore, #tpu.memory_space<semaphore_mem>>) src(%dma_wait3A_581 : memref<20000x128xf32, #tpu.memory_space<hbm>>) dst(%arg9 : memref<128x128xf32, #tpu.memory_space<vmem>>)
      %dma_start3A_582 = arith.constant 9 : i32
      %dma_start3A_583 = arith.constant 0 : i32
      %dma_start3A_584 = tpu.memref_slice %arg7[%dma_start3A_582, %dma_start3A_583] : memref<16x128xi32, #tpu.memory_space<vmem>> -> memref<1x128xi32, #tpu.memory_space<vmem>>
      %dma_start3A_585 = tpu.memref_squeeze %dma_start3A_584 : memref<1x128xi32, #tpu.memory_space<vmem>> -> memref<128xi32, #tpu.memory_space<vmem>>
      %dma_start3A_586 = arith.constant 0 : i32
      %dma_start3A_587 = arith.constant 0 : i32
      %dma_start3A_588 = tpu.memref_slice %arg2[%dma_start3A_586, %dma_start3A_587] : memref<20000x128xf32, #tpu.memory_space<hbm>> -> memref<20000x128xf32, #tpu.memory_space<hbm>>
      tpu.enqueue_indirect_dma source(%dma_start3A_588 : memref<20000x128xf32, #tpu.memory_space<hbm>>) target(%arg10 : memref<128x128xf32, #tpu.memory_space<vmem>>) offsets(%dma_start3A_585 : memref<128xi32, #tpu.memory_space<vmem>>) semaphore(%arg16 : memref<!tpu.dma_semaphore, #tpu.memory_space<semaphore_mem>>)
      %dma_start3A_589 = arith.constant 8 : i32
      %dma_start3A_590 = arith.constant 0 : i32
      %dma_start3A_591 = tpu.memref_slice %arg8[%dma_start3A_589, %dma_start3A_590] : memref<16x128xi32, #tpu.memory_space<vmem>> -> memref<1x128xi32, #tpu.memory_space<vmem>>
      %dma_start3A_592 = tpu.memref_squeeze %dma_start3A_591 : memref<1x128xi32, #tpu.memory_space<vmem>> -> memref<128xi32, #tpu.memory_space<vmem>>
      %dma_start3A_593 = arith.constant 0 : i32
      %dma_start3A_594 = arith.constant 0 : i32
      %dma_start3A_595 = tpu.memref_slice %arg13[%dma_start3A_593, %dma_start3A_594] : memref<10240x128xf32, #tpu.memory_space<vmem_shared>> -> memref<10240x128xf32, #tpu.memory_space<vmem_shared>>
      tpu.enqueue_indirect_dma source(%arg9 : memref<128x128xf32, #tpu.memory_space<vmem>>) target(%dma_start3A_595 : memref<10240x128xf32, #tpu.memory_space<vmem_shared>>) offsets(%dma_start3A_592 : memref<128xi32, #tpu.memory_space<vmem>>) semaphore(%arg17 : memref<!tpu.dma_semaphore, #tpu.memory_space<semaphore_mem>>) {add = true}
      %dma_start3A_596 = arith.constant 8 : i32
      %dma_start3A_597 = arith.constant 0 : i32
      %dma_start3A_598 = tpu.memref_slice %arg8[%dma_start3A_596, %dma_start3A_597] : memref<16x128xi32, #tpu.memory_space<vmem>> -> memref<1x128xi32, #tpu.memory_space<vmem>>
      %dma_start3A_599 = tpu.memref_squeeze %dma_start3A_598 : memref<1x128xi32, #tpu.memory_space<vmem>> -> memref<128xi32, #tpu.memory_space<vmem>>
      %dma_start3A_600 = arith.constant 0 : i32
      %dma_start3A_601 = tpu.memref_slice %arg14[%dma_start3A_600] : memref<10240xf32, #tpu.memory_space<vmem_shared>> -> memref<10240xf32, #tpu.memory_space<vmem_shared>>
      tpu.enqueue_indirect_dma source(%arg11 : memref<128xf32, #tpu.memory_space<vmem>>) target(%dma_start3A_601 : memref<10240xf32, #tpu.memory_space<vmem_shared>>) offsets(%dma_start3A_599 : memref<128xi32, #tpu.memory_space<vmem>>) semaphore(%arg19 : memref<!tpu.dma_semaphore, #tpu.memory_space<semaphore_mem>>) {add = true}
      %dma_wait3A_602 = arith.constant 8 : i32
      %dma_wait3A_603 = arith.constant 0 : i32
      %dma_wait3A_604 = tpu.memref_slice %arg8[%dma_wait3A_602, %dma_wait3A_603] : memref<16x128xi32, #tpu.memory_space<vmem>> -> memref<1x128xi32, #tpu.memory_space<vmem>>
      %dma_wait3A_605 = tpu.memref_squeeze %dma_wait3A_604 : memref<1x128xi32, #tpu.memory_space<vmem>> -> memref<128xi32, #tpu.memory_space<vmem>>
      %dma_wait3A_606 = arith.constant 0 : i32
      %dma_wait3A_607 = arith.constant 0 : i32
      %dma_wait3A_608 = tpu.memref_slice %arg13[%dma_wait3A_606, %dma_wait3A_607] : memref<10240x128xf32, #tpu.memory_space<vmem_shared>> -> memref<10240x128xf32, #tpu.memory_space<vmem_shared>>
      tpu.wait_indirect_dma semaphore(%arg17 : memref<!tpu.dma_semaphore, #tpu.memory_space<semaphore_mem>>) src(%arg9 : memref<128x128xf32, #tpu.memory_space<vmem>>) dst(%dma_wait3A_608 : memref<10240x128xf32, #tpu.memory_space<vmem_shared>>)
      %dma_wait3A_609 = arith.constant 8 : i32
      %dma_wait3A_610 = arith.constant 0 : i32
      %dma_wait3A_611 = tpu.memref_slice %arg8[%dma_wait3A_609, %dma_wait3A_610] : memref<16x128xi32, #tpu.memory_space<vmem>> -> memref<1x128xi32, #tpu.memory_space<vmem>>
      %dma_wait3A_612 = tpu.memref_squeeze %dma_wait3A_611 : memref<1x128xi32, #tpu.memory_space<vmem>> -> memref<128xi32, #tpu.memory_space<vmem>>
      %dma_wait3A_613 = arith.constant 0 : i32
      %dma_wait3A_614 = tpu.memref_slice %arg14[%dma_wait3A_613] : memref<10240xf32, #tpu.memory_space<vmem_shared>> -> memref<10240xf32, #tpu.memory_space<vmem_shared>>
      tpu.wait_indirect_dma semaphore(%arg19 : memref<!tpu.dma_semaphore, #tpu.memory_space<semaphore_mem>>) src(%arg11 : memref<128xf32, #tpu.memory_space<vmem>>) dst(%dma_wait3A_614 : memref<10240xf32, #tpu.memory_space<vmem_shared>>)
      %dma_wait3A_615 = arith.constant 9 : i32
      %dma_wait3A_616 = arith.constant 0 : i32
      %dma_wait3A_617 = tpu.memref_slice %arg7[%dma_wait3A_615, %dma_wait3A_616] : memref<16x128xi32, #tpu.memory_space<vmem>> -> memref<1x128xi32, #tpu.memory_space<vmem>>
      %dma_wait3A_618 = tpu.memref_squeeze %dma_wait3A_617 : memref<1x128xi32, #tpu.memory_space<vmem>> -> memref<128xi32, #tpu.memory_space<vmem>>
      %dma_wait3A_619 = arith.constant 0 : i32
      %dma_wait3A_620 = arith.constant 0 : i32
      %dma_wait3A_621 = tpu.memref_slice %arg2[%dma_wait3A_619, %dma_wait3A_620] : memref<20000x128xf32, #tpu.memory_space<hbm>> -> memref<20000x128xf32, #tpu.memory_space<hbm>>
      tpu.wait_indirect_dma semaphore(%arg16 : memref<!tpu.dma_semaphore, #tpu.memory_space<semaphore_mem>>) src(%dma_wait3A_621 : memref<20000x128xf32, #tpu.memory_space<hbm>>) dst(%arg10 : memref<128x128xf32, #tpu.memory_space<vmem>>)
      %dma_start3A_622 = arith.constant 10 : i32
      %dma_start3A_623 = arith.constant 0 : i32
      %dma_start3A_624 = tpu.memref_slice %arg7[%dma_start3A_622, %dma_start3A_623] : memref<16x128xi32, #tpu.memory_space<vmem>> -> memref<1x128xi32, #tpu.memory_space<vmem>>
      %dma_start3A_625 = tpu.memref_squeeze %dma_start3A_624 : memref<1x128xi32, #tpu.memory_space<vmem>> -> memref<128xi32, #tpu.memory_space<vmem>>
      %dma_start3A_626 = arith.constant 0 : i32
      %dma_start3A_627 = arith.constant 0 : i32
      %dma_start3A_628 = tpu.memref_slice %arg2[%dma_start3A_626, %dma_start3A_627] : memref<20000x128xf32, #tpu.memory_space<hbm>> -> memref<20000x128xf32, #tpu.memory_space<hbm>>
      tpu.enqueue_indirect_dma source(%dma_start3A_628 : memref<20000x128xf32, #tpu.memory_space<hbm>>) target(%arg9 : memref<128x128xf32, #tpu.memory_space<vmem>>) offsets(%dma_start3A_625 : memref<128xi32, #tpu.memory_space<vmem>>) semaphore(%arg16 : memref<!tpu.dma_semaphore, #tpu.memory_space<semaphore_mem>>)
      %dma_start3A_629 = arith.constant 9 : i32
      %dma_start3A_630 = arith.constant 0 : i32
      %dma_start3A_631 = tpu.memref_slice %arg8[%dma_start3A_629, %dma_start3A_630] : memref<16x128xi32, #tpu.memory_space<vmem>> -> memref<1x128xi32, #tpu.memory_space<vmem>>
      %dma_start3A_632 = tpu.memref_squeeze %dma_start3A_631 : memref<1x128xi32, #tpu.memory_space<vmem>> -> memref<128xi32, #tpu.memory_space<vmem>>
      %dma_start3A_633 = arith.constant 0 : i32
      %dma_start3A_634 = arith.constant 0 : i32
      %dma_start3A_635 = tpu.memref_slice %arg13[%dma_start3A_633, %dma_start3A_634] : memref<10240x128xf32, #tpu.memory_space<vmem_shared>> -> memref<10240x128xf32, #tpu.memory_space<vmem_shared>>
      tpu.enqueue_indirect_dma source(%arg10 : memref<128x128xf32, #tpu.memory_space<vmem>>) target(%dma_start3A_635 : memref<10240x128xf32, #tpu.memory_space<vmem_shared>>) offsets(%dma_start3A_632 : memref<128xi32, #tpu.memory_space<vmem>>) semaphore(%arg17 : memref<!tpu.dma_semaphore, #tpu.memory_space<semaphore_mem>>) {add = true}
      %dma_start3A_636 = arith.constant 9 : i32
      %dma_start3A_637 = arith.constant 0 : i32
      %dma_start3A_638 = tpu.memref_slice %arg8[%dma_start3A_636, %dma_start3A_637] : memref<16x128xi32, #tpu.memory_space<vmem>> -> memref<1x128xi32, #tpu.memory_space<vmem>>
      %dma_start3A_639 = tpu.memref_squeeze %dma_start3A_638 : memref<1x128xi32, #tpu.memory_space<vmem>> -> memref<128xi32, #tpu.memory_space<vmem>>
      %dma_start3A_640 = arith.constant 0 : i32
      %dma_start3A_641 = tpu.memref_slice %arg14[%dma_start3A_640] : memref<10240xf32, #tpu.memory_space<vmem_shared>> -> memref<10240xf32, #tpu.memory_space<vmem_shared>>
      tpu.enqueue_indirect_dma source(%arg11 : memref<128xf32, #tpu.memory_space<vmem>>) target(%dma_start3A_641 : memref<10240xf32, #tpu.memory_space<vmem_shared>>) offsets(%dma_start3A_639 : memref<128xi32, #tpu.memory_space<vmem>>) semaphore(%arg19 : memref<!tpu.dma_semaphore, #tpu.memory_space<semaphore_mem>>) {add = true}
      %dma_wait3A_642 = arith.constant 9 : i32
      %dma_wait3A_643 = arith.constant 0 : i32
      %dma_wait3A_644 = tpu.memref_slice %arg8[%dma_wait3A_642, %dma_wait3A_643] : memref<16x128xi32, #tpu.memory_space<vmem>> -> memref<1x128xi32, #tpu.memory_space<vmem>>
      %dma_wait3A_645 = tpu.memref_squeeze %dma_wait3A_644 : memref<1x128xi32, #tpu.memory_space<vmem>> -> memref<128xi32, #tpu.memory_space<vmem>>
      %dma_wait3A_646 = arith.constant 0 : i32
      %dma_wait3A_647 = arith.constant 0 : i32
      %dma_wait3A_648 = tpu.memref_slice %arg13[%dma_wait3A_646, %dma_wait3A_647] : memref<10240x128xf32, #tpu.memory_space<vmem_shared>> -> memref<10240x128xf32, #tpu.memory_space<vmem_shared>>
      tpu.wait_indirect_dma semaphore(%arg17 : memref<!tpu.dma_semaphore, #tpu.memory_space<semaphore_mem>>) src(%arg10 : memref<128x128xf32, #tpu.memory_space<vmem>>) dst(%dma_wait3A_648 : memref<10240x128xf32, #tpu.memory_space<vmem_shared>>)
      %dma_wait3A_649 = arith.constant 9 : i32
      %dma_wait3A_650 = arith.constant 0 : i32
      %dma_wait3A_651 = tpu.memref_slice %arg8[%dma_wait3A_649, %dma_wait3A_650] : memref<16x128xi32, #tpu.memory_space<vmem>> -> memref<1x128xi32, #tpu.memory_space<vmem>>
      %dma_wait3A_652 = tpu.memref_squeeze %dma_wait3A_651 : memref<1x128xi32, #tpu.memory_space<vmem>> -> memref<128xi32, #tpu.memory_space<vmem>>
      %dma_wait3A_653 = arith.constant 0 : i32
      %dma_wait3A_654 = tpu.memref_slice %arg14[%dma_wait3A_653] : memref<10240xf32, #tpu.memory_space<vmem_shared>> -> memref<10240xf32, #tpu.memory_space<vmem_shared>>
      tpu.wait_indirect_dma semaphore(%arg19 : memref<!tpu.dma_semaphore, #tpu.memory_space<semaphore_mem>>) src(%arg11 : memref<128xf32, #tpu.memory_space<vmem>>) dst(%dma_wait3A_654 : memref<10240xf32, #tpu.memory_space<vmem_shared>>)
      %dma_wait3A_655 = arith.constant 10 : i32
      %dma_wait3A_656 = arith.constant 0 : i32
      %dma_wait3A_657 = tpu.memref_slice %arg7[%dma_wait3A_655, %dma_wait3A_656] : memref<16x128xi32, #tpu.memory_space<vmem>> -> memref<1x128xi32, #tpu.memory_space<vmem>>
      %dma_wait3A_658 = tpu.memref_squeeze %dma_wait3A_657 : memref<1x128xi32, #tpu.memory_space<vmem>> -> memref<128xi32, #tpu.memory_space<vmem>>
      %dma_wait3A_659 = arith.constant 0 : i32
      %dma_wait3A_660 = arith.constant 0 : i32
      %dma_wait3A_661 = tpu.memref_slice %arg2[%dma_wait3A_659, %dma_wait3A_660] : memref<20000x128xf32, #tpu.memory_space<hbm>> -> memref<20000x128xf32, #tpu.memory_space<hbm>>
      tpu.wait_indirect_dma semaphore(%arg16 : memref<!tpu.dma_semaphore, #tpu.memory_space<semaphore_mem>>) src(%dma_wait3A_661 : memref<20000x128xf32, #tpu.memory_space<hbm>>) dst(%arg9 : memref<128x128xf32, #tpu.memory_space<vmem>>)
      %dma_start3A_662 = arith.constant 11 : i32
      %dma_start3A_663 = arith.constant 0 : i32
      %dma_start3A_664 = tpu.memref_slice %arg7[%dma_start3A_662, %dma_start3A_663] : memref<16x128xi32, #tpu.memory_space<vmem>> -> memref<1x128xi32, #tpu.memory_space<vmem>>
      %dma_start3A_665 = tpu.memref_squeeze %dma_start3A_664 : memref<1x128xi32, #tpu.memory_space<vmem>> -> memref<128xi32, #tpu.memory_space<vmem>>
      %dma_start3A_666 = arith.constant 0 : i32
      %dma_start3A_667 = arith.constant 0 : i32
      %dma_start3A_668 = tpu.memref_slice %arg2[%dma_start3A_666, %dma_start3A_667] : memref<20000x128xf32, #tpu.memory_space<hbm>> -> memref<20000x128xf32, #tpu.memory_space<hbm>>
      tpu.enqueue_indirect_dma source(%dma_start3A_668 : memref<20000x128xf32, #tpu.memory_space<hbm>>) target(%arg10 : memref<128x128xf32, #tpu.memory_space<vmem>>) offsets(%dma_start3A_665 : memref<128xi32, #tpu.memory_space<vmem>>) semaphore(%arg16 : memref<!tpu.dma_semaphore, #tpu.memory_space<semaphore_mem>>)
      %dma_start3A_669 = arith.constant 10 : i32
      %dma_start3A_670 = arith.constant 0 : i32
      %dma_start3A_671 = tpu.memref_slice %arg8[%dma_start3A_669, %dma_start3A_670] : memref<16x128xi32, #tpu.memory_space<vmem>> -> memref<1x128xi32, #tpu.memory_space<vmem>>
      %dma_start3A_672 = tpu.memref_squeeze %dma_start3A_671 : memref<1x128xi32, #tpu.memory_space<vmem>> -> memref<128xi32, #tpu.memory_space<vmem>>
      %dma_start3A_673 = arith.constant 0 : i32
      %dma_start3A_674 = arith.constant 0 : i32
      %dma_start3A_675 = tpu.memref_slice %arg13[%dma_start3A_673, %dma_start3A_674] : memref<10240x128xf32, #tpu.memory_space<vmem_shared>> -> memref<10240x128xf32, #tpu.memory_space<vmem_shared>>
      tpu.enqueue_indirect_dma source(%arg9 : memref<128x128xf32, #tpu.memory_space<vmem>>) target(%dma_start3A_675 : memref<10240x128xf32, #tpu.memory_space<vmem_shared>>) offsets(%dma_start3A_672 : memref<128xi32, #tpu.memory_space<vmem>>) semaphore(%arg17 : memref<!tpu.dma_semaphore, #tpu.memory_space<semaphore_mem>>) {add = true}
      %dma_start3A_676 = arith.constant 10 : i32
      %dma_start3A_677 = arith.constant 0 : i32
      %dma_start3A_678 = tpu.memref_slice %arg8[%dma_start3A_676, %dma_start3A_677] : memref<16x128xi32, #tpu.memory_space<vmem>> -> memref<1x128xi32, #tpu.memory_space<vmem>>
      %dma_start3A_679 = tpu.memref_squeeze %dma_start3A_678 : memref<1x128xi32, #tpu.memory_space<vmem>> -> memref<128xi32, #tpu.memory_space<vmem>>
      %dma_start3A_680 = arith.constant 0 : i32
      %dma_start3A_681 = tpu.memref_slice %arg14[%dma_start3A_680] : memref<10240xf32, #tpu.memory_space<vmem_shared>> -> memref<10240xf32, #tpu.memory_space<vmem_shared>>
      tpu.enqueue_indirect_dma source(%arg11 : memref<128xf32, #tpu.memory_space<vmem>>) target(%dma_start3A_681 : memref<10240xf32, #tpu.memory_space<vmem_shared>>) offsets(%dma_start3A_679 : memref<128xi32, #tpu.memory_space<vmem>>) semaphore(%arg19 : memref<!tpu.dma_semaphore, #tpu.memory_space<semaphore_mem>>) {add = true}
      %dma_wait3A_682 = arith.constant 10 : i32
      %dma_wait3A_683 = arith.constant 0 : i32
      %dma_wait3A_684 = tpu.memref_slice %arg8[%dma_wait3A_682, %dma_wait3A_683] : memref<16x128xi32, #tpu.memory_space<vmem>> -> memref<1x128xi32, #tpu.memory_space<vmem>>
      %dma_wait3A_685 = tpu.memref_squeeze %dma_wait3A_684 : memref<1x128xi32, #tpu.memory_space<vmem>> -> memref<128xi32, #tpu.memory_space<vmem>>
      %dma_wait3A_686 = arith.constant 0 : i32
      %dma_wait3A_687 = arith.constant 0 : i32
      %dma_wait3A_688 = tpu.memref_slice %arg13[%dma_wait3A_686, %dma_wait3A_687] : memref<10240x128xf32, #tpu.memory_space<vmem_shared>> -> memref<10240x128xf32, #tpu.memory_space<vmem_shared>>
      tpu.wait_indirect_dma semaphore(%arg17 : memref<!tpu.dma_semaphore, #tpu.memory_space<semaphore_mem>>) src(%arg9 : memref<128x128xf32, #tpu.memory_space<vmem>>) dst(%dma_wait3A_688 : memref<10240x128xf32, #tpu.memory_space<vmem_shared>>)
      %dma_wait3A_689 = arith.constant 10 : i32
      %dma_wait3A_690 = arith.constant 0 : i32
      %dma_wait3A_691 = tpu.memref_slice %arg8[%dma_wait3A_689, %dma_wait3A_690] : memref<16x128xi32, #tpu.memory_space<vmem>> -> memref<1x128xi32, #tpu.memory_space<vmem>>
      %dma_wait3A_692 = tpu.memref_squeeze %dma_wait3A_691 : memref<1x128xi32, #tpu.memory_space<vmem>> -> memref<128xi32, #tpu.memory_space<vmem>>
      %dma_wait3A_693 = arith.constant 0 : i32
      %dma_wait3A_694 = tpu.memref_slice %arg14[%dma_wait3A_693] : memref<10240xf32, #tpu.memory_space<vmem_shared>> -> memref<10240xf32, #tpu.memory_space<vmem_shared>>
      tpu.wait_indirect_dma semaphore(%arg19 : memref<!tpu.dma_semaphore, #tpu.memory_space<semaphore_mem>>) src(%arg11 : memref<128xf32, #tpu.memory_space<vmem>>) dst(%dma_wait3A_694 : memref<10240xf32, #tpu.memory_space<vmem_shared>>)
      %dma_wait3A_695 = arith.constant 11 : i32
      %dma_wait3A_696 = arith.constant 0 : i32
      %dma_wait3A_697 = tpu.memref_slice %arg7[%dma_wait3A_695, %dma_wait3A_696] : memref<16x128xi32, #tpu.memory_space<vmem>> -> memref<1x128xi32, #tpu.memory_space<vmem>>
      %dma_wait3A_698 = tpu.memref_squeeze %dma_wait3A_697 : memref<1x128xi32, #tpu.memory_space<vmem>> -> memref<128xi32, #tpu.memory_space<vmem>>
      %dma_wait3A_699 = arith.constant 0 : i32
      %dma_wait3A_700 = arith.constant 0 : i32
      %dma_wait3A_701 = tpu.memref_slice %arg2[%dma_wait3A_699, %dma_wait3A_700] : memref<20000x128xf32, #tpu.memory_space<hbm>> -> memref<20000x128xf32, #tpu.memory_space<hbm>>
      tpu.wait_indirect_dma semaphore(%arg16 : memref<!tpu.dma_semaphore, #tpu.memory_space<semaphore_mem>>) src(%dma_wait3A_701 : memref<20000x128xf32, #tpu.memory_space<hbm>>) dst(%arg10 : memref<128x128xf32, #tpu.memory_space<vmem>>)
      %dma_start3A_702 = arith.constant 12 : i32
      %dma_start3A_703 = arith.constant 0 : i32
      %dma_start3A_704 = tpu.memref_slice %arg7[%dma_start3A_702, %dma_start3A_703] : memref<16x128xi32, #tpu.memory_space<vmem>> -> memref<1x128xi32, #tpu.memory_space<vmem>>
      %dma_start3A_705 = tpu.memref_squeeze %dma_start3A_704 : memref<1x128xi32, #tpu.memory_space<vmem>> -> memref<128xi32, #tpu.memory_space<vmem>>
      %dma_start3A_706 = arith.constant 0 : i32
      %dma_start3A_707 = arith.constant 0 : i32
      %dma_start3A_708 = tpu.memref_slice %arg2[%dma_start3A_706, %dma_start3A_707] : memref<20000x128xf32, #tpu.memory_space<hbm>> -> memref<20000x128xf32, #tpu.memory_space<hbm>>
      tpu.enqueue_indirect_dma source(%dma_start3A_708 : memref<20000x128xf32, #tpu.memory_space<hbm>>) target(%arg9 : memref<128x128xf32, #tpu.memory_space<vmem>>) offsets(%dma_start3A_705 : memref<128xi32, #tpu.memory_space<vmem>>) semaphore(%arg16 : memref<!tpu.dma_semaphore, #tpu.memory_space<semaphore_mem>>)
      %dma_start3A_709 = arith.constant 11 : i32
      %dma_start3A_710 = arith.constant 0 : i32
      %dma_start3A_711 = tpu.memref_slice %arg8[%dma_start3A_709, %dma_start3A_710] : memref<16x128xi32, #tpu.memory_space<vmem>> -> memref<1x128xi32, #tpu.memory_space<vmem>>
      %dma_start3A_712 = tpu.memref_squeeze %dma_start3A_711 : memref<1x128xi32, #tpu.memory_space<vmem>> -> memref<128xi32, #tpu.memory_space<vmem>>
      %dma_start3A_713 = arith.constant 0 : i32
      %dma_start3A_714 = arith.constant 0 : i32
      %dma_start3A_715 = tpu.memref_slice %arg13[%dma_start3A_713, %dma_start3A_714] : memref<10240x128xf32, #tpu.memory_space<vmem_shared>> -> memref<10240x128xf32, #tpu.memory_space<vmem_shared>>
      tpu.enqueue_indirect_dma source(%arg10 : memref<128x128xf32, #tpu.memory_space<vmem>>) target(%dma_start3A_715 : memref<10240x128xf32, #tpu.memory_space<vmem_shared>>) offsets(%dma_start3A_712 : memref<128xi32, #tpu.memory_space<vmem>>) semaphore(%arg17 : memref<!tpu.dma_semaphore, #tpu.memory_space<semaphore_mem>>) {add = true}
      %dma_start3A_716 = arith.constant 11 : i32
      %dma_start3A_717 = arith.constant 0 : i32
      %dma_start3A_718 = tpu.memref_slice %arg8[%dma_start3A_716, %dma_start3A_717] : memref<16x128xi32, #tpu.memory_space<vmem>> -> memref<1x128xi32, #tpu.memory_space<vmem>>
      %dma_start3A_719 = tpu.memref_squeeze %dma_start3A_718 : memref<1x128xi32, #tpu.memory_space<vmem>> -> memref<128xi32, #tpu.memory_space<vmem>>
      %dma_start3A_720 = arith.constant 0 : i32
      %dma_start3A_721 = tpu.memref_slice %arg14[%dma_start3A_720] : memref<10240xf32, #tpu.memory_space<vmem_shared>> -> memref<10240xf32, #tpu.memory_space<vmem_shared>>
      tpu.enqueue_indirect_dma source(%arg11 : memref<128xf32, #tpu.memory_space<vmem>>) target(%dma_start3A_721 : memref<10240xf32, #tpu.memory_space<vmem_shared>>) offsets(%dma_start3A_719 : memref<128xi32, #tpu.memory_space<vmem>>) semaphore(%arg19 : memref<!tpu.dma_semaphore, #tpu.memory_space<semaphore_mem>>) {add = true}
      %dma_wait3A_722 = arith.constant 11 : i32
      %dma_wait3A_723 = arith.constant 0 : i32
      %dma_wait3A_724 = tpu.memref_slice %arg8[%dma_wait3A_722, %dma_wait3A_723] : memref<16x128xi32, #tpu.memory_space<vmem>> -> memref<1x128xi32, #tpu.memory_space<vmem>>
      %dma_wait3A_725 = tpu.memref_squeeze %dma_wait3A_724 : memref<1x128xi32, #tpu.memory_space<vmem>> -> memref<128xi32, #tpu.memory_space<vmem>>
      %dma_wait3A_726 = arith.constant 0 : i32
      %dma_wait3A_727 = arith.constant 0 : i32
      %dma_wait3A_728 = tpu.memref_slice %arg13[%dma_wait3A_726, %dma_wait3A_727] : memref<10240x128xf32, #tpu.memory_space<vmem_shared>> -> memref<10240x128xf32, #tpu.memory_space<vmem_shared>>
      tpu.wait_indirect_dma semaphore(%arg17 : memref<!tpu.dma_semaphore, #tpu.memory_space<semaphore_mem>>) src(%arg10 : memref<128x128xf32, #tpu.memory_space<vmem>>) dst(%dma_wait3A_728 : memref<10240x128xf32, #tpu.memory_space<vmem_shared>>)
      %dma_wait3A_729 = arith.constant 11 : i32
      %dma_wait3A_730 = arith.constant 0 : i32
      %dma_wait3A_731 = tpu.memref_slice %arg8[%dma_wait3A_729, %dma_wait3A_730] : memref<16x128xi32, #tpu.memory_space<vmem>> -> memref<1x128xi32, #tpu.memory_space<vmem>>
      %dma_wait3A_732 = tpu.memref_squeeze %dma_wait3A_731 : memref<1x128xi32, #tpu.memory_space<vmem>> -> memref<128xi32, #tpu.memory_space<vmem>>
      %dma_wait3A_733 = arith.constant 0 : i32
      %dma_wait3A_734 = tpu.memref_slice %arg14[%dma_wait3A_733] : memref<10240xf32, #tpu.memory_space<vmem_shared>> -> memref<10240xf32, #tpu.memory_space<vmem_shared>>
      tpu.wait_indirect_dma semaphore(%arg19 : memref<!tpu.dma_semaphore, #tpu.memory_space<semaphore_mem>>) src(%arg11 : memref<128xf32, #tpu.memory_space<vmem>>) dst(%dma_wait3A_734 : memref<10240xf32, #tpu.memory_space<vmem_shared>>)
      %dma_wait3A_735 = arith.constant 12 : i32
      %dma_wait3A_736 = arith.constant 0 : i32
      %dma_wait3A_737 = tpu.memref_slice %arg7[%dma_wait3A_735, %dma_wait3A_736] : memref<16x128xi32, #tpu.memory_space<vmem>> -> memref<1x128xi32, #tpu.memory_space<vmem>>
      %dma_wait3A_738 = tpu.memref_squeeze %dma_wait3A_737 : memref<1x128xi32, #tpu.memory_space<vmem>> -> memref<128xi32, #tpu.memory_space<vmem>>
      %dma_wait3A_739 = arith.constant 0 : i32
      %dma_wait3A_740 = arith.constant 0 : i32
      %dma_wait3A_741 = tpu.memref_slice %arg2[%dma_wait3A_739, %dma_wait3A_740] : memref<20000x128xf32, #tpu.memory_space<hbm>> -> memref<20000x128xf32, #tpu.memory_space<hbm>>
      tpu.wait_indirect_dma semaphore(%arg16 : memref<!tpu.dma_semaphore, #tpu.memory_space<semaphore_mem>>) src(%dma_wait3A_741 : memref<20000x128xf32, #tpu.memory_space<hbm>>) dst(%arg9 : memref<128x128xf32, #tpu.memory_space<vmem>>)
      %dma_start3A_742 = arith.constant 13 : i32
      %dma_start3A_743 = arith.constant 0 : i32
      %dma_start3A_744 = tpu.memref_slice %arg7[%dma_start3A_742, %dma_start3A_743] : memref<16x128xi32, #tpu.memory_space<vmem>> -> memref<1x128xi32, #tpu.memory_space<vmem>>
      %dma_start3A_745 = tpu.memref_squeeze %dma_start3A_744 : memref<1x128xi32, #tpu.memory_space<vmem>> -> memref<128xi32, #tpu.memory_space<vmem>>
      %dma_start3A_746 = arith.constant 0 : i32
      %dma_start3A_747 = arith.constant 0 : i32
      %dma_start3A_748 = tpu.memref_slice %arg2[%dma_start3A_746, %dma_start3A_747] : memref<20000x128xf32, #tpu.memory_space<hbm>> -> memref<20000x128xf32, #tpu.memory_space<hbm>>
      tpu.enqueue_indirect_dma source(%dma_start3A_748 : memref<20000x128xf32, #tpu.memory_space<hbm>>) target(%arg10 : memref<128x128xf32, #tpu.memory_space<vmem>>) offsets(%dma_start3A_745 : memref<128xi32, #tpu.memory_space<vmem>>) semaphore(%arg16 : memref<!tpu.dma_semaphore, #tpu.memory_space<semaphore_mem>>)
      %dma_start3A_749 = arith.constant 12 : i32
      %dma_start3A_750 = arith.constant 0 : i32
      %dma_start3A_751 = tpu.memref_slice %arg8[%dma_start3A_749, %dma_start3A_750] : memref<16x128xi32, #tpu.memory_space<vmem>> -> memref<1x128xi32, #tpu.memory_space<vmem>>
      %dma_start3A_752 = tpu.memref_squeeze %dma_start3A_751 : memref<1x128xi32, #tpu.memory_space<vmem>> -> memref<128xi32, #tpu.memory_space<vmem>>
      %dma_start3A_753 = arith.constant 0 : i32
      %dma_start3A_754 = arith.constant 0 : i32
      %dma_start3A_755 = tpu.memref_slice %arg13[%dma_start3A_753, %dma_start3A_754] : memref<10240x128xf32, #tpu.memory_space<vmem_shared>> -> memref<10240x128xf32, #tpu.memory_space<vmem_shared>>
      tpu.enqueue_indirect_dma source(%arg9 : memref<128x128xf32, #tpu.memory_space<vmem>>) target(%dma_start3A_755 : memref<10240x128xf32, #tpu.memory_space<vmem_shared>>) offsets(%dma_start3A_752 : memref<128xi32, #tpu.memory_space<vmem>>) semaphore(%arg17 : memref<!tpu.dma_semaphore, #tpu.memory_space<semaphore_mem>>) {add = true}
      %dma_start3A_756 = arith.constant 12 : i32
      %dma_start3A_757 = arith.constant 0 : i32
      %dma_start3A_758 = tpu.memref_slice %arg8[%dma_start3A_756, %dma_start3A_757] : memref<16x128xi32, #tpu.memory_space<vmem>> -> memref<1x128xi32, #tpu.memory_space<vmem>>
      %dma_start3A_759 = tpu.memref_squeeze %dma_start3A_758 : memref<1x128xi32, #tpu.memory_space<vmem>> -> memref<128xi32, #tpu.memory_space<vmem>>
      %dma_start3A_760 = arith.constant 0 : i32
      %dma_start3A_761 = tpu.memref_slice %arg14[%dma_start3A_760] : memref<10240xf32, #tpu.memory_space<vmem_shared>> -> memref<10240xf32, #tpu.memory_space<vmem_shared>>
      tpu.enqueue_indirect_dma source(%arg11 : memref<128xf32, #tpu.memory_space<vmem>>) target(%dma_start3A_761 : memref<10240xf32, #tpu.memory_space<vmem_shared>>) offsets(%dma_start3A_759 : memref<128xi32, #tpu.memory_space<vmem>>) semaphore(%arg19 : memref<!tpu.dma_semaphore, #tpu.memory_space<semaphore_mem>>) {add = true}
      %dma_wait3A_762 = arith.constant 12 : i32
      %dma_wait3A_763 = arith.constant 0 : i32
      %dma_wait3A_764 = tpu.memref_slice %arg8[%dma_wait3A_762, %dma_wait3A_763] : memref<16x128xi32, #tpu.memory_space<vmem>> -> memref<1x128xi32, #tpu.memory_space<vmem>>
      %dma_wait3A_765 = tpu.memref_squeeze %dma_wait3A_764 : memref<1x128xi32, #tpu.memory_space<vmem>> -> memref<128xi32, #tpu.memory_space<vmem>>
      %dma_wait3A_766 = arith.constant 0 : i32
      %dma_wait3A_767 = arith.constant 0 : i32
      %dma_wait3A_768 = tpu.memref_slice %arg13[%dma_wait3A_766, %dma_wait3A_767] : memref<10240x128xf32, #tpu.memory_space<vmem_shared>> -> memref<10240x128xf32, #tpu.memory_space<vmem_shared>>
      tpu.wait_indirect_dma semaphore(%arg17 : memref<!tpu.dma_semaphore, #tpu.memory_space<semaphore_mem>>) src(%arg9 : memref<128x128xf32, #tpu.memory_space<vmem>>) dst(%dma_wait3A_768 : memref<10240x128xf32, #tpu.memory_space<vmem_shared>>)
      %dma_wait3A_769 = arith.constant 12 : i32
      %dma_wait3A_770 = arith.constant 0 : i32
      %dma_wait3A_771 = tpu.memref_slice %arg8[%dma_wait3A_769, %dma_wait3A_770] : memref<16x128xi32, #tpu.memory_space<vmem>> -> memref<1x128xi32, #tpu.memory_space<vmem>>
      %dma_wait3A_772 = tpu.memref_squeeze %dma_wait3A_771 : memref<1x128xi32, #tpu.memory_space<vmem>> -> memref<128xi32, #tpu.memory_space<vmem>>
      %dma_wait3A_773 = arith.constant 0 : i32
      %dma_wait3A_774 = tpu.memref_slice %arg14[%dma_wait3A_773] : memref<10240xf32, #tpu.memory_space<vmem_shared>> -> memref<10240xf32, #tpu.memory_space<vmem_shared>>
      tpu.wait_indirect_dma semaphore(%arg19 : memref<!tpu.dma_semaphore, #tpu.memory_space<semaphore_mem>>) src(%arg11 : memref<128xf32, #tpu.memory_space<vmem>>) dst(%dma_wait3A_774 : memref<10240xf32, #tpu.memory_space<vmem_shared>>)
      %dma_wait3A_775 = arith.constant 13 : i32
      %dma_wait3A_776 = arith.constant 0 : i32
      %dma_wait3A_777 = tpu.memref_slice %arg7[%dma_wait3A_775, %dma_wait3A_776] : memref<16x128xi32, #tpu.memory_space<vmem>> -> memref<1x128xi32, #tpu.memory_space<vmem>>
      %dma_wait3A_778 = tpu.memref_squeeze %dma_wait3A_777 : memref<1x128xi32, #tpu.memory_space<vmem>> -> memref<128xi32, #tpu.memory_space<vmem>>
      %dma_wait3A_779 = arith.constant 0 : i32
      %dma_wait3A_780 = arith.constant 0 : i32
      %dma_wait3A_781 = tpu.memref_slice %arg2[%dma_wait3A_779, %dma_wait3A_780] : memref<20000x128xf32, #tpu.memory_space<hbm>> -> memref<20000x128xf32, #tpu.memory_space<hbm>>
      tpu.wait_indirect_dma semaphore(%arg16 : memref<!tpu.dma_semaphore, #tpu.memory_space<semaphore_mem>>) src(%dma_wait3A_781 : memref<20000x128xf32, #tpu.memory_space<hbm>>) dst(%arg10 : memref<128x128xf32, #tpu.memory_space<vmem>>)
      %dma_start3A_782 = arith.constant 14 : i32
      %dma_start3A_783 = arith.constant 0 : i32
      %dma_start3A_784 = tpu.memref_slice %arg7[%dma_start3A_782, %dma_start3A_783] : memref<16x128xi32, #tpu.memory_space<vmem>> -> memref<1x128xi32, #tpu.memory_space<vmem>>
      %dma_start3A_785 = tpu.memref_squeeze %dma_start3A_784 : memref<1x128xi32, #tpu.memory_space<vmem>> -> memref<128xi32, #tpu.memory_space<vmem>>
      %dma_start3A_786 = arith.constant 0 : i32
      %dma_start3A_787 = arith.constant 0 : i32
      %dma_start3A_788 = tpu.memref_slice %arg2[%dma_start3A_786, %dma_start3A_787] : memref<20000x128xf32, #tpu.memory_space<hbm>> -> memref<20000x128xf32, #tpu.memory_space<hbm>>
      tpu.enqueue_indirect_dma source(%dma_start3A_788 : memref<20000x128xf32, #tpu.memory_space<hbm>>) target(%arg9 : memref<128x128xf32, #tpu.memory_space<vmem>>) offsets(%dma_start3A_785 : memref<128xi32, #tpu.memory_space<vmem>>) semaphore(%arg16 : memref<!tpu.dma_semaphore, #tpu.memory_space<semaphore_mem>>)
      %dma_start3A_789 = arith.constant 13 : i32
      %dma_start3A_790 = arith.constant 0 : i32
      %dma_start3A_791 = tpu.memref_slice %arg8[%dma_start3A_789, %dma_start3A_790] : memref<16x128xi32, #tpu.memory_space<vmem>> -> memref<1x128xi32, #tpu.memory_space<vmem>>
      %dma_start3A_792 = tpu.memref_squeeze %dma_start3A_791 : memref<1x128xi32, #tpu.memory_space<vmem>> -> memref<128xi32, #tpu.memory_space<vmem>>
      %dma_start3A_793 = arith.constant 0 : i32
      %dma_start3A_794 = arith.constant 0 : i32
      %dma_start3A_795 = tpu.memref_slice %arg13[%dma_start3A_793, %dma_start3A_794] : memref<10240x128xf32, #tpu.memory_space<vmem_shared>> -> memref<10240x128xf32, #tpu.memory_space<vmem_shared>>
      tpu.enqueue_indirect_dma source(%arg10 : memref<128x128xf32, #tpu.memory_space<vmem>>) target(%dma_start3A_795 : memref<10240x128xf32, #tpu.memory_space<vmem_shared>>) offsets(%dma_start3A_792 : memref<128xi32, #tpu.memory_space<vmem>>) semaphore(%arg17 : memref<!tpu.dma_semaphore, #tpu.memory_space<semaphore_mem>>) {add = true}
      %dma_start3A_796 = arith.constant 13 : i32
      %dma_start3A_797 = arith.constant 0 : i32
      %dma_start3A_798 = tpu.memref_slice %arg8[%dma_start3A_796, %dma_start3A_797] : memref<16x128xi32, #tpu.memory_space<vmem>> -> memref<1x128xi32, #tpu.memory_space<vmem>>
      %dma_start3A_799 = tpu.memref_squeeze %dma_start3A_798 : memref<1x128xi32, #tpu.memory_space<vmem>> -> memref<128xi32, #tpu.memory_space<vmem>>
      %dma_start3A_800 = arith.constant 0 : i32
      %dma_start3A_801 = tpu.memref_slice %arg14[%dma_start3A_800] : memref<10240xf32, #tpu.memory_space<vmem_shared>> -> memref<10240xf32, #tpu.memory_space<vmem_shared>>
      tpu.enqueue_indirect_dma source(%arg11 : memref<128xf32, #tpu.memory_space<vmem>>) target(%dma_start3A_801 : memref<10240xf32, #tpu.memory_space<vmem_shared>>) offsets(%dma_start3A_799 : memref<128xi32, #tpu.memory_space<vmem>>) semaphore(%arg19 : memref<!tpu.dma_semaphore, #tpu.memory_space<semaphore_mem>>) {add = true}
      %dma_wait3A_802 = arith.constant 13 : i32
      %dma_wait3A_803 = arith.constant 0 : i32
      %dma_wait3A_804 = tpu.memref_slice %arg8[%dma_wait3A_802, %dma_wait3A_803] : memref<16x128xi32, #tpu.memory_space<vmem>> -> memref<1x128xi32, #tpu.memory_space<vmem>>
      %dma_wait3A_805 = tpu.memref_squeeze %dma_wait3A_804 : memref<1x128xi32, #tpu.memory_space<vmem>> -> memref<128xi32, #tpu.memory_space<vmem>>
      %dma_wait3A_806 = arith.constant 0 : i32
      %dma_wait3A_807 = arith.constant 0 : i32
      %dma_wait3A_808 = tpu.memref_slice %arg13[%dma_wait3A_806, %dma_wait3A_807] : memref<10240x128xf32, #tpu.memory_space<vmem_shared>> -> memref<10240x128xf32, #tpu.memory_space<vmem_shared>>
      tpu.wait_indirect_dma semaphore(%arg17 : memref<!tpu.dma_semaphore, #tpu.memory_space<semaphore_mem>>) src(%arg10 : memref<128x128xf32, #tpu.memory_space<vmem>>) dst(%dma_wait3A_808 : memref<10240x128xf32, #tpu.memory_space<vmem_shared>>)
      %dma_wait3A_809 = arith.constant 13 : i32
      %dma_wait3A_810 = arith.constant 0 : i32
      %dma_wait3A_811 = tpu.memref_slice %arg8[%dma_wait3A_809, %dma_wait3A_810] : memref<16x128xi32, #tpu.memory_space<vmem>> -> memref<1x128xi32, #tpu.memory_space<vmem>>
      %dma_wait3A_812 = tpu.memref_squeeze %dma_wait3A_811 : memref<1x128xi32, #tpu.memory_space<vmem>> -> memref<128xi32, #tpu.memory_space<vmem>>
      %dma_wait3A_813 = arith.constant 0 : i32
      %dma_wait3A_814 = tpu.memref_slice %arg14[%dma_wait3A_813] : memref<10240xf32, #tpu.memory_space<vmem_shared>> -> memref<10240xf32, #tpu.memory_space<vmem_shared>>
      tpu.wait_indirect_dma semaphore(%arg19 : memref<!tpu.dma_semaphore, #tpu.memory_space<semaphore_mem>>) src(%arg11 : memref<128xf32, #tpu.memory_space<vmem>>) dst(%dma_wait3A_814 : memref<10240xf32, #tpu.memory_space<vmem_shared>>)
      %dma_wait3A_815 = arith.constant 14 : i32
      %dma_wait3A_816 = arith.constant 0 : i32
      %dma_wait3A_817 = tpu.memref_slice %arg7[%dma_wait3A_815, %dma_wait3A_816] : memref<16x128xi32, #tpu.memory_space<vmem>> -> memref<1x128xi32, #tpu.memory_space<vmem>>
      %dma_wait3A_818 = tpu.memref_squeeze %dma_wait3A_817 : memref<1x128xi32, #tpu.memory_space<vmem>> -> memref<128xi32, #tpu.memory_space<vmem>>
      %dma_wait3A_819 = arith.constant 0 : i32
      %dma_wait3A_820 = arith.constant 0 : i32
      %dma_wait3A_821 = tpu.memref_slice %arg2[%dma_wait3A_819, %dma_wait3A_820] : memref<20000x128xf32, #tpu.memory_space<hbm>> -> memref<20000x128xf32, #tpu.memory_space<hbm>>
      tpu.wait_indirect_dma semaphore(%arg16 : memref<!tpu.dma_semaphore, #tpu.memory_space<semaphore_mem>>) src(%dma_wait3A_821 : memref<20000x128xf32, #tpu.memory_space<hbm>>) dst(%arg9 : memref<128x128xf32, #tpu.memory_space<vmem>>)
      %dma_start3A_822 = arith.constant 15 : i32
      %dma_start3A_823 = arith.constant 0 : i32
      %dma_start3A_824 = tpu.memref_slice %arg7[%dma_start3A_822, %dma_start3A_823] : memref<16x128xi32, #tpu.memory_space<vmem>> -> memref<1x128xi32, #tpu.memory_space<vmem>>
      %dma_start3A_825 = tpu.memref_squeeze %dma_start3A_824 : memref<1x128xi32, #tpu.memory_space<vmem>> -> memref<128xi32, #tpu.memory_space<vmem>>
      %dma_start3A_826 = arith.constant 0 : i32
      %dma_start3A_827 = arith.constant 0 : i32
      %dma_start3A_828 = tpu.memref_slice %arg2[%dma_start3A_826, %dma_start3A_827] : memref<20000x128xf32, #tpu.memory_space<hbm>> -> memref<20000x128xf32, #tpu.memory_space<hbm>>
      tpu.enqueue_indirect_dma source(%dma_start3A_828 : memref<20000x128xf32, #tpu.memory_space<hbm>>) target(%arg10 : memref<128x128xf32, #tpu.memory_space<vmem>>) offsets(%dma_start3A_825 : memref<128xi32, #tpu.memory_space<vmem>>) semaphore(%arg16 : memref<!tpu.dma_semaphore, #tpu.memory_space<semaphore_mem>>)
      %dma_start3A_829 = arith.constant 14 : i32
      %dma_start3A_830 = arith.constant 0 : i32
      %dma_start3A_831 = tpu.memref_slice %arg8[%dma_start3A_829, %dma_start3A_830] : memref<16x128xi32, #tpu.memory_space<vmem>> -> memref<1x128xi32, #tpu.memory_space<vmem>>
      %dma_start3A_832 = tpu.memref_squeeze %dma_start3A_831 : memref<1x128xi32, #tpu.memory_space<vmem>> -> memref<128xi32, #tpu.memory_space<vmem>>
      %dma_start3A_833 = arith.constant 0 : i32
      %dma_start3A_834 = arith.constant 0 : i32
      %dma_start3A_835 = tpu.memref_slice %arg13[%dma_start3A_833, %dma_start3A_834] : memref<10240x128xf32, #tpu.memory_space<vmem_shared>> -> memref<10240x128xf32, #tpu.memory_space<vmem_shared>>
      tpu.enqueue_indirect_dma source(%arg9 : memref<128x128xf32, #tpu.memory_space<vmem>>) target(%dma_start3A_835 : memref<10240x128xf32, #tpu.memory_space<vmem_shared>>) offsets(%dma_start3A_832 : memref<128xi32, #tpu.memory_space<vmem>>) semaphore(%arg17 : memref<!tpu.dma_semaphore, #tpu.memory_space<semaphore_mem>>) {add = true}
      %dma_start3A_836 = arith.constant 14 : i32
      %dma_start3A_837 = arith.constant 0 : i32
      %dma_start3A_838 = tpu.memref_slice %arg8[%dma_start3A_836, %dma_start3A_837] : memref<16x128xi32, #tpu.memory_space<vmem>> -> memref<1x128xi32, #tpu.memory_space<vmem>>
      %dma_start3A_839 = tpu.memref_squeeze %dma_start3A_838 : memref<1x128xi32, #tpu.memory_space<vmem>> -> memref<128xi32, #tpu.memory_space<vmem>>
      %dma_start3A_840 = arith.constant 0 : i32
      %dma_start3A_841 = tpu.memref_slice %arg14[%dma_start3A_840] : memref<10240xf32, #tpu.memory_space<vmem_shared>> -> memref<10240xf32, #tpu.memory_space<vmem_shared>>
      tpu.enqueue_indirect_dma source(%arg11 : memref<128xf32, #tpu.memory_space<vmem>>) target(%dma_start3A_841 : memref<10240xf32, #tpu.memory_space<vmem_shared>>) offsets(%dma_start3A_839 : memref<128xi32, #tpu.memory_space<vmem>>) semaphore(%arg19 : memref<!tpu.dma_semaphore, #tpu.memory_space<semaphore_mem>>) {add = true}
      %dma_wait3A_842 = arith.constant 14 : i32
      %dma_wait3A_843 = arith.constant 0 : i32
      %dma_wait3A_844 = tpu.memref_slice %arg8[%dma_wait3A_842, %dma_wait3A_843] : memref<16x128xi32, #tpu.memory_space<vmem>> -> memref<1x128xi32, #tpu.memory_space<vmem>>
      %dma_wait3A_845 = tpu.memref_squeeze %dma_wait3A_844 : memref<1x128xi32, #tpu.memory_space<vmem>> -> memref<128xi32, #tpu.memory_space<vmem>>
      %dma_wait3A_846 = arith.constant 0 : i32
      %dma_wait3A_847 = arith.constant 0 : i32
      %dma_wait3A_848 = tpu.memref_slice %arg13[%dma_wait3A_846, %dma_wait3A_847] : memref<10240x128xf32, #tpu.memory_space<vmem_shared>> -> memref<10240x128xf32, #tpu.memory_space<vmem_shared>>
      tpu.wait_indirect_dma semaphore(%arg17 : memref<!tpu.dma_semaphore, #tpu.memory_space<semaphore_mem>>) src(%arg9 : memref<128x128xf32, #tpu.memory_space<vmem>>) dst(%dma_wait3A_848 : memref<10240x128xf32, #tpu.memory_space<vmem_shared>>)
      %dma_wait3A_849 = arith.constant 14 : i32
      %dma_wait3A_850 = arith.constant 0 : i32
      %dma_wait3A_851 = tpu.memref_slice %arg8[%dma_wait3A_849, %dma_wait3A_850] : memref<16x128xi32, #tpu.memory_space<vmem>> -> memref<1x128xi32, #tpu.memory_space<vmem>>
      %dma_wait3A_852 = tpu.memref_squeeze %dma_wait3A_851 : memref<1x128xi32, #tpu.memory_space<vmem>> -> memref<128xi32, #tpu.memory_space<vmem>>
      %dma_wait3A_853 = arith.constant 0 : i32
      %dma_wait3A_854 = tpu.memref_slice %arg14[%dma_wait3A_853] : memref<10240xf32, #tpu.memory_space<vmem_shared>> -> memref<10240xf32, #tpu.memory_space<vmem_shared>>
      tpu.wait_indirect_dma semaphore(%arg19 : memref<!tpu.dma_semaphore, #tpu.memory_space<semaphore_mem>>) src(%arg11 : memref<128xf32, #tpu.memory_space<vmem>>) dst(%dma_wait3A_854 : memref<10240xf32, #tpu.memory_space<vmem_shared>>)
      %dma_wait3A_855 = arith.constant 15 : i32
      %dma_wait3A_856 = arith.constant 0 : i32
      %dma_wait3A_857 = tpu.memref_slice %arg7[%dma_wait3A_855, %dma_wait3A_856] : memref<16x128xi32, #tpu.memory_space<vmem>> -> memref<1x128xi32, #tpu.memory_space<vmem>>
      %dma_wait3A_858 = tpu.memref_squeeze %dma_wait3A_857 : memref<1x128xi32, #tpu.memory_space<vmem>> -> memref<128xi32, #tpu.memory_space<vmem>>
      %dma_wait3A_859 = arith.constant 0 : i32
      %dma_wait3A_860 = arith.constant 0 : i32
      %dma_wait3A_861 = tpu.memref_slice %arg2[%dma_wait3A_859, %dma_wait3A_860] : memref<20000x128xf32, #tpu.memory_space<hbm>> -> memref<20000x128xf32, #tpu.memory_space<hbm>>
      tpu.wait_indirect_dma semaphore(%arg16 : memref<!tpu.dma_semaphore, #tpu.memory_space<semaphore_mem>>) src(%dma_wait3A_861 : memref<20000x128xf32, #tpu.memory_space<hbm>>) dst(%arg10 : memref<128x128xf32, #tpu.memory_space<vmem>>)
      %dma_start3A_862 = arith.constant 15 : i32
      %dma_start3A_863 = arith.constant 0 : i32
      %dma_start3A_864 = tpu.memref_slice %arg8[%dma_start3A_862, %dma_start3A_863] : memref<16x128xi32, #tpu.memory_space<vmem>> -> memref<1x128xi32, #tpu.memory_space<vmem>>
      %dma_start3A_865 = tpu.memref_squeeze %dma_start3A_864 : memref<1x128xi32, #tpu.memory_space<vmem>> -> memref<128xi32, #tpu.memory_space<vmem>>
      %dma_start3A_866 = arith.constant 0 : i32
      %dma_start3A_867 = arith.constant 0 : i32
      %dma_start3A_868 = tpu.memref_slice %arg13[%dma_start3A_866, %dma_start3A_867] : memref<10240x128xf32, #tpu.memory_space<vmem_shared>> -> memref<10240x128xf32, #tpu.memory_space<vmem_shared>>
      tpu.enqueue_indirect_dma source(%arg10 : memref<128x128xf32, #tpu.memory_space<vmem>>) target(%dma_start3A_868 : memref<10240x128xf32, #tpu.memory_space<vmem_shared>>) offsets(%dma_start3A_865 : memref<128xi32, #tpu.memory_space<vmem>>) semaphore(%arg17 : memref<!tpu.dma_semaphore, #tpu.memory_space<semaphore_mem>>) {add = true}
      %dma_start3A_869 = arith.constant 15 : i32
      %dma_start3A_870 = arith.constant 0 : i32
      %dma_start3A_871 = tpu.memref_slice %arg8[%dma_start3A_869, %dma_start3A_870] : memref<16x128xi32, #tpu.memory_space<vmem>> -> memref<1x128xi32, #tpu.memory_space<vmem>>
      %dma_start3A_872 = tpu.memref_squeeze %dma_start3A_871 : memref<1x128xi32, #tpu.memory_space<vmem>> -> memref<128xi32, #tpu.memory_space<vmem>>
      %dma_start3A_873 = arith.constant 0 : i32
      %dma_start3A_874 = tpu.memref_slice %arg14[%dma_start3A_873] : memref<10240xf32, #tpu.memory_space<vmem_shared>> -> memref<10240xf32, #tpu.memory_space<vmem_shared>>
      tpu.enqueue_indirect_dma source(%arg11 : memref<128xf32, #tpu.memory_space<vmem>>) target(%dma_start3A_874 : memref<10240xf32, #tpu.memory_space<vmem_shared>>) offsets(%dma_start3A_872 : memref<128xi32, #tpu.memory_space<vmem>>) semaphore(%arg19 : memref<!tpu.dma_semaphore, #tpu.memory_space<semaphore_mem>>) {add = true}
      %dma_wait3A_875 = arith.constant 15 : i32
      %dma_wait3A_876 = arith.constant 0 : i32
      %dma_wait3A_877 = tpu.memref_slice %arg8[%dma_wait3A_875, %dma_wait3A_876] : memref<16x128xi32, #tpu.memory_space<vmem>> -> memref<1x128xi32, #tpu.memory_space<vmem>>
      %dma_wait3A_878 = tpu.memref_squeeze %dma_wait3A_877 : memref<1x128xi32, #tpu.memory_space<vmem>> -> memref<128xi32, #tpu.memory_space<vmem>>
      %dma_wait3A_879 = arith.constant 0 : i32
      %dma_wait3A_880 = arith.constant 0 : i32
      %dma_wait3A_881 = tpu.memref_slice %arg13[%dma_wait3A_879, %dma_wait3A_880] : memref<10240x128xf32, #tpu.memory_space<vmem_shared>> -> memref<10240x128xf32, #tpu.memory_space<vmem_shared>>
      tpu.wait_indirect_dma semaphore(%arg17 : memref<!tpu.dma_semaphore, #tpu.memory_space<semaphore_mem>>) src(%arg10 : memref<128x128xf32, #tpu.memory_space<vmem>>) dst(%dma_wait3A_881 : memref<10240x128xf32, #tpu.memory_space<vmem_shared>>)
      %dma_wait3A_882 = arith.constant 15 : i32
      %dma_wait3A_883 = arith.constant 0 : i32
      %dma_wait3A_884 = tpu.memref_slice %arg8[%dma_wait3A_882, %dma_wait3A_883] : memref<16x128xi32, #tpu.memory_space<vmem>> -> memref<1x128xi32, #tpu.memory_space<vmem>>
      %dma_wait3A_885 = tpu.memref_squeeze %dma_wait3A_884 : memref<1x128xi32, #tpu.memory_space<vmem>> -> memref<128xi32, #tpu.memory_space<vmem>>
      %dma_wait3A_886 = arith.constant 0 : i32
      %dma_wait3A_887 = tpu.memref_slice %arg14[%dma_wait3A_886] : memref<10240xf32, #tpu.memory_space<vmem_shared>> -> memref<10240xf32, #tpu.memory_space<vmem_shared>>
      tpu.wait_indirect_dma semaphore(%arg19 : memref<!tpu.dma_semaphore, #tpu.memory_space<semaphore_mem>>) src(%arg11 : memref<128xf32, #tpu.memory_space<vmem>>) dst(%dma_wait3A_887 : memref<10240xf32, #tpu.memory_space<vmem_shared>>)
    }
    %scan3A_104 = arith.constant 5 : i32
    %barrier3A_105 = arith.constant 0 : index
    tpu.barrier barrier_id(%barrier3A_105)
    %dma_start3A_106 = tpu.memref_slice %arg14[%mul3A_2] : memref<10240xf32, #tpu.memory_space<vmem_shared>> -> memref<640xf32, #tpu.memory_space<vmem_shared>>
    %dma_start3A_107 = tpu.memref_slice %arg14[%mul3A_2] : memref<10240xf32, #tpu.memory_space<vmem_shared>> -> memref<640xf32, #tpu.memory_space<vmem_shared>>
    tpu.enqueue_dma source(%dma_start3A_107 : memref<640xf32, #tpu.memory_space<vmem_shared>>) target(%arg12 : memref<640xf32, #tpu.memory_space<vmem>>) target_semaphore(%arg19 : memref<!tpu.dma_semaphore, #tpu.memory_space<semaphore_mem>>)
    %dma_wait3A_108 = tpu.memref_slice %arg14[%mul3A_2] : memref<10240xf32, #tpu.memory_space<vmem_shared>> -> memref<640xf32, #tpu.memory_space<vmem_shared>>
    %dma_wait3A_109 = tpu.memref_slice %arg14[%mul3A_2] : memref<10240xf32, #tpu.memory_space<vmem_shared>> -> memref<640xf32, #tpu.memory_space<vmem_shared>>
    tpu.wait_dma2 semaphore(%arg19 : memref<!tpu.dma_semaphore, #tpu.memory_space<semaphore_mem>>) src(%dma_wait3A_109 : memref<640xf32, #tpu.memory_space<vmem_shared>>) dst(%arg12 : memref<640xf32, #tpu.memory_space<vmem>>)
    %dma_start3A_110 = tpu.memref_slice %arg6[%arg0, %mul3A_2] : memref<2x10240xf32, #tpu.memory_space<hbm>> -> memref<1x640xf32, #tpu.memory_space<hbm>>
    %dma_start3A_111 = tpu.memref_squeeze %dma_start3A_110 : memref<1x640xf32, #tpu.memory_space<hbm>> -> memref<640xf32, #tpu.memory_space<hbm>>
    %dma_start3A_112 = tpu.memref_slice %arg6[%arg0, %mul3A_2] : memref<2x10240xf32, #tpu.memory_space<hbm>> -> memref<1x640xf32, #tpu.memory_space<hbm>>
    %dma_start3A_113 = tpu.memref_squeeze %dma_start3A_112 : memref<1x640xf32, #tpu.memory_space<hbm>> -> memref<640xf32, #tpu.memory_space<hbm>>
    tpu.enqueue_dma source(%arg12 : memref<640xf32, #tpu.memory_space<vmem>>) target(%dma_start3A_113 : memref<640xf32, #tpu.memory_space<hbm>>) target_semaphore(%arg18 : memref<!tpu.dma_semaphore, #tpu.memory_space<semaphore_mem>>)
    %mul3A_114 = arith.constant 10240 : i32
    %mul3A_115 = arith.muli %arg0, %mul3A_114 : i32
    %add3A_116 = arith.addi %mul3A_115, %mul3A_2 : i32
    %dma_start3A_117 = arith.constant 0 : i32
    %dma_start3A_118 = tpu.memref_slice %arg13[%mul3A_2, %dma_start3A_117] : memref<10240x128xf32, #tpu.memory_space<vmem_shared>> -> memref<128x128xf32, #tpu.memory_space<vmem_shared>>
    %dma_start3A_119 = arith.constant 0 : i32
    %dma_start3A_120 = tpu.memref_slice %arg13[%mul3A_2, %dma_start3A_119] : memref<10240x128xf32, #tpu.memory_space<vmem_shared>> -> memref<128x128xf32, #tpu.memory_space<vmem_shared>>
    tpu.enqueue_dma source(%dma_start3A_120 : memref<128x128xf32, #tpu.memory_space<vmem_shared>>) target(%arg9 : memref<128x128xf32, #tpu.memory_space<vmem>>) target_semaphore(%arg20 : memref<!tpu.dma_semaphore, #tpu.memory_space<semaphore_mem>>)
    %dma_wait3A_121 = arith.constant 0 : i32
    %dma_wait3A_122 = tpu.memref_slice %arg13[%mul3A_2, %dma_wait3A_121] : memref<10240x128xf32, #tpu.memory_space<vmem_shared>> -> memref<128x128xf32, #tpu.memory_space<vmem_shared>>
    %dma_wait3A_123 = arith.constant 0 : i32
    %dma_wait3A_124 = tpu.memref_slice %arg13[%mul3A_2, %dma_wait3A_123] : memref<10240x128xf32, #tpu.memory_space<vmem_shared>> -> memref<128x128xf32, #tpu.memory_space<vmem_shared>>
    tpu.wait_dma2 semaphore(%arg20 : memref<!tpu.dma_semaphore, #tpu.memory_space<semaphore_mem>>) src(%dma_wait3A_124 : memref<128x128xf32, #tpu.memory_space<vmem_shared>>) dst(%arg9 : memref<128x128xf32, #tpu.memory_space<vmem>>)
    %add3A_125 = arith.constant 128 : i32
    %add3A_126 = arith.addi %mul3A_2, %add3A_125 : i32
    %dma_start3A_127 = arith.constant 0 : i32
    %dma_start3A_128 = tpu.memref_slice %arg13[%add3A_126, %dma_start3A_127] : memref<10240x128xf32, #tpu.memory_space<vmem_shared>> -> memref<128x128xf32, #tpu.memory_space<vmem_shared>>
    %dma_start3A_129 = arith.constant 0 : i32
    %dma_start3A_130 = tpu.memref_slice %arg13[%add3A_126, %dma_start3A_129] : memref<10240x128xf32, #tpu.memory_space<vmem_shared>> -> memref<128x128xf32, #tpu.memory_space<vmem_shared>>
    tpu.enqueue_dma source(%dma_start3A_130 : memref<128x128xf32, #tpu.memory_space<vmem_shared>>) target(%arg10 : memref<128x128xf32, #tpu.memory_space<vmem>>) target_semaphore(%arg20 : memref<!tpu.dma_semaphore, #tpu.memory_space<semaphore_mem>>)
    %add3A_131 = arith.constant 0 : i32
    %add3A_132 = arith.addi %add3A_116, %add3A_131 : i32
    %dma_start3A_133 = arith.constant 0 : i32
    %dma_start3A_134 = tpu.memref_slice %arg5[%add3A_132, %dma_start3A_133] : memref<20480x128xf32, #tpu.memory_space<hbm>> -> memref<128x128xf32, #tpu.memory_space<hbm>>
    %dma_start3A_135 = arith.constant 0 : i32
    %dma_start3A_136 = tpu.memref_slice %arg5[%add3A_132, %dma_start3A_135] : memref<20480x128xf32, #tpu.memory_space<hbm>> -> memref<128x128xf32, #tpu.memory_space<hbm>>
    tpu.enqueue_dma source(%arg9 : memref<128x128xf32, #tpu.memory_space<vmem>>) target(%dma_start3A_136 : memref<128x128xf32, #tpu.memory_space<hbm>>) target_semaphore(%arg21 : memref<!tpu.dma_semaphore, #tpu.memory_space<semaphore_mem>>)
    %dma_wait3A_137 = arith.constant 0 : i32
    %dma_wait3A_138 = tpu.memref_slice %arg13[%add3A_126, %dma_wait3A_137] : memref<10240x128xf32, #tpu.memory_space<vmem_shared>> -> memref<128x128xf32, #tpu.memory_space<vmem_shared>>
    %dma_wait3A_139 = arith.constant 0 : i32
    %dma_wait3A_140 = tpu.memref_slice %arg13[%add3A_126, %dma_wait3A_139] : memref<10240x128xf32, #tpu.memory_space<vmem_shared>> -> memref<128x128xf32, #tpu.memory_space<vmem_shared>>
    tpu.wait_dma2 semaphore(%arg20 : memref<!tpu.dma_semaphore, #tpu.memory_space<semaphore_mem>>) src(%dma_wait3A_140 : memref<128x128xf32, #tpu.memory_space<vmem_shared>>) dst(%arg10 : memref<128x128xf32, #tpu.memory_space<vmem>>)
    %dma_wait3A_141 = arith.constant 0 : i32
    %dma_wait3A_142 = tpu.memref_slice %arg5[%add3A_132, %dma_wait3A_141] : memref<20480x128xf32, #tpu.memory_space<hbm>> -> memref<128x128xf32, #tpu.memory_space<hbm>>
    %dma_wait3A_143 = arith.constant 0 : i32
    %dma_wait3A_144 = tpu.memref_slice %arg5[%add3A_132, %dma_wait3A_143] : memref<20480x128xf32, #tpu.memory_space<hbm>> -> memref<128x128xf32, #tpu.memory_space<hbm>>
    tpu.wait_dma2 semaphore(%arg21 : memref<!tpu.dma_semaphore, #tpu.memory_space<semaphore_mem>>) src(%arg9 : memref<128x128xf32, #tpu.memory_space<vmem>>) dst(%dma_wait3A_144 : memref<128x128xf32, #tpu.memory_space<hbm>>)
    %add3A_145 = arith.constant 256 : i32
    %add3A_146 = arith.addi %mul3A_2, %add3A_145 : i32
    %dma_start3A_147 = arith.constant 0 : i32
    %dma_start3A_148 = tpu.memref_slice %arg13[%add3A_146, %dma_start3A_147] : memref<10240x128xf32, #tpu.memory_space<vmem_shared>> -> memref<128x128xf32, #tpu.memory_space<vmem_shared>>
    %dma_start3A_149 = arith.constant 0 : i32
    %dma_start3A_150 = tpu.memref_slice %arg13[%add3A_146, %dma_start3A_149] : memref<10240x128xf32, #tpu.memory_space<vmem_shared>> -> memref<128x128xf32, #tpu.memory_space<vmem_shared>>
    tpu.enqueue_dma source(%dma_start3A_150 : memref<128x128xf32, #tpu.memory_space<vmem_shared>>) target(%arg9 : memref<128x128xf32, #tpu.memory_space<vmem>>) target_semaphore(%arg20 : memref<!tpu.dma_semaphore, #tpu.memory_space<semaphore_mem>>)
    %add3A_151 = arith.constant 128 : i32
    %add3A_152 = arith.addi %add3A_116, %add3A_151 : i32
    %dma_start3A_153 = arith.constant 0 : i32
    %dma_start3A_154 = tpu.memref_slice %arg5[%add3A_152, %dma_start3A_153] : memref<20480x128xf32, #tpu.memory_space<hbm>> -> memref<128x128xf32, #tpu.memory_space<hbm>>
    %dma_start3A_155 = arith.constant 0 : i32
    %dma_start3A_156 = tpu.memref_slice %arg5[%add3A_152, %dma_start3A_155] : memref<20480x128xf32, #tpu.memory_space<hbm>> -> memref<128x128xf32, #tpu.memory_space<hbm>>
    tpu.enqueue_dma source(%arg10 : memref<128x128xf32, #tpu.memory_space<vmem>>) target(%dma_start3A_156 : memref<128x128xf32, #tpu.memory_space<hbm>>) target_semaphore(%arg21 : memref<!tpu.dma_semaphore, #tpu.memory_space<semaphore_mem>>)
    %dma_wait3A_157 = arith.constant 0 : i32
    %dma_wait3A_158 = tpu.memref_slice %arg13[%add3A_146, %dma_wait3A_157] : memref<10240x128xf32, #tpu.memory_space<vmem_shared>> -> memref<128x128xf32, #tpu.memory_space<vmem_shared>>
    %dma_wait3A_159 = arith.constant 0 : i32
    %dma_wait3A_160 = tpu.memref_slice %arg13[%add3A_146, %dma_wait3A_159] : memref<10240x128xf32, #tpu.memory_space<vmem_shared>> -> memref<128x128xf32, #tpu.memory_space<vmem_shared>>
    tpu.wait_dma2 semaphore(%arg20 : memref<!tpu.dma_semaphore, #tpu.memory_space<semaphore_mem>>) src(%dma_wait3A_160 : memref<128x128xf32, #tpu.memory_space<vmem_shared>>) dst(%arg9 : memref<128x128xf32, #tpu.memory_space<vmem>>)
    %dma_wait3A_161 = arith.constant 0 : i32
    %dma_wait3A_162 = tpu.memref_slice %arg5[%add3A_152, %dma_wait3A_161] : memref<20480x128xf32, #tpu.memory_space<hbm>> -> memref<128x128xf32, #tpu.memory_space<hbm>>
    %dma_wait3A_163 = arith.constant 0 : i32
    %dma_wait3A_164 = tpu.memref_slice %arg5[%add3A_152, %dma_wait3A_163] : memref<20480x128xf32, #tpu.memory_space<hbm>> -> memref<128x128xf32, #tpu.memory_space<hbm>>
    tpu.wait_dma2 semaphore(%arg21 : memref<!tpu.dma_semaphore, #tpu.memory_space<semaphore_mem>>) src(%arg10 : memref<128x128xf32, #tpu.memory_space<vmem>>) dst(%dma_wait3A_164 : memref<128x128xf32, #tpu.memory_space<hbm>>)
    %add3A_165 = arith.constant 384 : i32
    %add3A_166 = arith.addi %mul3A_2, %add3A_165 : i32
    %dma_start3A_167 = arith.constant 0 : i32
    %dma_start3A_168 = tpu.memref_slice %arg13[%add3A_166, %dma_start3A_167] : memref<10240x128xf32, #tpu.memory_space<vmem_shared>> -> memref<128x128xf32, #tpu.memory_space<vmem_shared>>
    %dma_start3A_169 = arith.constant 0 : i32
    %dma_start3A_170 = tpu.memref_slice %arg13[%add3A_166, %dma_start3A_169] : memref<10240x128xf32, #tpu.memory_space<vmem_shared>> -> memref<128x128xf32, #tpu.memory_space<vmem_shared>>
    tpu.enqueue_dma source(%dma_start3A_170 : memref<128x128xf32, #tpu.memory_space<vmem_shared>>) target(%arg10 : memref<128x128xf32, #tpu.memory_space<vmem>>) target_semaphore(%arg20 : memref<!tpu.dma_semaphore, #tpu.memory_space<semaphore_mem>>)
    %add3A_171 = arith.constant 256 : i32
    %add3A_172 = arith.addi %add3A_116, %add3A_171 : i32
    %dma_start3A_173 = arith.constant 0 : i32
    %dma_start3A_174 = tpu.memref_slice %arg5[%add3A_172, %dma_start3A_173] : memref<20480x128xf32, #tpu.memory_space<hbm>> -> memref<128x128xf32, #tpu.memory_space<hbm>>
    %dma_start3A_175 = arith.constant 0 : i32
    %dma_start3A_176 = tpu.memref_slice %arg5[%add3A_172, %dma_start3A_175] : memref<20480x128xf32, #tpu.memory_space<hbm>> -> memref<128x128xf32, #tpu.memory_space<hbm>>
    tpu.enqueue_dma source(%arg9 : memref<128x128xf32, #tpu.memory_space<vmem>>) target(%dma_start3A_176 : memref<128x128xf32, #tpu.memory_space<hbm>>) target_semaphore(%arg21 : memref<!tpu.dma_semaphore, #tpu.memory_space<semaphore_mem>>)
    %dma_wait3A_177 = arith.constant 0 : i32
    %dma_wait3A_178 = tpu.memref_slice %arg13[%add3A_166, %dma_wait3A_177] : memref<10240x128xf32, #tpu.memory_space<vmem_shared>> -> memref<128x128xf32, #tpu.memory_space<vmem_shared>>
    %dma_wait3A_179 = arith.constant 0 : i32
    %dma_wait3A_180 = tpu.memref_slice %arg13[%add3A_166, %dma_wait3A_179] : memref<10240x128xf32, #tpu.memory_space<vmem_shared>> -> memref<128x128xf32, #tpu.memory_space<vmem_shared>>
    tpu.wait_dma2 semaphore(%arg20 : memref<!tpu.dma_semaphore, #tpu.memory_space<semaphore_mem>>) src(%dma_wait3A_180 : memref<128x128xf32, #tpu.memory_space<vmem_shared>>) dst(%arg10 : memref<128x128xf32, #tpu.memory_space<vmem>>)
    %dma_wait3A_181 = arith.constant 0 : i32
    %dma_wait3A_182 = tpu.memref_slice %arg5[%add3A_172, %dma_wait3A_181] : memref<20480x128xf32, #tpu.memory_space<hbm>> -> memref<128x128xf32, #tpu.memory_space<hbm>>
    %dma_wait3A_183 = arith.constant 0 : i32
    %dma_wait3A_184 = tpu.memref_slice %arg5[%add3A_172, %dma_wait3A_183] : memref<20480x128xf32, #tpu.memory_space<hbm>> -> memref<128x128xf32, #tpu.memory_space<hbm>>
    tpu.wait_dma2 semaphore(%arg21 : memref<!tpu.dma_semaphore, #tpu.memory_space<semaphore_mem>>) src(%arg9 : memref<128x128xf32, #tpu.memory_space<vmem>>) dst(%dma_wait3A_184 : memref<128x128xf32, #tpu.memory_space<hbm>>)
    %add3A_185 = arith.constant 512 : i32
    %add3A_186 = arith.addi %mul3A_2, %add3A_185 : i32
    %dma_start3A_187 = arith.constant 0 : i32
    %dma_start3A_188 = tpu.memref_slice %arg13[%add3A_186, %dma_start3A_187] : memref<10240x128xf32, #tpu.memory_space<vmem_shared>> -> memref<128x128xf32, #tpu.memory_space<vmem_shared>>
    %dma_start3A_189 = arith.constant 0 : i32
    %dma_start3A_190 = tpu.memref_slice %arg13[%add3A_186, %dma_start3A_189] : memref<10240x128xf32, #tpu.memory_space<vmem_shared>> -> memref<128x128xf32, #tpu.memory_space<vmem_shared>>
    tpu.enqueue_dma source(%dma_start3A_190 : memref<128x128xf32, #tpu.memory_space<vmem_shared>>) target(%arg9 : memref<128x128xf32, #tpu.memory_space<vmem>>) target_semaphore(%arg20 : memref<!tpu.dma_semaphore, #tpu.memory_space<semaphore_mem>>)
    %add3A_191 = arith.constant 384 : i32
    %add3A_192 = arith.addi %add3A_116, %add3A_191 : i32
    %dma_start3A_193 = arith.constant 0 : i32
    %dma_start3A_194 = tpu.memref_slice %arg5[%add3A_192, %dma_start3A_193] : memref<20480x128xf32, #tpu.memory_space<hbm>> -> memref<128x128xf32, #tpu.memory_space<hbm>>
    %dma_start3A_195 = arith.constant 0 : i32
    %dma_start3A_196 = tpu.memref_slice %arg5[%add3A_192, %dma_start3A_195] : memref<20480x128xf32, #tpu.memory_space<hbm>> -> memref<128x128xf32, #tpu.memory_space<hbm>>
    tpu.enqueue_dma source(%arg10 : memref<128x128xf32, #tpu.memory_space<vmem>>) target(%dma_start3A_196 : memref<128x128xf32, #tpu.memory_space<hbm>>) target_semaphore(%arg21 : memref<!tpu.dma_semaphore, #tpu.memory_space<semaphore_mem>>)
    %dma_wait3A_197 = arith.constant 0 : i32
    %dma_wait3A_198 = tpu.memref_slice %arg13[%add3A_186, %dma_wait3A_197] : memref<10240x128xf32, #tpu.memory_space<vmem_shared>> -> memref<128x128xf32, #tpu.memory_space<vmem_shared>>
    %dma_wait3A_199 = arith.constant 0 : i32
    %dma_wait3A_200 = tpu.memref_slice %arg13[%add3A_186, %dma_wait3A_199] : memref<10240x128xf32, #tpu.memory_space<vmem_shared>> -> memref<128x128xf32, #tpu.memory_space<vmem_shared>>
    tpu.wait_dma2 semaphore(%arg20 : memref<!tpu.dma_semaphore, #tpu.memory_space<semaphore_mem>>) src(%dma_wait3A_200 : memref<128x128xf32, #tpu.memory_space<vmem_shared>>) dst(%arg9 : memref<128x128xf32, #tpu.memory_space<vmem>>)
    %dma_wait3A_201 = arith.constant 0 : i32
    %dma_wait3A_202 = tpu.memref_slice %arg5[%add3A_192, %dma_wait3A_201] : memref<20480x128xf32, #tpu.memory_space<hbm>> -> memref<128x128xf32, #tpu.memory_space<hbm>>
    %dma_wait3A_203 = arith.constant 0 : i32
    %dma_wait3A_204 = tpu.memref_slice %arg5[%add3A_192, %dma_wait3A_203] : memref<20480x128xf32, #tpu.memory_space<hbm>> -> memref<128x128xf32, #tpu.memory_space<hbm>>
    tpu.wait_dma2 semaphore(%arg21 : memref<!tpu.dma_semaphore, #tpu.memory_space<semaphore_mem>>) src(%arg10 : memref<128x128xf32, #tpu.memory_space<vmem>>) dst(%dma_wait3A_204 : memref<128x128xf32, #tpu.memory_space<hbm>>)
    %add3A_205 = arith.constant 512 : i32
    %add3A_206 = arith.addi %add3A_116, %add3A_205 : i32
    %dma_start3A_207 = arith.constant 0 : i32
    %dma_start3A_208 = tpu.memref_slice %arg5[%add3A_206, %dma_start3A_207] : memref<20480x128xf32, #tpu.memory_space<hbm>> -> memref<128x128xf32, #tpu.memory_space<hbm>>
    %dma_start3A_209 = arith.constant 0 : i32
    %dma_start3A_210 = tpu.memref_slice %arg5[%add3A_206, %dma_start3A_209] : memref<20480x128xf32, #tpu.memory_space<hbm>> -> memref<128x128xf32, #tpu.memory_space<hbm>>
    tpu.enqueue_dma source(%arg9 : memref<128x128xf32, #tpu.memory_space<vmem>>) target(%dma_start3A_210 : memref<128x128xf32, #tpu.memory_space<hbm>>) target_semaphore(%arg21 : memref<!tpu.dma_semaphore, #tpu.memory_space<semaphore_mem>>)
    %dma_wait3A_211 = arith.constant 0 : i32
    %dma_wait3A_212 = tpu.memref_slice %arg5[%add3A_206, %dma_wait3A_211] : memref<20480x128xf32, #tpu.memory_space<hbm>> -> memref<128x128xf32, #tpu.memory_space<hbm>>
    %dma_wait3A_213 = arith.constant 0 : i32
    %dma_wait3A_214 = tpu.memref_slice %arg5[%add3A_206, %dma_wait3A_213] : memref<20480x128xf32, #tpu.memory_space<hbm>> -> memref<128x128xf32, #tpu.memory_space<hbm>>
    tpu.wait_dma2 semaphore(%arg21 : memref<!tpu.dma_semaphore, #tpu.memory_space<semaphore_mem>>) src(%arg9 : memref<128x128xf32, #tpu.memory_space<vmem>>) dst(%dma_wait3A_214 : memref<128x128xf32, #tpu.memory_space<hbm>>)
    %dma_wait3A_215 = tpu.memref_slice %arg6[%arg0, %mul3A_2] : memref<2x10240xf32, #tpu.memory_space<hbm>> -> memref<1x640xf32, #tpu.memory_space<hbm>>
    %dma_wait3A_216 = tpu.memref_squeeze %dma_wait3A_215 : memref<1x640xf32, #tpu.memory_space<hbm>> -> memref<640xf32, #tpu.memory_space<hbm>>
    %dma_wait3A_217 = tpu.memref_slice %arg6[%arg0, %mul3A_2] : memref<2x10240xf32, #tpu.memory_space<hbm>> -> memref<1x640xf32, #tpu.memory_space<hbm>>
    %dma_wait3A_218 = tpu.memref_squeeze %dma_wait3A_217 : memref<1x640xf32, #tpu.memory_space<hbm>> -> memref<640xf32, #tpu.memory_space<hbm>>
    tpu.wait_dma2 semaphore(%arg18 : memref<!tpu.dma_semaphore, #tpu.memory_space<semaphore_mem>>) src(%arg12 : memref<640xf32, #tpu.memory_space<vmem>>) dst(%dma_wait3A_218 : memref<640xf32, #tpu.memory_space<hbm>>)
    return
  }
}

module attributes {stable_mosaic.version = 14 : i64} {
  func.func @body(%arg0: i32, %arg1: memref<1x400x128xf32, #tpu.memory_space<vmem>>, %arg2: memref<1x400x128xf32, #tpu.memory_space<vmem>>, %arg3: memref<1x400x1xf32, #tpu.memory_space<vmem>>, %arg4: memref<1x400x1xf32, #tpu.memory_space<vmem>>, %arg5: memref<128x128xf32, #tpu.memory_space<vmem>>, %arg6: memref<128x128xf32, #tpu.memory_space<vmem>>, %arg7: memref<400x128xf32, #tpu.memory_space<vmem>>) attributes {dimension_semantics = [#tpu.dimension_semantics<arbitrary>], iteration_bounds = array<i64: 25>, scalar_prefetch = 0 : i64, scratch_operands = 0 : i64, tpu.core_type = #tpu.core_type<tc>, window_params = [{transform_indices = @transform_0, window_bounds = array<i64: 1, 400, 128>}, {transform_indices = @transform_1, window_bounds = array<i64: 1, 400, 128>}, {transform_indices = @transform_2, window_bounds = array<i64: 1, 400, 1>}, {transform_indices = @transform_3, window_bounds = array<i64: 1, 400, 1>}, {pipeline_mode = #tpu.pipeline_mode<synchronous>, transform_indices = @transform_4, window_bounds = array<i64: 128, 128>}, {pipeline_mode = #tpu.pipeline_mode<synchronous>, transform_indices = @transform_5, window_bounds = array<i64: 128, 128>}, {transform_indices = @transform_6, window_bounds = array<i64: 400, 128>}]} {
    %get3A = arith.constant 0 : index
    %get3A_0 = arith.constant 0 : index
    %get3A_1 = arith.constant 0 : index
    %get3A_2 = vector.load %arg1[%get3A, %get3A_0, %get3A_1] : memref<1x400x128xf32, #tpu.memory_space<vmem>>, vector<1x400x128xf32>
    %get3A_3 = vector.shape_cast %get3A_2 : vector<1x400x128xf32> to vector<400x128xf32>
    %get3A_4 = arith.constant 0 : index
    %get3A_5 = arith.constant 0 : index
    %get3A_6 = arith.constant 0 : index
    %get3A_7 = vector.load %arg2[%get3A_4, %get3A_5, %get3A_6] : memref<1x400x128xf32, #tpu.memory_space<vmem>>, vector<1x400x128xf32>
    %get3A_8 = vector.shape_cast %get3A_7 : vector<1x400x128xf32> to vector<400x128xf32>
    %get3A_9 = arith.constant 0 : index
    %get3A_10 = arith.constant 0 : index
    %get3A_11 = arith.constant 0 : index
    %get3A_12 = vector.load %arg3[%get3A_9, %get3A_10, %get3A_11] : memref<1x400x1xf32, #tpu.memory_space<vmem>>, vector<1x400x1xf32>
    %get3A_13 = vector.shape_cast %get3A_12 : vector<1x400x1xf32> to vector<400x1xf32>
    %get3A_14 = arith.constant 0 : index
    %get3A_15 = arith.constant 0 : index
    %get3A_16 = arith.constant 0 : index
    %get3A_17 = vector.load %arg4[%get3A_14, %get3A_15, %get3A_16] : memref<1x400x1xf32, #tpu.memory_space<vmem>>, vector<1x400x1xf32>
    %get3A_18 = vector.shape_cast %get3A_17 : vector<1x400x1xf32> to vector<400x1xf32>
    %max3A = arith.constant 1.000000e+00 : f32
    %max3A_19 = vector.broadcast %max3A : f32 to vector<400x1xf32>
    %max3A_20 = arith.maximumf %get3A_13, %max3A_19 : vector<400x1xf32>
    %div3A = arith.constant 1.000000e+00 : f32
    %div3A_21 = vector.broadcast %div3A : f32 to vector<400x1xf32>
    %div3A_22 = arith.divf %div3A_21, %max3A_20 : vector<400x1xf32>
    %mul3A = vector.broadcast %div3A_22 : vector<400x1xf32> to vector<400x128xf32>
    %mul3A_23 = arith.mulf %get3A_3, %mul3A : vector<400x128xf32>
    %max3A_24 = arith.constant 1.000000e+00 : f32
    %max3A_25 = vector.broadcast %max3A_24 : f32 to vector<400x1xf32>
    %max3A_26 = arith.maximumf %get3A_18, %max3A_25 : vector<400x1xf32>
    %div3A_27 = arith.constant 1.000000e+00 : f32
    %div3A_28 = vector.broadcast %div3A_27 : f32 to vector<400x1xf32>
    %div3A_29 = arith.divf %div3A_28, %max3A_26 : vector<400x1xf32>
    %mul3A_30 = vector.broadcast %div3A_29 : vector<400x1xf32> to vector<400x128xf32>
    %mul3A_31 = arith.mulf %get3A_8, %mul3A_30 : vector<400x128xf32>
    %get3A_32 = arith.constant 0 : index
    %get3A_33 = arith.constant 0 : index
    %get3A_34 = vector.load %arg5[%get3A_32, %get3A_33] : memref<128x128xf32, #tpu.memory_space<vmem>>, vector<128x128xf32>
    %dot_general3A = arith.constant dense<0.000000e+00> : vector<400x128xf32>
    %dot_general3A_35 = tpu.matmul %mul3A_23, %get3A_34, %dot_general3A {dimension_numbers = #tpu.dot_dimension_numbers<[1], [0], [0], [1], [0, 0, 1, 1], [], []>, transpose_lhs_hint = false} : vector<400x128xf32>, vector<128x128xf32>, vector<400x128xf32> -> vector<400x128xf32>
    %get3A_36 = arith.constant 0 : index
    %get3A_37 = arith.constant 0 : index
    %get3A_38 = vector.load %arg6[%get3A_36, %get3A_37] : memref<128x128xf32, #tpu.memory_space<vmem>>, vector<128x128xf32>
    %dot_general3A_39 = arith.constant dense<0.000000e+00> : vector<400x128xf32>
    %dot_general3A_40 = tpu.matmul %mul3A_31, %get3A_38, %dot_general3A_39 {dimension_numbers = #tpu.dot_dimension_numbers<[1], [0], [0], [1], [0, 0, 1, 1], [], []>, transpose_lhs_hint = false} : vector<400x128xf32>, vector<128x128xf32>, vector<400x128xf32> -> vector<400x128xf32>
    %add3A = arith.addf %dot_general3A_35, %dot_general3A_40 : vector<400x128xf32>
    %swap3A = arith.constant 0 : index
    %swap3A_41 = arith.constant 0 : index
    %swap3A_42 = vector.load %arg7[%swap3A, %swap3A_41] : memref<400x128xf32, #tpu.memory_space<vmem>>, vector<400x128xf32>
    tpu.vector_store %arg7[%swap3A, %swap3A_41], %add3A {strides = array<i32>} : memref<400x128xf32, #tpu.memory_space<vmem>>, vector<400x128xf32>,
    return
  }
  func.func @transform_0(%arg0: i32) -> (i32, i32, i32) {
    %c0_i32 = arith.constant 0 : i32
    %c0_i32_0 = arith.constant 0 : i32
    %c0_i32_1 = arith.constant 0 : i32
    return %c0_i32, %arg0, %c0_i32_0 : i32, i32, i32
  }
  func.func @transform_1(%arg0: i32) -> (i32, i32, i32) {
    %c1_i32 = arith.constant 1 : i32
    %c0_i32 = arith.constant 0 : i32
    %c0_i32_0 = arith.constant 0 : i32
    return %c1_i32, %arg0, %c0_i32 : i32, i32, i32
  }
  func.func @transform_2(%arg0: i32) -> (i32, i32, i32) {
    %c0_i32 = arith.constant 0 : i32
    %c0_i32_0 = arith.constant 0 : i32
    %c0_i32_1 = arith.constant 0 : i32
    return %c0_i32, %arg0, %c0_i32_0 : i32, i32, i32
  }
  func.func @transform_3(%arg0: i32) -> (i32, i32, i32) {
    %c1_i32 = arith.constant 1 : i32
    %c0_i32 = arith.constant 0 : i32
    %c0_i32_0 = arith.constant 0 : i32
    return %c1_i32, %arg0, %c0_i32 : i32, i32, i32
  }
  func.func @transform_4(%arg0: i32) -> (i32, i32) {
    %c0_i32 = arith.constant 0 : i32
    %c0_i32_0 = arith.constant 0 : i32
    %c0_i32_1 = arith.constant 0 : i32
    return %c0_i32, %c0_i32_0 : i32, i32
  }
  func.func @transform_5(%arg0: i32) -> (i32, i32) {
    %c0_i32 = arith.constant 0 : i32
    %c0_i32_0 = arith.constant 0 : i32
    %c0_i32_1 = arith.constant 0 : i32
    return %c0_i32, %c0_i32_0 : i32, i32
  }
  func.func @transform_6(%arg0: i32) -> (i32, i32) {
    %c0_i32 = arith.constant 0 : i32
    %c0_i32_0 = arith.constant 0 : i32
    return %arg0, %c0_i32 : i32, i32
  }
}

</mosaic_0001>

<sc_bundles>
// kernel: kernel.4.cloned.1.call-start
scs
__scs_entry_jumppad:
0x0: {  	(pc) =	sbr.rel $0x88, $3  }
0x1: {  	(tag) =	ssettag $0x0;
	lr =	simm.s32 $0x1  }
0x2: {  	[smem:$0x3F9B] =	sst lr;
	_ =	strace $0xD0000000  }
0x3: {  	_ = 	snop  }
0x4: {  	_ = 	snop  }
0x5: {  	_ = 	snop  }
0x6: {  	_ = 	snop  }
0x7: {  	_ = 	snop  }
__scs_overlays_trampoline_lowered:
0x8: {  	[smem:$0x3FAA] =	sst s0  }
0x9: {  	[smem:$0x3FAB] =	sst s1  }
0xa: {  	[smem:$0x3FAC] =	sst s2  }
0xb: {  	[smem:$0x3FAD] =	sst s3  }
0xc: {  	[smem:$0x3FAE] =	sst s4  }
0xd: {  	[smem:$0x3FAF] =	sst s5  }
0xe: {  	[smem:$0x3FB0] =	sst s6  }
0xf: {  	[smem:$0x3FB1] =	sst s7  }
0x10: {  	[smem:$0x3FB2] =	sst s8  }
0x11: {  	[smem:$0x3FB3] =	sst s9;
	s0 =	simm.s32 @!p0 $0x0  }
0x12: {  	s1 =	sld [smem:$0x3F99];
	s0 =	simm.s32 @p0 $0x1  }
0x13: {  	[smem:$0x3FB4] =	sst s0;
	s0 =	simm.s32 @!p1 $0x0  }
0x14: {  	s2 =	sld [smem:$0x3F98];
	s0 =	simm.s32 @p1 $0x1  }
0x15: {  	[smem:$0x3FB5] =	sst s0;
	s0 =	simm.s32 @!p2 $0x0  }
0x16: {  	s3 =	sld [smem:$0x3FDB];
	s0 =	simm.s32 @p2 $0x1  }
0x17: {  	s4 =	simm.s32 $0x1BF5;
	[smem:$0x3FB7] =	sst s0  }
0x18: {  	s0 =	sld [smem:$0x3F9A];
	_ =	swait.ge [sflag:s4], $0x0  }
0x19: {  	s7 =	sld [smem:$0x3F9B]  }
0x1a: {  	s8 =	sadd.s32 $0xFFFFE003, lr  }
0x1b: {  	s9 =	sadd.s32 $0xFFFFFEF7, lr;
	s5 =	simm.s32 $0xFFFFFFFF;
	p2 =	slt.u32 s8, $0xFFFFF086  }
0x1c: {  	p1 =	slt.u32 s9, $0xF7A;
	s5 =	simm.s32 @!p2 $0x0  }
0x1d: {  	s5 =	simm.s32 @p1 $0x1;
	p0 =	seq.s32 s7, s2  }
0x1e: {  	s7 =	smul.u32 @!p0 $0xF7A, s2;
	p2 =	seq.s32 @!p0 s5, $0x0  }
0x1f: {  	s9 =	smul.u32 $0xF7A, s1;
	s8 =	simm.s32 @!p0 $0x1BF5;
	p2 =	por !p2, p0  }
0x20: {  	[sflag:s8] =	ssyncset.s32 @!p0 $0xFFFFF086;
	s6 =	sadd.s32 @!p0 s3, s7;
	s7 =	simm.s32 @!p0 $0x108  }
0x21: {  	s3 =	sadd.s32 s3, s9;
	s6 =	sadd.s32 @!p0 $0x88, s6;
	s7 =	simm.s32 @p2 $0x1082  }
0x22: {  	[simem:s7], [sflag:s8] =	dma.local @!p0 [hbm:s6], $0xF7A  }
0x23: {  	s9 =	sor.u32 $0xD0000000, s2;
	s6 =	simm.s32 $0x108;
	_ =	swait.ge @!p0 [sflag:s8], $0x0  }
0x24: {  	s3 =	sadd.s32 $0x88, s3;
	s6 =	simm.s32 @!p1 $0x1082;
	[sflag:s4] =	ssyncset.s32 $0xFFFFF086  }
0x25: {  	[simem:s6], [sflag:s4] =	dma.local [hbm:s3], $0xF7A  }
0x26: {  	[smem:$0x3F9B] =	sst s1;
	(tag) =	ssettag s2;
	_ =	strace s9  }
0x27: {  	s1 =	sld [smem:$0x3FAB]  }
0x28: {  	s2 =	sld [smem:$0x3FAC]  }
0x29: {  	s4 =	sld [smem:$0x3FAE]  }
0x2a: {  	p0 =	seq.s32 s5, $0x0;
	s5 =	sld [smem:$0x3FAF]  }
0x2b: {  	s6 =	sld [smem:$0x3FB0]  }
0x2c: {  	s7 =	sld [smem:$0x3FB1]  }
0x2d: {  	s3 =	simm.s32 $0x108;
	s8 =	sld [smem:$0x3FB2]  }
0x2e: {  	s3 =	simm.s32 @!p0 $0x1082;
	s9 =	sld [smem:$0x3FB3]  }
0x2f: {  	lr =	sadd.s32 s0, s3;
	s0 =	sld [smem:$0x3FAA]  }
0x30: {  	s3 =	sld [smem:$0x3FAD]  }
0x31: {  	[smem:$0x3FB6] =	sst s10  }
0x32: {  	s10 =	sld [smem:$0x3FB4];
	_ =	sdelay $0x3  }
0x33: {  	p0 =	seq.s32 s10, $0x1;
	s10 =	sld [smem:$0x3FB6];
	_ =	sdelay $0x3  }
0x34: {  	[smem:$0x3FB6] =	sst s10  }
0x35: {  	s10 =	sld [smem:$0x3FB5];
	_ =	sdelay $0x3  }
0x36: {  	p1 =	seq.s32 s10, $0x1;
	s10 =	sld [smem:$0x3FB6];
	_ =	sdelay $0x3  }
0x37: {  	[smem:$0x3FB6] =	sst s10  }
0x38: {  	s10 =	sld [smem:$0x3FB7]  }
0x39: {  	_ = 	snop;
	(pc) =	sbr.ind lr, $3  }
0x3a: {  	_ = 	snop  }
0x3b: {  	_ = 	snop  }
0x3c: {  	p2 =	seq.s32 s10, $0x1;
	s10 =	sld [smem:$0x3FB6]  }
0x3d: {  	_ =	shalt  }
0x3e: {  	_ =	shalt  }
0x3f: {  	_ =	shalt  }
0x40: {  	_ =	shalt  }
0x41: {  	_ =	shalt  }
0x42: {  	_ =	shalt  }
0x43: {  	_ =	shalt  }
0x44: {  	_ =	shalt  }
0x45: {  	_ =	shalt  }
0x46: {  	_ =	shalt  }
0x47: {  	_ =	shalt  }
0x48: {  	_ =	shalt  }
0x49: {  	_ =	shalt  }
0x4a: {  	_ =	shalt  }
0x4b: {  	_ =	shalt  }
0x4c: {  	_ =	shalt  }
0x4d: {  	_ =	shalt  }
0x4e: {  	_ =	shalt  }
0x4f: {  	_ =	shalt  }
0x50: {  	_ =	shalt  }
0x51: {  	_ =	shalt  }
0x52: {  	_ =	shalt  }
0x53: {  	_ =	shalt  }
0x54: {  	_ =	shalt  }
0x55: {  	_ =	shalt  }
0x56: {  	_ =	shalt  }
0x57: {  	_ =	shalt  }
0x58: {  	_ =	shalt  }
0x59: {  	_ =	shalt  }
0x5a: {  	_ =	shalt  }
0x5b: {  	_ =	shalt  }
0x5c: {  	_ =	shalt  }
0x5d: {  	_ =	shalt  }
0x5e: {  	_ =	shalt  }
0x5f: {  	_ =	shalt  }
0x60: {  	_ =	shalt  }
0x61: {  	_ =	shalt  }
0x62: {  	_ =	shalt  }
0x63: {  	_ =	shalt  }
0x64: {  	_ =	shalt  }
0x65: {  	_ =	shalt  }
0x66: {  	_ =	shalt  }
0x67: {  	_ =	shalt  }
0x68: {  	_ =	shalt  }
0x69: {  	_ =	shalt  }
0x6a: {  	_ =	shalt  }
0x6b: {  	_ =	shalt  }
0x6c: {  	_ =	shalt  }
0x6d: {  	_ =	shalt  }
0x6e: {  	_ =	shalt  }
0x6f: {  	_ =	shalt  }
0x70: {  	_ =	shalt  }
0x71: {  	_ =	shalt  }
0x72: {  	_ =	shalt  }
0x73: {  	_ =	shalt  }
0x74: {  	_ =	shalt  }
0x75: {  	_ =	shalt  }
0x76: {  	_ =	shalt  }
0x77: {  	_ =	shalt  }
0x78: {  	_ =	shalt  }
0x79: {  	_ =	shalt  }
0x7a: {  	_ =	shalt  }
0x7b: {  	_ =	shalt  }
0x7c: {  	_ =	shalt  }
0x7d: {  	_ =	shalt  }
0x7e: {  	_ =	shalt  }
0x7f: {  	_ =	shalt  }
0x80: {  	_ =	shalt  }
0x81: {  	_ =	shalt  }
0x82: {  	_ =	shalt  }
0x83: {  	_ =	shalt  }
0x84: {  	_ =	shalt  }
0x85: {  	_ =	shalt  }
0x86: {  	_ =	shalt  }
0x87: {  	_ =	shalt  }
.Lfunc_end0:
.L_simem_size_0:
called_computation_lowered:
.L_overlay_start_0:
0x88: {  	s2 =	sld [smem:$0x3FD9]  }
0x89: {  	s3 =	sld [smem:$0x3FFE];
	_ =	sdelay $0x1  }
0x8a: {  	s1 =	srdreg.scid  }
0x8b: {  	s0 =	sand.u32 $0x1, s1  }
0x8c: {  	s17 =	sshll.u32 s0, $0xA;
	s2 =	sadd.s32 s3, s2  }
0x8d: {  	s2 =	sadd.s32 s2, s17  }
0x8e: {  	[smem:$0x3FC2] =	sst s2  }
0x8f: {  	_ = 	snop  }
0x90: {  	s2 =	sld [smem:$0x3FD0];
	(tm) =	ssettm $0x1  }
0x91: {  	s18 =	sld [smem:$0x3FFB];
	_ =	sdelay $0x3  }
0x92: {  	_ =	strace s18  }
0x93: {  	s3 =	sld [smem:$0x3FFC];
	_ =	sdelay $0x3  }
0x94: {  	_ =	strace s3  }
0x95: {  	s3 =	sld [smem:$0x3FFD];
	_ =	sdelay $0x3  }
0x96: {  	_ =	strace s3  }
0x97: {  	_ =	strace $0x8FFFFFFF  }
0x98: {  	s19 =	sld [smem:$0x3FDB];
	_ =	sdelay $0x1  }
0x99: {  	s4 =	simm.s32 $_scs_section_size  }
0x9a: {  	s5 =	simm.s32 $_size__tile_overlayer_lowered;
	s6 =	simm.s32 $_tile_overlayer_lowered  }
0x9b: {  	s22 =	simm.s32 $0x1BFF;
	s21 =	sshll.u32 s6, $0x1;
	s3 =	sadd.s32 s4, s19  }
0x9c: {  	s7 =	simm.s32 $0x0;
	s20 =	sshll.u32 s5, $0x1;
	s5 =	sadd.s32 s21, s3  }
0x9d: {  	[timem:s7], [sflag:s22] =	dma.local [hbm:s5], s20  }
0x9e: {  	_ =	swait.ge [sflag:s22], s20  }
0x9f: {  	s4 =	ssub.s32 $0x0, s20;
	[sflag:s22] =	ssyncset.done $0x0  }
0xa0: {  	[sflag:s22] =	ssyncadd.s32 s4;
	_ =	sdelay $0x1  }
0xa1: {  	s23 =	simm.s32 $0x1B8B  }
0xa2: {  	_ =	swait.ge [sflag:s23], $0x1  }
0xa3: {  	[sflag:s23] =	ssyncset.done $0x0  }
0xa4: {  	s25 =	simm.s32 $0x1B8E;
	s24 =	sld [smem:$0x3FFE];
	[sflag:s23] =	ssyncadd.s32 $0xFFFFFFFF  }
0xa5: {  	s26 =	simm.s32 $execute0_lowered;
	[smem:$0x3FD2] =	sst s25  }
0xa6: {  	s5 =	sshll.u32 s26, $0x1;
	_ =	strace $0x80000046;
	[dreg:$0x1] =	wrdreg $0xFFFFFFFF  }
0xa7: {  	s28 =	simm.s32 $_size_execute0_lowered;
	s3 =	sadd.s32 s3, s5;
	[dreg:$0x0] =	wrdreg $0x0  }
0xa8: {  	s5 =	sshll.u32 s28, $0x1;
	[dreg:$0x2] =	wrdreg s3  }
0xa9: {  	[dreg:$0x3] =	wrdreg s5  }
0xaa: {  	[dreg:$0x4] =	wrdreg $0xC0  }
0xab: {  	_ =	task [dreg:s7], $0x5FFFF  }
0xac: {  	[dreg:$0x1] =	wrdreg $0xFFFFFFFF  }
0xad: {  	[dreg:$0x0] =	wrdreg $0x60  }
0xae: {  	[dreg:$0x2] =	wrdreg s24  }
0xaf: {  	[dreg:$0x3] =	wrdreg s2  }
0xb0: {  	[dreg:$0x4] =	wrdreg $0x93000  }
0xb1: {  	[dreg:$0x5] =	wrdreg $0x1D3000  }
0xb2: {  	[dreg:$0x6] =	wrdreg $0x9  }
0xb3: {  	_ =	task.clear_ibuf [dreg:s7], $0x7FFFF;
	_ =	strace $0x90000046  }
0xb4: {  	s29 =	simm.s32 $0x9;
	_ =	strace $0x80000048  }
0xb5: {  	_ =	swait.ge [sflag:s29], $0x1  }
0xb6: {  	[sflag:s29] =	ssyncadd.s32 $0xFFFFFFFF  }
0xb7: {  	_ =	strace $0x90000048  }
0xb8: {  	_ =	sfence  }
0xb9: {  	s30 =	sld [smem:$0x0];
	_ =	sdelay $0x2  }
0xba: {  	s31 =	sshll.u32 s1, $0xD;
	s1 =	sshrl.u32 s1, $0x2  }
0xbb: {  	s3 =	sand.u32 $0x4000, s31;
	s1 =	sadd.s32 s1, s30  }
0xbc: {  	s0 =	sor.u32 s3, s0;
	s1 =	sshll.u32 s1, $0x11  }
0xbd: {  	s0 =	sor.u32 s1, s0  }
0xbe: {  	s0 =	sadd.s32 $0x8F2B, s0  }
0xbf: {  	[sflag:s0] =	ssyncadd.remote.s32 $0x1  }
0xc0: {  	_ =	sfence.sel $0xFFFF  }
0xc1: {  	[dreg:$0x0] =	wrdreg $0xFFFFFFFF;
	(pc) =	sbr.abs _section_cstart, $3  }
0xc2: {  	[dreg:$0x1] =	wrdreg $0xFFFFFFFF  }
0xc3: {  	_ =	task.clear_ibuf [dreg:s7], $0x2FFFF;
	_ =	strace $0x9FFFFFFF  }
0xc4: {  	(tm) =	ssettm $0x7FFFFFFF  }
0xc5: {  	_ =	shalt  }
tec
execute0_lowered:
.L_overlay_start_1:
0x0: {  	(tag) =	ssettag $0x1  }
0x1: {  	s0 =	rddreg [dreg:$0x0]  }
0x2: {  	s1 =	rddreg [dreg:$0x1]  }
0x3: {  	s2 =	rddreg [dreg:$0x2]  }
0x4: {  	s4 =	srdreg.scid;
	s13 =	stileid.u32  }
0x5: {  	s3 =	rddreg [dreg:$0x3];
	s16 =	simm.s32 $0x0;
	s8 =	smul.u32 $0x2800, s13  }
0x6: {  	s21 =	simm.s32 $0x180;
	s23 =	simm.s32 $0x200;
	s9 =	smul.u32 $0x280, s13  }
0x7: {  	s29 =	simm.s32 $0x1;
	s30 =	simm.s32 $0x80;
	s25 =	smul.u32 $0x500, s13  }
0x8: {  	s31 =	simm.s32 $0x2;
	s6 =	sand.u32 $0x1, s4;
	s26 =	smul.u32 $0x50000, s13  }
0x9: {  	s28 =	simm.s32 $0x0;
	[smem:$0x7FF] =	sst s16;
	s7 =	smul.u32 $0x28000, s6  }
0xa: {  	s5 =	sadd.s32 $0xAE00, s0;
	_ =	strace $0x80000047;
	s10 =	smul.u32 $0x2800, s6  }
0xb: {  	s11 =	sshll.u32 s6, $0x7;
	s6 =	ssub.s32 $0x2, s6;
	[dreg:$0x7] =	wrdreg s21  }
0xc: {  	[dreg:$0x8] =	wrdreg s23;
	s21 =	simm.s32 $0x600;
	s23 =	simm.s32 $0x680  }
0xd: {  	s4 =	sshrl.u32 s6, $0x1;
	s13 =	sadd.s32 $0x80, s9;
	[dreg:$0x10] =	wrdreg s21  }
0xe: {  	s17 =	sadd.s32 $0x100, s9;
	s14 =	sadd.s32 $0x180, s9;
	[dreg:$0x11] =	wrdreg s23  }
0xf: {  	s23 =	simm.s32 $0x1000;
	s21 =	simm.s32 $0xC80;
	s7 =	sadd.s32 s8, s7  }
0x10: {  	s10 =	sadd.s32 s9, s10;
	s8 =	sor.u32 s11, s25;
	s22 =	sadd.s32 s13, s3  }
0x11: {  	s6 =	ssub.s32 s6, s4;
	s24 =	sadd.s32 s17, s3;
	[dreg:$0x1a] =	wrdreg s22  }
0x12: {  	s11 =	sshrl.u32 s26, $0x2;
	s26 =	sadd.s32 s14, s3;
	[dreg:$0x1b] =	wrdreg s24  }
0x13: {  	s18 =	sshll.u32 s17, $0x7;
	s25 =	simm.s32 $0x280;
	[dreg:$0x1c] =	wrdreg s26  }
0x14: {  	s19 =	sshll.u32 s14, $0x7;
	s4 =	simm.s32 $0x300;
	[dreg:$0x9] =	wrdreg s25  }
0x15: {  	s14 =	simm.s32 $0x480;
	s17 =	simm.s32 $0x500;
	[dreg:$0xa] =	wrdreg s4  }
0x16: {  	s7 =	sshrl.u32 s7, $0x3;
	s10 =	sshll.u32 s10, $0x4;
	[dreg:$0xd] =	wrdreg s14  }
0x17: {  	s8 =	sshrl.u32 s8, $0x3;
	[dreg:$0xe] =	wrdreg s17;
	s24 =	smax.u32 s6, $0x1  }
0x18: {  	s25 =	simm.s32 $0x700;
	s26 =	simm.s32 $0x780;
	[smem:$0x7FD] =	sst s24  }
0x19: {  	s12 =	sadd.s32 s7, s0;
	s10 =	sadd.s32 s10, s0;
	[dreg:$0x12] =	wrdreg s25  }
0x1a: {  	s0 =	sadd.s32 s8, s0;
	s8 =	sadd.s32 s11, s2;
	[dreg:$0x13] =	wrdreg s26  }
0x1b: {  	s15 =	sshll.u32 s13, $0x7;
	s1 =	sadd.s32 s7, s1;
	[dreg:$0x14] =	wrdreg s8  }
0x1c: {  	s6 =	simm.s32 $0x0;
	s11 =	simm.s32 $0x400;
	[dreg:$0x6] =	wrdreg s1  }
0x1d: {  	s14 =	simm.s32 $0x900;
	s8 =	sadd.s32 s15, s2;
	[dreg:$0xc] =	wrdreg s11  }
0x1e: {  	s17 =	simm.s32 $0xA80;
	s12 =	sadd.s32 $0xE00, s12;
	[dreg:$0x15] =	wrdreg s8  }
0x1f: {  	s24 =	simm.s32 $0x9000;
	s0 =	sadd.s32 $0x59000, s0;
	[dreg:$0x5] =	wrdreg s12  }
0x20: {  	s25 =	simm.s32 $0x3;
	s13 =	sadd.s32 $0x59A00, s10;
	[dreg:$0x1e] =	wrdreg s0  }
0x21: {  	s26 =	simm.s32 $0x5;
	s22 =	sadd.s32 $0x5BA00, s10;
	[dreg:$0x1f] =	wrdreg s13  }
0x22: {  	s15 =	sadd.s32 $0x200, s9;
	s8 =	sadd.s32 s18, s2;
	[smem:$0x7FC] =	sst s22  }
0x23: {  	s12 =	sadd.s32 s9, s3;
	s9 =	simm.s32 $0x380;
	[dreg:$0x16] =	wrdreg s8  }
0x24: {  	s7 =	simm.s32 $0xE00;
	s18 =	sadd.s32 $0x5AA00, s10;
	[dreg:$0xb] =	wrdreg s9  }
0x25: {  	s20 =	sshll.u32 s15, $0x7;
	s0 =	simm.s32 $0x5000;
	[smem:$0x7FA] =	sst s18  }
0x26: {  	s13 =	simm.s32 $0x100;
	s8 =	sadd.s32 s19, s2;
	[dreg:$0x19] =	wrdreg s12  }
0x27: {  	s22 =	simm.s32 $0xD00;
	s19 =	simm.s32 $0x580;
	[dreg:$0x17] =	wrdreg s8  }
0x28: {  	s18 =	simm.s32 $0xB00;
	s8 =	sadd.s32 s20, s2;
	[dreg:$0xf] =	wrdreg s19  }
0x29: {  	s9 =	simm.s32 $0xF00;
	s20 =	sadd.s32 $0x5B200, s10;
	[dreg:$0x18] =	wrdreg s8  }
0x2a: {  	s19 =	simm.s32 $0xB80;
	s8 =	sadd.s32 s15, s3;
	[smem:$0x7FB] =	sst s20  }
0x2b: {  	s15 =	sadd.s32 $0x5A200, s10;
	s20 =	simm.s32 $0xC00;
	[dreg:$0x1d] =	wrdreg s8  }
0x2c: {  	v0 =	vimm.f32 $0.0e+00;
	v1 =	vimm.f32 $1.000000000e+00;
	[smem:$0x7F9] =	sst s15;
	s15 =	simm.s32 $0x980;
	s8 =	simm.s32 $0xE80  }
.LBB2_1:
0x2d: {  	[smem:$0x7F8] =	sst s6;
	s10 =	simm.s32 $0x0;
	s11 =	simm.s32 $0x200  }
.LBB2_2:
0x2e: {  	p0 =	sne.s32 s11, $0xFE00;
	[tilespmem:s10+$0x1070] =	vst v0  }
0x2f: {  	[tilespmem:s10+$0x1000] =	vst v0  }
0x30: {  	[tilespmem:s10+$0x1010] =	vst v0  }
.Ltmp0:
0x31: {  	[tilespmem:s10+$0x1020] =	vst v0;
	(pc) =	sbr.rel @p0 .LBB2_2-.Ltmp0, $4  }
0x32: {  	[tilespmem:s10+$0x1030] =	vst v0  }
0x33: {  	[tilespmem:s10+$0x1040] =	vst v0  }
0x34: {  	[tilespmem:s10+$0x1050] =	vst v0  }
0x35: {  	[tilespmem:s10+$0x1060] =	vst v0;
	s10 =	sshra.s32 s11, $0x2;
	s11 =	sadd.s32 $0x200, s11  }
0x36: {  	[tilespmem:s10+$0x1070] =	vst v0  }
0x37: {  	[tilespmem:s10+$0x1000] =	vst v0  }
0x38: {  	[tilespmem:s10+$0x1010] =	vst v0  }
0x39: {  	[tilespmem:s10+$0x1020] =	vst v0  }
0x3a: {  	[tilespmem:s10+$0x1030] =	vst v0  }
0x3b: {  	[tilespmem:s10+$0x1040] =	vst v0  }
0x3c: {  	[tilespmem:s10+$0x1050] =	vst v0  }
0x3d: {  	[tilespmem:s10+$0x1060] =	vst v0  }
0x3e: {  	[tilespmem:$0x9000] =	vst v0  }
0x3f: {  	[tilespmem:$0x9010] =	vst v0  }
0x40: {  	[tilespmem:$0x9020] =	vst v0  }
0x41: {  	[tilespmem:$0x9030] =	vst v0  }
0x42: {  	[tilespmem:$0x9040] =	vst v0  }
0x43: {  	[tilespmem:$0x9050] =	vst v0  }
0x44: {  	[tilespmem:$0x9060] =	vst v0  }
0x45: {  	s1 =	rddreg [dreg:$0x14];
	[tilespmem:$0x9070] =	vst v0  }
0x46: {  	[spmem:s1] =	stream.linear.scatter [tilespmem:s23], [sflag:$0x3], $0x4000, $0x38;
	[tilespmem:$0x1D580] =	vst v63  }
0x47: {  	s11 =	rddreg [dreg:$0x15]  }
0x48: {  	[spmem:s11] =	stream.linear.scatter [tilespmem:s23], [sflag:$0x3], $0x4000, $0x38;
	[tilespmem:$0x1D580] =	vst v63  }
0x49: {  	s4 =	rddreg [dreg:$0x16]  }
0x4a: {  	[spmem:s4] =	stream.linear.scatter [tilespmem:s23], [sflag:$0x3], $0x4000, $0x38;
	[tilespmem:$0x1D580] =	vst v63  }
0x4b: {  	s6 =	rddreg [dreg:$0x17]  }
0x4c: {  	[spmem:s6] =	stream.linear.scatter [tilespmem:s23], [sflag:$0x3], $0x4000, $0x38;
	[tilespmem:$0x1D580] =	vst v63  }
0x4d: {  	s10 =	rddreg [dreg:$0x18]  }
0x4e: {  	[spmem:s10] =	stream.linear.scatter [tilespmem:s23], [sflag:$0x3], $0x4000, $0x38;
	[tilespmem:$0x1D580] =	vst v63  }
0x4f: {  	_ = 	snop  }
0x50: {  	[spmem:s12] =	stream.linear.scatter [tilespmem:s24], [sflag:$0x5], $0x80, $0x38;
	[tilespmem:$0x1D580] =	vst v63  }
0x51: {  	s11 =	rddreg [dreg:$0x1a]  }
0x52: {  	[spmem:s11] =	stream.linear.scatter [tilespmem:s24], [sflag:$0x5], $0x80, $0x38;
	[tilespmem:$0x1D580] =	vst v63  }
0x53: {  	s12 =	rddreg [dreg:$0x1b]  }
0x54: {  	[spmem:s12] =	stream.linear.scatter [tilespmem:s24], [sflag:$0x5], $0x80, $0x38;
	[tilespmem:$0x1D580] =	vst v63  }
0x55: {  	s4 =	rddreg [dreg:$0x1c]  }
0x56: {  	[spmem:s4] =	stream.linear.scatter [tilespmem:s24], [sflag:$0x5], $0x80, $0x38;
	[tilespmem:$0x1D580] =	vst v63  }
0x57: {  	s6 =	rddreg [dreg:$0x1d]  }
0x58: {  	[spmem:s6] =	stream.linear.scatter [tilespmem:s24], [sflag:$0x5], $0x80, $0x38;
	[tilespmem:$0x1D580] =	vst v63  }
0x59: {  	_ =	swait.ge [sflag:s25], $0x4000  }
0x5a: {  	[sflag:s25] =	ssyncset.done $0x0  }
0x5b: {  	[sflag:s25] =	ssyncadd.s32 $0xFFFFC000  }
0x5c: {  	_ =	swait.ge [sflag:s25], $0x4000  }
0x5d: {  	[sflag:s25] =	ssyncset.done $0x0  }
0x5e: {  	[sflag:s25] =	ssyncadd.s32 $0xFFFFC000  }
0x5f: {  	_ =	swait.ge [sflag:s25], $0x4000  }
0x60: {  	[sflag:s25] =	ssyncset.done $0x0  }
0x61: {  	[sflag:s25] =	ssyncadd.s32 $0xFFFFC000  }
0x62: {  	_ =	swait.ge [sflag:s25], $0x4000  }
0x63: {  	[sflag:s25] =	ssyncset.done $0x0  }
0x64: {  	[sflag:s25] =	ssyncadd.s32 $0xFFFFC000  }
0x65: {  	_ =	swait.ge [sflag:s25], $0x4000  }
0x66: {  	[sflag:s25] =	ssyncset.done $0x0  }
0x67: {  	[sflag:s25] =	ssyncadd.s32 $0xFFFFC000  }
0x68: {  	_ =	swait.ge [sflag:s26], $0x80  }
0x69: {  	[sflag:s26] =	ssyncset.done $0x0  }
0x6a: {  	[sflag:s26] =	ssyncadd.s32 $0xFFFFFF80  }
0x6b: {  	_ =	swait.ge [sflag:s26], $0x80  }
0x6c: {  	[sflag:s26] =	ssyncset.done $0x0  }
0x6d: {  	[sflag:s26] =	ssyncadd.s32 $0xFFFFFF80  }
0x6e: {  	_ =	swait.ge [sflag:s26], $0x80  }
0x6f: {  	[sflag:s26] =	ssyncset.done $0x0  }
0x70: {  	[sflag:s26] =	ssyncadd.s32 $0xFFFFFF80  }
0x71: {  	_ =	swait.ge [sflag:s26], $0x80  }
0x72: {  	[sflag:s26] =	ssyncset.done $0x0  }
0x73: {  	[sflag:s26] =	ssyncadd.s32 $0xFFFFFF80  }
0x74: {  	_ =	swait.ge [sflag:s26], $0x80  }
0x75: {  	[sflag:s26] =	ssyncset.done $0x0  }
0x76: {  	[sflag:s26] =	ssyncadd.s32 $0xFFFFFF80  }
0x77: {  	[tilespmem:$0x9000] =	vst v1  }
0x78: {  	[tilespmem:$0x9010] =	vst v1  }
0x79: {  	[tilespmem:$0x9020] =	vst v1  }
0x7a: {  	[tilespmem:$0x9030] =	vst v1  }
0x7b: {  	[tilespmem:$0x9040] =	vst v1  }
0x7c: {  	[tilespmem:$0x9050] =	vst v1  }
0x7d: {  	[tilespmem:$0x9060] =	vst v1  }
0x7e: {  	[tilespmem:$0x9070] =	vst v1  }
0x7f: {  	[bflag:$0x0] =	sbarrier.arrive $0xFFFF  }
0x80: {  	s10 =	rddreg [dreg:$0x6]  }
0x81: {  	s11 =	rddreg [dreg:$0x5];
	s1 =	sadd.s32 $0x0, s10  }
0x82: {  	[tilespmem:s16], [sflag:$0x1] =	stream.linear.gather [hbm4b:s1+s16], $0x800, $0x38;
	[tilespmem:$0x1D580] =	vst v63  }
0x83: {  	s4 =	simm.s32 $0x800;
	s12 =	sadd.s32 $0x0, s11  }
0x84: {  	[tilespmem:s4], [sflag:$0x1] =	stream.linear.gather [hbm4b:s12+s16], $0x800, $0x38;
	[tilespmem:$0x1D580] =	vst v63  }
0x85: {  	_ =	swait.ge [sflag:s29], $0x800  }
0x86: {  	[sflag:s29] =	ssyncset.done $0x0  }
0x87: {  	[sflag:s29] =	ssyncadd.s32 $0xFFFFF800  }
0x88: {  	_ =	swait.ge [sflag:s29], $0x800  }
0x89: {  	[sflag:s29] =	ssyncset.done $0x0  }
0x8a: {  	[sflag:s29] =	ssyncadd.s32 $0xFFFFF800  }
0x8b: {  	[tilespmem:s23], [sflag:$0x2] =	stream.indirect.gather [hbm4b:s5+s30], $0x80, s16, s30, $0xb8;
	[tilespmem:$0x1D580] =	vst v63  }
0x8c: {  	_ =	swait.ge [sflag:s31], $0x4000  }
0x8d: {  	[sflag:s31] =	ssyncset.done $0x0  }
0x8e: {  	[sflag:s31] =	ssyncadd.s32 $0xFFFFC000  }
0x8f: {  	[tilespmem:s0], [sflag:$0x2] =	stream.indirect.gather [hbm4b:s5+s30], $0x80, s30, s30, $0xb8;
	[tilespmem:$0x1D580] =	vst v63  }
0x90: {  	_ = 	snop  }
0x91: {  	[spmem:s2] =	stream.indirect.scatter.add.f32 [tilespmem:s23], [sflag:$0x3], $0x80, s4, s30, $0xb8;
	[tilespmem:$0x1D580] =	vst v63  }
0x92: {  	_ = 	snop  }
0x93: {  	[spmem:s3] =	stream.indirect.scatter.add.f32 [tilespmem:s24], [sflag:$0x5], $0x1, s4, s30, $0xb8;
	[tilespmem:$0x1D580] =	vst v63  }
0x94: {  	_ =	swait.ge [sflag:s25], $0x4000  }
0x95: {  	[sflag:s25] =	ssyncset.done $0x0  }
0x96: {  	[sflag:s25] =	ssyncadd.s32 $0xFFFFC000  }
0x97: {  	_ =	swait.ge [sflag:s26], $0x80  }
0x98: {  	[sflag:s26] =	ssyncset.done $0x0  }
0x99: {  	[sflag:s26] =	ssyncadd.s32 $0xFFFFFF80  }
0x9a: {  	_ =	swait.ge [sflag:s31], $0x4000  }
0x9b: {  	[sflag:s31] =	ssyncset.done $0x0  }
0x9c: {  	[sflag:s31] =	ssyncadd.s32 $0xFFFFC000  }
0x9d: {  	[tilespmem:s23], [sflag:$0x2] =	stream.indirect.gather [hbm4b:s5+s30], $0x80, s13, s30, $0xb8;
	[tilespmem:$0x1D580] =	vst v63  }
0x9e: {  	s6 =	simm.s32 $0x880  }
0x9f: {  	[spmem:s2] =	stream.indirect.scatter.add.f32 [tilespmem:s0], [sflag:$0x3], $0x80, s6, s30, $0xb8;
	[tilespmem:$0x1D580] =	vst v63  }
0xa0: {  	_ = 	snop  }
0xa1: {  	[spmem:s3] =	stream.indirect.scatter.add.f32 [tilespmem:s24], [sflag:$0x5], $0x1, s6, s30, $0xb8;
	[tilespmem:$0x1D580] =	vst v63  }
0xa2: {  	_ =	swait.ge [sflag:s25], $0x4000  }
0xa3: {  	[sflag:s25] =	ssyncset.done $0x0  }
0xa4: {  	[sflag:s25] =	ssyncadd.s32 $0xFFFFC000  }
0xa5: {  	_ =	swait.ge [sflag:s26], $0x80  }
0xa6: {  	[sflag:s26] =	ssyncset.done $0x0  }
0xa7: {  	[sflag:s26] =	ssyncadd.s32 $0xFFFFFF80  }
0xa8: {  	_ =	swait.ge [sflag:s31], $0x4000  }
0xa9: {  	[sflag:s31] =	ssyncset.done $0x0  }
0xaa: {  	s10 =	rddreg [dreg:$0x7];
	[sflag:s31] =	ssyncadd.s32 $0xFFFFC000  }
0xab: {  	[tilespmem:s0], [sflag:$0x2] =	stream.indirect.gather [hbm4b:s5+s30], $0x80, s10, s30, $0xb8;
	[tilespmem:$0x1D580] =	vst v63  }
0xac: {  	_ = 	snop  }
0xad: {  	[spmem:s2] =	stream.indirect.scatter.add.f32 [tilespmem:s23], [sflag:$0x3], $0x80, s14, s30, $0xb8;
	[tilespmem:$0x1D580] =	vst v63  }
0xae: {  	_ = 	snop  }
0xaf: {  	[spmem:s3] =	stream.indirect.scatter.add.f32 [tilespmem:s24], [sflag:$0x5], $0x1, s14, s30, $0xb8;
	[tilespmem:$0x1D580] =	vst v63  }
0xb0: {  	_ =	swait.ge [sflag:s25], $0x4000  }
0xb1: {  	[sflag:s25] =	ssyncset.done $0x0  }
0xb2: {  	[sflag:s25] =	ssyncadd.s32 $0xFFFFC000  }
0xb3: {  	_ =	swait.ge [sflag:s26], $0x80  }
0xb4: {  	[sflag:s26] =	ssyncset.done $0x0  }
0xb5: {  	[sflag:s26] =	ssyncadd.s32 $0xFFFFFF80  }
0xb6: {  	_ =	swait.ge [sflag:s31], $0x4000  }
0xb7: {  	[sflag:s31] =	ssyncset.done $0x0  }
0xb8: {  	s11 =	rddreg [dreg:$0x8];
	[sflag:s31] =	ssyncadd.s32 $0xFFFFC000  }
0xb9: {  	[tilespmem:s23], [sflag:$0x2] =	stream.indirect.gather [hbm4b:s5+s30], $0x80, s11, s30, $0xb8;
	[tilespmem:$0x1D580] =	vst v63  }
0xba: {  	_ = 	snop  }
0xbb: {  	[spmem:s2] =	stream.indirect.scatter.add.f32 [tilespmem:s0], [sflag:$0x3], $0x80, s15, s30, $0xb8;
	[tilespmem:$0x1D580] =	vst v63  }
0xbc: {  	_ = 	snop  }
0xbd: {  	[spmem:s3] =	stream.indirect.scatter.add.f32 [tilespmem:s24], [sflag:$0x5], $0x1, s15, s30, $0xb8;
	[tilespmem:$0x1D580] =	vst v63  }
0xbe: {  	_ =	swait.ge [sflag:s25], $0x4000  }
0xbf: {  	[sflag:s25] =	ssyncset.done $0x0  }
0xc0: {  	[sflag:s25] =	ssyncadd.s32 $0xFFFFC000  }
0xc1: {  	_ =	swait.ge [sflag:s26], $0x80  }
0xc2: {  	[sflag:s26] =	ssyncset.done $0x0  }
0xc3: {  	[sflag:s26] =	ssyncadd.s32 $0xFFFFFF80  }
0xc4: {  	_ =	swait.ge [sflag:s31], $0x4000  }
0xc5: {  	[sflag:s31] =	ssyncset.done $0x0  }
0xc6: {  	s12 =	rddreg [dreg:$0x9];
	[sflag:s31] =	ssyncadd.s32 $0xFFFFC000  }
0xc7: {  	[tilespmem:s0], [sflag:$0x2] =	stream.indirect.gather [hbm4b:s5+s30], $0x80, s12, s30, $0xb8;
	[tilespmem:$0x1D580] =	vst v63  }
0xc8: {  	s16 =	simm.s32 $0xA00  }
0xc9: {  	[spmem:s2] =	stream.indirect.scatter.add.f32 [tilespmem:s23], [sflag:$0x3], $0x80, s16, s30, $0xb8;
	[tilespmem:$0x1D580] =	vst v63  }
0xca: {  	_ = 	snop  }
0xcb: {  	[spmem:s3] =	stream.indirect.scatter.add.f32 [tilespmem:s24], [sflag:$0x5], $0x1, s16, s30, $0xb8;
	[tilespmem:$0x1D580] =	vst v63  }
0xcc: {  	_ =	swait.ge [sflag:s25], $0x4000  }
0xcd: {  	[sflag:s25] =	ssyncset.done $0x0  }
0xce: {  	[sflag:s25] =	ssyncadd.s32 $0xFFFFC000  }
0xcf: {  	_ =	swait.ge [sflag:s26], $0x80  }
0xd0: {  	[sflag:s26] =	ssyncset.done $0x0  }
0xd1: {  	[sflag:s26] =	ssyncadd.s32 $0xFFFFFF80  }
0xd2: {  	_ =	swait.ge [sflag:s31], $0x4000  }
0xd3: {  	[sflag:s31] =	ssyncset.done $0x0  }
0xd4: {  	s13 =	rddreg [dreg:$0xa];
	[sflag:s31] =	ssyncadd.s32 $0xFFFFC000  }
0xd5: {  	[tilespmem:s23], [sflag:$0x2] =	stream.indirect.gather [hbm4b:s5+s30], $0x80, s13, s30, $0xb8;
	[tilespmem:$0x1D580] =	vst v63  }
0xd6: {  	_ = 	snop  }
0xd7: {  	[spmem:s2] =	stream.indirect.scatter.add.f32 [tilespmem:s0], [sflag:$0x3], $0x80, s17, s30, $0xb8;
	[tilespmem:$0x1D580] =	vst v63  }
0xd8: {  	_ = 	snop  }
0xd9: {  	[spmem:s3] =	stream.indirect.scatter.add.f32 [tilespmem:s24], [sflag:$0x5], $0x1, s17, s30, $0xb8;
	[tilespmem:$0x1D580] =	vst v63  }
0xda: {  	_ =	swait.ge [sflag:s25], $0x4000  }
0xdb: {  	[sflag:s25] =	ssyncset.done $0x0  }
0xdc: {  	[sflag:s25] =	ssyncadd.s32 $0xFFFFC000  }
0xdd: {  	_ =	swait.ge [sflag:s26], $0x80  }
0xde: {  	[sflag:s26] =	ssyncset.done $0x0  }
0xdf: {  	[sflag:s26] =	ssyncadd.s32 $0xFFFFFF80  }
0xe0: {  	_ =	swait.ge [sflag:s31], $0x4000  }
0xe1: {  	[sflag:s31] =	ssyncset.done $0x0  }
0xe2: {  	s6 =	rddreg [dreg:$0xb];
	[sflag:s31] =	ssyncadd.s32 $0xFFFFC000  }
0xe3: {  	[tilespmem:s0], [sflag:$0x2] =	stream.indirect.gather [hbm4b:s5+s30], $0x80, s6, s30, $0xb8;
	[tilespmem:$0x1D580] =	vst v63  }
0xe4: {  	_ = 	snop  }
0xe5: {  	[spmem:s2] =	stream.indirect.scatter.add.f32 [tilespmem:s23], [sflag:$0x3], $0x80, s18, s30, $0xb8;
	[tilespmem:$0x1D580] =	vst v63  }
0xe6: {  	_ = 	snop  }
0xe7: {  	[spmem:s3] =	stream.indirect.scatter.add.f32 [tilespmem:s24], [sflag:$0x5], $0x1, s18, s30, $0xb8;
	[tilespmem:$0x1D580] =	vst v63  }
0xe8: {  	_ =	swait.ge [sflag:s25], $0x4000  }
0xe9: {  	[sflag:s25] =	ssyncset.done $0x0  }
0xea: {  	[sflag:s25] =	ssyncadd.s32 $0xFFFFC000  }
0xeb: {  	_ =	swait.ge [sflag:s26], $0x80  }
0xec: {  	[sflag:s26] =	ssyncset.done $0x0  }
0xed: {  	[sflag:s26] =	ssyncadd.s32 $0xFFFFFF80  }
0xee: {  	_ =	swait.ge [sflag:s31], $0x4000  }
0xef: {  	[sflag:s31] =	ssyncset.done $0x0  }
0xf0: {  	s10 =	rddreg [dreg:$0xc];
	[sflag:s31] =	ssyncadd.s32 $0xFFFFC000  }
0xf1: {  	[tilespmem:s23], [sflag:$0x2] =	stream.indirect.gather [hbm4b:s5+s30], $0x80, s10, s30, $0xb8;
	[tilespmem:$0x1D580] =	vst v63  }
0xf2: {  	_ = 	snop  }
0xf3: {  	[spmem:s2] =	stream.indirect.scatter.add.f32 [tilespmem:s0], [sflag:$0x3], $0x80, s19, s30, $0xb8;
	[tilespmem:$0x1D580] =	vst v63  }
0xf4: {  	_ = 	snop  }
0xf5: {  	[spmem:s3] =	stream.indirect.scatter.add.f32 [tilespmem:s24], [sflag:$0x5], $0x1, s19, s30, $0xb8;
	[tilespmem:$0x1D580] =	vst v63  }
0xf6: {  	_ =	swait.ge [sflag:s25], $0x4000  }
0xf7: {  	[sflag:s25] =	ssyncset.done $0x0  }
0xf8: {  	[sflag:s25] =	ssyncadd.s32 $0xFFFFC000  }
0xf9: {  	_ =	swait.ge [sflag:s26], $0x80  }
0xfa: {  	[sflag:s26] =	ssyncset.done $0x0  }
0xfb: {  	[sflag:s26] =	ssyncadd.s32 $0xFFFFFF80  }
0xfc: {  	_ =	swait.ge [sflag:s31], $0x4000  }
0xfd: {  	[sflag:s31] =	ssyncset.done $0x0  }
0xfe: {  	s11 =	rddreg [dreg:$0xd];
	[sflag:s31] =	ssyncadd.s32 $0xFFFFC000  }
0xff: {  	[tilespmem:s0], [sflag:$0x2] =	stream.indirect.gather [hbm4b:s5+s30], $0x80, s11, s30, $0xb8;
	[tilespmem:$0x1D580] =	vst v63  }
0x100: {  	_ = 	snop  }
0x101: {  	[spmem:s2] =	stream.indirect.scatter.add.f32 [tilespmem:s23], [sflag:$0x3], $0x80, s20, s30, $0xb8;
	[tilespmem:$0x1D580] =	vst v63  }
0x102: {  	_ = 	snop  }
0x103: {  	[spmem:s3] =	stream.indirect.scatter.add.f32 [tilespmem:s24], [sflag:$0x5], $0x1, s20, s30, $0xb8;
	[tilespmem:$0x1D580] =	vst v63  }
0x104: {  	_ =	swait.ge [sflag:s25], $0x4000  }
0x105: {  	[sflag:s25] =	ssyncset.done $0x0  }
0x106: {  	[sflag:s25] =	ssyncadd.s32 $0xFFFFC000  }
0x107: {  	_ =	swait.ge [sflag:s26], $0x80  }
0x108: {  	[sflag:s26] =	ssyncset.done $0x0  }
0x109: {  	[sflag:s26] =	ssyncadd.s32 $0xFFFFFF80  }
0x10a: {  	_ =	swait.ge [sflag:s31], $0x4000  }
0x10b: {  	[sflag:s31] =	ssyncset.done $0x0  }
0x10c: {  	s12 =	rddreg [dreg:$0xe];
	[sflag:s31] =	ssyncadd.s32 $0xFFFFC000  }
0x10d: {  	[tilespmem:s23], [sflag:$0x2] =	stream.indirect.gather [hbm4b:s5+s30], $0x80, s12, s30, $0xb8;
	[tilespmem:$0x1D580] =	vst v63  }
0x10e: {  	_ = 	snop  }
0x10f: {  	[spmem:s2] =	stream.indirect.scatter.add.f32 [tilespmem:s0], [sflag:$0x3], $0x80, s21, s30, $0xb8;
	[tilespmem:$0x1D580] =	vst v63  }
0x110: {  	_ = 	snop  }
0x111: {  	[spmem:s3] =	stream.indirect.scatter.add.f32 [tilespmem:s24], [sflag:$0x5], $0x1, s21, s30, $0xb8;
	[tilespmem:$0x1D580] =	vst v63  }
0x112: {  	_ =	swait.ge [sflag:s25], $0x4000  }
0x113: {  	[sflag:s25] =	ssyncset.done $0x0  }
0x114: {  	[sflag:s25] =	ssyncadd.s32 $0xFFFFC000  }
0x115: {  	_ =	swait.ge [sflag:s26], $0x80  }
0x116: {  	[sflag:s26] =	ssyncset.done $0x0  }
0x117: {  	[sflag:s26] =	ssyncadd.s32 $0xFFFFFF80  }
0x118: {  	_ =	swait.ge [sflag:s31], $0x4000  }
0x119: {  	[sflag:s31] =	ssyncset.done $0x0  }
0x11a: {  	s13 =	rddreg [dreg:$0xf];
	[sflag:s31] =	ssyncadd.s32 $0xFFFFC000  }
0x11b: {  	[tilespmem:s0], [sflag:$0x2] =	stream.indirect.gather [hbm4b:s5+s30], $0x80, s13, s30, $0xb8;
	[tilespmem:$0x1D580] =	vst v63  }
0x11c: {  	_ = 	snop  }
0x11d: {  	[spmem:s2] =	stream.indirect.scatter.add.f32 [tilespmem:s23], [sflag:$0x3], $0x80, s22, s30, $0xb8;
	[tilespmem:$0x1D580] =	vst v63  }
0x11e: {  	_ = 	snop  }
0x11f: {  	[spmem:s3] =	stream.indirect.scatter.add.f32 [tilespmem:s24], [sflag:$0x5], $0x1, s22, s30, $0xb8;
	[tilespmem:$0x1D580] =	vst v63  }
0x120: {  	_ =	swait.ge [sflag:s25], $0x4000  }
0x121: {  	[sflag:s25] =	ssyncset.done $0x0  }
0x122: {  	[sflag:s25] =	ssyncadd.s32 $0xFFFFC000  }
0x123: {  	_ =	swait.ge [sflag:s26], $0x80  }
0x124: {  	[sflag:s26] =	ssyncset.done $0x0  }
0x125: {  	[sflag:s26] =	ssyncadd.s32 $0xFFFFFF80  }
0x126: {  	_ =	swait.ge [sflag:s31], $0x4000  }
0x127: {  	[sflag:s31] =	ssyncset.done $0x0  }
0x128: {  	s6 =	rddreg [dreg:$0x10];
	[sflag:s31] =	ssyncadd.s32 $0xFFFFC000  }
0x129: {  	[tilespmem:s23], [sflag:$0x2] =	stream.indirect.gather [hbm4b:s5+s30], $0x80, s6, s30, $0xb8;
	[tilespmem:$0x1D580] =	vst v63  }
0x12a: {  	s6 =	simm.s32 $0xD80  }
0x12b: {  	[spmem:s2] =	stream.indirect.scatter.add.f32 [tilespmem:s0], [sflag:$0x3], $0x80, s6, s30, $0xb8;
	[tilespmem:$0x1D580] =	vst v63  }
0x12c: {  	_ = 	snop  }
0x12d: {  	[spmem:s3] =	stream.indirect.scatter.add.f32 [tilespmem:s24], [sflag:$0x5], $0x1, s6, s30, $0xb8;
	[tilespmem:$0x1D580] =	vst v63  }
0x12e: {  	_ =	swait.ge [sflag:s25], $0x4000  }
0x12f: {  	[sflag:s25] =	ssyncset.done $0x0  }
0x130: {  	[sflag:s25] =	ssyncadd.s32 $0xFFFFC000  }
0x131: {  	_ =	swait.ge [sflag:s26], $0x80  }
0x132: {  	[sflag:s26] =	ssyncset.done $0x0  }
0x133: {  	[sflag:s26] =	ssyncadd.s32 $0xFFFFFF80  }
0x134: {  	_ =	swait.ge [sflag:s31], $0x4000  }
0x135: {  	[sflag:s31] =	ssyncset.done $0x0  }
0x136: {  	s10 =	rddreg [dreg:$0x11];
	[sflag:s31] =	ssyncadd.s32 $0xFFFFC000  }
0x137: {  	[tilespmem:s0], [sflag:$0x2] =	stream.indirect.gather [hbm4b:s5+s30], $0x80, s10, s30, $0xb8;
	[tilespmem:$0x1D580] =	vst v63  }
0x138: {  	_ = 	snop  }
0x139: {  	[spmem:s2] =	stream.indirect.scatter.add.f32 [tilespmem:s23], [sflag:$0x3], $0x80, s7, s30, $0xb8;
	[tilespmem:$0x1D580] =	vst v63  }
0x13a: {  	_ = 	snop  }
0x13b: {  	[spmem:s3] =	stream.indirect.scatter.add.f32 [tilespmem:s24], [sflag:$0x5], $0x1, s7, s30, $0xb8;
	[tilespmem:$0x1D580] =	vst v63  }
0x13c: {  	_ =	swait.ge [sflag:s25], $0x4000  }
0x13d: {  	[sflag:s25] =	ssyncset.done $0x0  }
0x13e: {  	[sflag:s25] =	ssyncadd.s32 $0xFFFFC000  }
0x13f: {  	_ =	swait.ge [sflag:s26], $0x80  }
0x140: {  	[sflag:s26] =	ssyncset.done $0x0  }
0x141: {  	[sflag:s26] =	ssyncadd.s32 $0xFFFFFF80  }
0x142: {  	_ =	swait.ge [sflag:s31], $0x4000  }
0x143: {  	[sflag:s31] =	ssyncset.done $0x0  }
0x144: {  	s11 =	rddreg [dreg:$0x12];
	[sflag:s31] =	ssyncadd.s32 $0xFFFFC000  }
0x145: {  	[tilespmem:s23], [sflag:$0x2] =	stream.indirect.gather [hbm4b:s5+s30], $0x80, s11, s30, $0xb8;
	[tilespmem:$0x1D580] =	vst v63  }
0x146: {  	_ = 	snop  }
0x147: {  	[spmem:s2] =	stream.indirect.scatter.add.f32 [tilespmem:s0], [sflag:$0x3], $0x80, s8, s30, $0xb8;
	[tilespmem:$0x1D580] =	vst v63  }
0x148: {  	_ = 	snop  }
0x149: {  	[spmem:s3] =	stream.indirect.scatter.add.f32 [tilespmem:s24], [sflag:$0x5], $0x1, s8, s30, $0xb8;
	[tilespmem:$0x1D580] =	vst v63  }
0x14a: {  	_ =	swait.ge [sflag:s25], $0x4000  }
0x14b: {  	[sflag:s25] =	ssyncset.done $0x0  }
0x14c: {  	[sflag:s25] =	ssyncadd.s32 $0xFFFFC000  }
0x14d: {  	_ =	swait.ge [sflag:s26], $0x80  }
0x14e: {  	[sflag:s26] =	ssyncset.done $0x0  }
0x14f: {  	[sflag:s26] =	ssyncadd.s32 $0xFFFFFF80  }
0x150: {  	_ =	swait.ge [sflag:s31], $0x4000  }
0x151: {  	[sflag:s31] =	ssyncset.done $0x0  }
0x152: {  	s12 =	rddreg [dreg:$0x13];
	[sflag:s31] =	ssyncadd.s32 $0xFFFFC000  }
0x153: {  	[tilespmem:s0], [sflag:$0x2] =	stream.indirect.gather [hbm4b:s5+s30], $0x80, s12, s30, $0xb8;
	[tilespmem:$0x1D580] =	vst v63  }
0x154: {  	_ = 	snop  }
0x155: {  	[spmem:s2] =	stream.indirect.scatter.add.f32 [tilespmem:s23], [sflag:$0x3], $0x80, s9, s30, $0xb8;
	[tilespmem:$0x1D580] =	vst v63  }
0x156: {  	_ = 	snop  }
0x157: {  	[spmem:s3] =	stream.indirect.scatter.add.f32 [tilespmem:s24], [sflag:$0x5], $0x1, s9, s30, $0xb8;
	[tilespmem:$0x1D580] =	vst v63  }
0x158: {  	_ =	swait.ge [sflag:s25], $0x4000  }
0x159: {  	[sflag:s25] =	ssyncset.done $0x0  }
0x15a: {  	[sflag:s25] =	ssyncadd.s32 $0xFFFFC000  }
0x15b: {  	_ =	swait.ge [sflag:s26], $0x80  }
0x15c: {  	[sflag:s26] =	ssyncset.done $0x0  }
0x15d: {  	[sflag:s26] =	ssyncadd.s32 $0xFFFFFF80  }
0x15e: {  	_ =	swait.ge [sflag:s31], $0x4000  }
0x15f: {  	[sflag:s31] =	ssyncset.done $0x0  }
0x160: {  	s13 =	simm.s32 $0xF80;
	[sflag:s31] =	ssyncadd.s32 $0xFFFFC000  }
0x161: {  	[spmem:s2] =	stream.indirect.scatter.add.f32 [tilespmem:s0], [sflag:$0x3], $0x80, s13, s30, $0xb8;
	[tilespmem:$0x1D580] =	vst v63  }
0x162: {  	_ = 	snop  }
0x163: {  	[spmem:s3] =	stream.indirect.scatter.add.f32 [tilespmem:s24], [sflag:$0x5], $0x1, s13, s30, $0xb8;
	[tilespmem:$0x1D580] =	vst v63  }
0x164: {  	_ =	swait.ge [sflag:s25], $0x4000  }
0x165: {  	[sflag:s25] =	ssyncset.done $0x0  }
0x166: {  	[sflag:s25] =	ssyncadd.s32 $0xFFFFC000  }
0x167: {  	s10 =	simm.s32 $0x100;
	_ =	swait.ge [sflag:s26], $0x80  }
0x168: {  	s11 =	simm.s32 $0x200;
	s1 =	rddreg [dreg:$0x6];
	[sflag:s26] =	ssyncset.done $0x0  }
.LBB2_4:
0x169: {  	[sflag:s26] =	ssyncadd.s32 $0xFFFFFF80;
	s13 =	rddreg [dreg:$0x5];
	s1 =	sadd.s32 s10, s1  }
0x16a: {  	[tilespmem:s28], [sflag:$0x1] =	stream.linear.gather [hbm4b:s1+s28], $0x800, $0x38;
	[tilespmem:$0x1D580] =	vst v63  }
0x16b: {  	s1 =	sadd.s32 s10, s13  }
0x16c: {  	[tilespmem:s4], [sflag:$0x1] =	stream.linear.gather [hbm4b:s1+s28], $0x800, $0x38;
	[tilespmem:$0x1D580] =	vst v63  }
0x16d: {  	_ =	swait.ge [sflag:s29], $0x800  }
0x16e: {  	[sflag:s29] =	ssyncset.done $0x0  }
0x16f: {  	[sflag:s29] =	ssyncadd.s32 $0xFFFFF800  }
0x170: {  	_ =	swait.ge [sflag:s29], $0x800  }
0x171: {  	[sflag:s29] =	ssyncset.done $0x0  }
0x172: {  	[sflag:s29] =	ssyncadd.s32 $0xFFFFF800  }
0x173: {  	[tilespmem:s23], [sflag:$0x2] =	stream.indirect.gather [hbm4b:s5+s30], $0x80, s28, s30, $0xb8;
	[tilespmem:$0x1D580] =	vst v63  }
0x174: {  	_ =	swait.ge [sflag:s31], $0x4000  }
0x175: {  	[sflag:s31] =	ssyncset.done $0x0  }
0x176: {  	[sflag:s31] =	ssyncadd.s32 $0xFFFFC000  }
0x177: {  	[tilespmem:s0], [sflag:$0x2] =	stream.indirect.gather [hbm4b:s5+s30], $0x80, s30, s30, $0xb8;
	[tilespmem:$0x1D580] =	vst v63  }
0x178: {  	_ = 	snop  }
0x179: {  	[spmem:s2] =	stream.indirect.scatter.add.f32 [tilespmem:s23], [sflag:$0x3], $0x80, s4, s30, $0xb8;
	[tilespmem:$0x1D580] =	vst v63  }
0x17a: {  	_ = 	snop  }
0x17b: {  	[spmem:s3] =	stream.indirect.scatter.add.f32 [tilespmem:s24], [sflag:$0x5], $0x1, s4, s30, $0xb8;
	[tilespmem:$0x1D580] =	vst v63  }
0x17c: {  	_ =	swait.ge [sflag:s25], $0x4000  }
0x17d: {  	[sflag:s25] =	ssyncset.done $0x0  }
0x17e: {  	[sflag:s25] =	ssyncadd.s32 $0xFFFFC000  }
0x17f: {  	_ =	swait.ge [sflag:s26], $0x80  }
0x180: {  	[sflag:s26] =	ssyncset.done $0x0  }
0x181: {  	[sflag:s26] =	ssyncadd.s32 $0xFFFFFF80  }
0x182: {  	_ =	swait.ge [sflag:s31], $0x4000  }
0x183: {  	[sflag:s31] =	ssyncset.done $0x0  }
0x184: {  	s12 =	smov.u32 s11;
	s13 =	simm.s32 $0x100;
	[sflag:s31] =	ssyncadd.s32 $0xFFFFC000  }
0x185: {  	[tilespmem:s23], [sflag:$0x2] =	stream.indirect.gather [hbm4b:s5+s30], $0x80, s13, s30, $0xb8;
	[tilespmem:$0x1D580] =	vst v63  }
0x186: {  	s10 =	smov.u32 s12;
	s12 =	simm.s32 $0x880  }
0x187: {  	[spmem:s2] =	stream.indirect.scatter.add.f32 [tilespmem:s0], [sflag:$0x3], $0x80, s12, s30, $0xb8;
	[tilespmem:$0x1D580] =	vst v63  }
0x188: {  	_ = 	snop  }
0x189: {  	[spmem:s3] =	stream.indirect.scatter.add.f32 [tilespmem:s24], [sflag:$0x5], $0x1, s12, s30, $0xb8;
	[tilespmem:$0x1D580] =	vst v63  }
0x18a: {  	_ =	swait.ge [sflag:s25], $0x4000  }
0x18b: {  	[sflag:s25] =	ssyncset.done $0x0  }
0x18c: {  	[sflag:s25] =	ssyncadd.s32 $0xFFFFC000  }
0x18d: {  	_ =	swait.ge [sflag:s26], $0x80  }
0x18e: {  	[sflag:s26] =	ssyncset.done $0x0  }
0x18f: {  	[sflag:s26] =	ssyncadd.s32 $0xFFFFFF80  }
0x190: {  	_ =	swait.ge [sflag:s31], $0x4000  }
0x191: {  	[sflag:s31] =	ssyncset.done $0x0  }
0x192: {  	s1 =	rddreg [dreg:$0x7];
	[sflag:s31] =	ssyncadd.s32 $0xFFFFC000  }
0x193: {  	[tilespmem:s0], [sflag:$0x2] =	stream.indirect.gather [hbm4b:s5+s30], $0x80, s1, s30, $0xb8;
	[tilespmem:$0x1D580] =	vst v63  }
0x194: {  	_ = 	snop  }
0x195: {  	[spmem:s2] =	stream.indirect.scatter.add.f32 [tilespmem:s23], [sflag:$0x3], $0x80, s14, s30, $0xb8;
	[tilespmem:$0x1D580] =	vst v63  }
0x196: {  	_ = 	snop  }
0x197: {  	[spmem:s3] =	stream.indirect.scatter.add.f32 [tilespmem:s24], [sflag:$0x5], $0x1, s14, s30, $0xb8;
	[tilespmem:$0x1D580] =	vst v63  }
0x198: {  	_ =	swait.ge [sflag:s25], $0x4000  }
0x199: {  	[sflag:s25] =	ssyncset.done $0x0  }
0x19a: {  	[sflag:s25] =	ssyncadd.s32 $0xFFFFC000  }
0x19b: {  	_ =	swait.ge [sflag:s26], $0x80  }
0x19c: {  	[sflag:s26] =	ssyncset.done $0x0  }
0x19d: {  	[sflag:s26] =	ssyncadd.s32 $0xFFFFFF80  }
0x19e: {  	_ =	swait.ge [sflag:s31], $0x4000  }
0x19f: {  	[sflag:s31] =	ssyncset.done $0x0  }
0x1a0: {  	s1 =	rddreg [dreg:$0x8];
	[sflag:s31] =	ssyncadd.s32 $0xFFFFC000  }
0x1a1: {  	[tilespmem:s23], [sflag:$0x2] =	stream.indirect.gather [hbm4b:s5+s30], $0x80, s1, s30, $0xb8;
	[tilespmem:$0x1D580] =	vst v63  }
0x1a2: {  	_ = 	snop  }
0x1a3: {  	[spmem:s2] =	stream.indirect.scatter.add.f32 [tilespmem:s0], [sflag:$0x3], $0x80, s15, s30, $0xb8;
	[tilespmem:$0x1D580] =	vst v63  }
0x1a4: {  	_ = 	snop  }
0x1a5: {  	[spmem:s3] =	stream.indirect.scatter.add.f32 [tilespmem:s24], [sflag:$0x5], $0x1, s15, s30, $0xb8;
	[tilespmem:$0x1D580] =	vst v63  }
0x1a6: {  	_ =	swait.ge [sflag:s25], $0x4000  }
0x1a7: {  	[sflag:s25] =	ssyncset.done $0x0  }
0x1a8: {  	[sflag:s25] =	ssyncadd.s32 $0xFFFFC000  }
0x1a9: {  	_ =	swait.ge [sflag:s26], $0x80  }
0x1aa: {  	[sflag:s26] =	ssyncset.done $0x0  }
0x1ab: {  	[sflag:s26] =	ssyncadd.s32 $0xFFFFFF80  }
0x1ac: {  	_ =	swait.ge [sflag:s31], $0x4000  }
0x1ad: {  	[sflag:s31] =	ssyncset.done $0x0  }
0x1ae: {  	s1 =	rddreg [dreg:$0x9];
	[sflag:s31] =	ssyncadd.s32 $0xFFFFC000  }
0x1af: {  	[tilespmem:s0], [sflag:$0x2] =	stream.indirect.gather [hbm4b:s5+s30], $0x80, s1, s30, $0xb8;
	[tilespmem:$0x1D580] =	vst v63  }
0x1b0: {  	_ = 	snop  }
0x1b1: {  	[spmem:s2] =	stream.indirect.scatter.add.f32 [tilespmem:s23], [sflag:$0x3], $0x80, s16, s30, $0xb8;
	[tilespmem:$0x1D580] =	vst v63  }
0x1b2: {  	_ = 	snop  }
0x1b3: {  	[spmem:s3] =	stream.indirect.scatter.add.f32 [tilespmem:s24], [sflag:$0x5], $0x1, s16, s30, $0xb8;
	[tilespmem:$0x1D580] =	vst v63  }
0x1b4: {  	_ =	swait.ge [sflag:s25], $0x4000  }
0x1b5: {  	[sflag:s25] =	ssyncset.done $0x0  }
0x1b6: {  	[sflag:s25] =	ssyncadd.s32 $0xFFFFC000  }
0x1b7: {  	_ =	swait.ge [sflag:s26], $0x80  }
0x1b8: {  	[sflag:s26] =	ssyncset.done $0x0  }
0x1b9: {  	[sflag:s26] =	ssyncadd.s32 $0xFFFFFF80  }
0x1ba: {  	_ =	swait.ge [sflag:s31], $0x4000  }
0x1bb: {  	[sflag:s31] =	ssyncset.done $0x0  }
0x1bc: {  	s1 =	rddreg [dreg:$0xa];
	[sflag:s31] =	ssyncadd.s32 $0xFFFFC000  }
0x1bd: {  	[tilespmem:s23], [sflag:$0x2] =	stream.indirect.gather [hbm4b:s5+s30], $0x80, s1, s30, $0xb8;
	[tilespmem:$0x1D580] =	vst v63  }
0x1be: {  	_ = 	snop  }
0x1bf: {  	[spmem:s2] =	stream.indirect.scatter.add.f32 [tilespmem:s0], [sflag:$0x3], $0x80, s17, s30, $0xb8;
	[tilespmem:$0x1D580] =	vst v63  }
0x1c0: {  	_ = 	snop  }
0x1c1: {  	[spmem:s3] =	stream.indirect.scatter.add.f32 [tilespmem:s24], [sflag:$0x5], $0x1, s17, s30, $0xb8;
	[tilespmem:$0x1D580] =	vst v63  }
0x1c2: {  	_ =	swait.ge [sflag:s25], $0x4000  }
0x1c3: {  	[sflag:s25] =	ssyncset.done $0x0  }
0x1c4: {  	[sflag:s25] =	ssyncadd.s32 $0xFFFFC000  }
0x1c5: {  	_ =	swait.ge [sflag:s26], $0x80  }
0x1c6: {  	[sflag:s26] =	ssyncset.done $0x0  }
0x1c7: {  	[sflag:s26] =	ssyncadd.s32 $0xFFFFFF80  }
0x1c8: {  	_ =	swait.ge [sflag:s31], $0x4000  }
0x1c9: {  	[sflag:s31] =	ssyncset.done $0x0  }
0x1ca: {  	s1 =	rddreg [dreg:$0xb];
	[sflag:s31] =	ssyncadd.s32 $0xFFFFC000  }
0x1cb: {  	[tilespmem:s0], [sflag:$0x2] =	stream.indirect.gather [hbm4b:s5+s30], $0x80, s1, s30, $0xb8;
	[tilespmem:$0x1D580] =	vst v63  }
0x1cc: {  	_ = 	snop  }
0x1cd: {  	[spmem:s2] =	stream.indirect.scatter.add.f32 [tilespmem:s23], [sflag:$0x3], $0x80, s18, s30, $0xb8;
	[tilespmem:$0x1D580] =	vst v63  }
0x1ce: {  	_ = 	snop  }
0x1cf: {  	[spmem:s3] =	stream.indirect.scatter.add.f32 [tilespmem:s24], [sflag:$0x5], $0x1, s18, s30, $0xb8;
	[tilespmem:$0x1D580] =	vst v63  }
0x1d0: {  	_ =	swait.ge [sflag:s25], $0x4000  }
0x1d1: {  	[sflag:s25] =	ssyncset.done $0x0  }
0x1d2: {  	[sflag:s25] =	ssyncadd.s32 $0xFFFFC000  }
0x1d3: {  	_ =	swait.ge [sflag:s26], $0x80  }
0x1d4: {  	[sflag:s26] =	ssyncset.done $0x0  }
0x1d5: {  	[sflag:s26] =	ssyncadd.s32 $0xFFFFFF80  }
0x1d6: {  	_ =	swait.ge [sflag:s31], $0x4000  }
0x1d7: {  	[sflag:s31] =	ssyncset.done $0x0  }
0x1d8: {  	s1 =	rddreg [dreg:$0xc];
	[sflag:s31] =	ssyncadd.s32 $0xFFFFC000  }
0x1d9: {  	[tilespmem:s23], [sflag:$0x2] =	stream.indirect.gather [hbm4b:s5+s30], $0x80, s1, s30, $0xb8;
	[tilespmem:$0x1D580] =	vst v63  }
0x1da: {  	_ = 	snop  }
0x1db: {  	[spmem:s2] =	stream.indirect.scatter.add.f32 [tilespmem:s0], [sflag:$0x3], $0x80, s19, s30, $0xb8;
	[tilespmem:$0x1D580] =	vst v63  }
0x1dc: {  	_ = 	snop  }
0x1dd: {  	[spmem:s3] =	stream.indirect.scatter.add.f32 [tilespmem:s24], [sflag:$0x5], $0x1, s19, s30, $0xb8;
	[tilespmem:$0x1D580] =	vst v63  }
0x1de: {  	_ =	swait.ge [sflag:s25], $0x4000  }
0x1df: {  	[sflag:s25] =	ssyncset.done $0x0  }
0x1e0: {  	[sflag:s25] =	ssyncadd.s32 $0xFFFFC000  }
0x1e1: {  	_ =	swait.ge [sflag:s26], $0x80  }
0x1e2: {  	[sflag:s26] =	ssyncset.done $0x0  }
0x1e3: {  	[sflag:s26] =	ssyncadd.s32 $0xFFFFFF80  }
0x1e4: {  	_ =	swait.ge [sflag:s31], $0x4000  }
0x1e5: {  	[sflag:s31] =	ssyncset.done $0x0  }
0x1e6: {  	s1 =	rddreg [dreg:$0xd];
	[sflag:s31] =	ssyncadd.s32 $0xFFFFC000  }
0x1e7: {  	[tilespmem:s0], [sflag:$0x2] =	stream.indirect.gather [hbm4b:s5+s30], $0x80, s1, s30, $0xb8;
	[tilespmem:$0x1D580] =	vst v63  }
0x1e8: {  	_ = 	snop  }
0x1e9: {  	[spmem:s2] =	stream.indirect.scatter.add.f32 [tilespmem:s23], [sflag:$0x3], $0x80, s20, s30, $0xb8;
	[tilespmem:$0x1D580] =	vst v63  }
0x1ea: {  	_ = 	snop  }
0x1eb: {  	[spmem:s3] =	stream.indirect.scatter.add.f32 [tilespmem:s24], [sflag:$0x5], $0x1, s20, s30, $0xb8;
	[tilespmem:$0x1D580] =	vst v63  }
0x1ec: {  	_ =	swait.ge [sflag:s25], $0x4000  }
0x1ed: {  	[sflag:s25] =	ssyncset.done $0x0  }
0x1ee: {  	[sflag:s25] =	ssyncadd.s32 $0xFFFFC000  }
0x1ef: {  	_ =	swait.ge [sflag:s26], $0x80  }
0x1f0: {  	[sflag:s26] =	ssyncset.done $0x0  }
0x1f1: {  	[sflag:s26] =	ssyncadd.s32 $0xFFFFFF80  }
0x1f2: {  	_ =	swait.ge [sflag:s31], $0x4000  }
0x1f3: {  	[sflag:s31] =	ssyncset.done $0x0  }
0x1f4: {  	s1 =	rddreg [dreg:$0xe];
	[sflag:s31] =	ssyncadd.s32 $0xFFFFC000  }
0x1f5: {  	[tilespmem:s23], [sflag:$0x2] =	stream.indirect.gather [hbm4b:s5+s30], $0x80, s1, s30, $0xb8;
	[tilespmem:$0x1D580] =	vst v63  }
0x1f6: {  	_ = 	snop  }
0x1f7: {  	[spmem:s2] =	stream.indirect.scatter.add.f32 [tilespmem:s0], [sflag:$0x3], $0x80, s21, s30, $0xb8;
	[tilespmem:$0x1D580] =	vst v63  }
0x1f8: {  	_ = 	snop  }
0x1f9: {  	[spmem:s3] =	stream.indirect.scatter.add.f32 [tilespmem:s24], [sflag:$0x5], $0x1, s21, s30, $0xb8;
	[tilespmem:$0x1D580] =	vst v63  }
0x1fa: {  	_ =	swait.ge [sflag:s25], $0x4000  }
0x1fb: {  	[sflag:s25] =	ssyncset.done $0x0  }
0x1fc: {  	[sflag:s25] =	ssyncadd.s32 $0xFFFFC000  }
0x1fd: {  	_ =	swait.ge [sflag:s26], $0x80  }
0x1fe: {  	[sflag:s26] =	ssyncset.done $0x0  }
0x1ff: {  	[sflag:s26] =	ssyncadd.s32 $0xFFFFFF80  }
0x200: {  	_ =	swait.ge [sflag:s31], $0x4000  }
0x201: {  	[sflag:s31] =	ssyncset.done $0x0  }
0x202: {  	s1 =	rddreg [dreg:$0xf];
	[sflag:s31] =	ssyncadd.s32 $0xFFFFC000  }
0x203: {  	[tilespmem:s0], [sflag:$0x2] =	stream.indirect.gather [hbm4b:s5+s30], $0x80, s1, s30, $0xb8;
	[tilespmem:$0x1D580] =	vst v63  }
0x204: {  	_ = 	snop  }
0x205: {  	[spmem:s2] =	stream.indirect.scatter.add.f32 [tilespmem:s23], [sflag:$0x3], $0x80, s22, s30, $0xb8;
	[tilespmem:$0x1D580] =	vst v63  }
0x206: {  	_ = 	snop  }
0x207: {  	[spmem:s3] =	stream.indirect.scatter.add.f32 [tilespmem:s24], [sflag:$0x5], $0x1, s22, s30, $0xb8;
	[tilespmem:$0x1D580] =	vst v63  }
0x208: {  	_ =	swait.ge [sflag:s25], $0x4000  }
0x209: {  	[sflag:s25] =	ssyncset.done $0x0  }
0x20a: {  	[sflag:s25] =	ssyncadd.s32 $0xFFFFC000  }
0x20b: {  	_ =	swait.ge [sflag:s26], $0x80  }
0x20c: {  	[sflag:s26] =	ssyncset.done $0x0  }
0x20d: {  	[sflag:s26] =	ssyncadd.s32 $0xFFFFFF80  }
0x20e: {  	_ =	swait.ge [sflag:s31], $0x4000  }
0x20f: {  	[sflag:s31] =	ssyncset.done $0x0  }
0x210: {  	s1 =	rddreg [dreg:$0x10];
	[sflag:s31] =	ssyncadd.s32 $0xFFFFC000  }
0x211: {  	[tilespmem:s23], [sflag:$0x2] =	stream.indirect.gather [hbm4b:s5+s30], $0x80, s1, s30, $0xb8;
	[tilespmem:$0x1D580] =	vst v63  }
0x212: {  	_ = 	snop  }
0x213: {  	[spmem:s2] =	stream.indirect.scatter.add.f32 [tilespmem:s0], [sflag:$0x3], $0x80, s6, s30, $0xb8;
	[tilespmem:$0x1D580] =	vst v63  }
0x214: {  	_ = 	snop  }
0x215: {  	[spmem:s3] =	stream.indirect.scatter.add.f32 [tilespmem:s24], [sflag:$0x5], $0x1, s6, s30, $0xb8;
	[tilespmem:$0x1D580] =	vst v63  }
0x216: {  	_ =	swait.ge [sflag:s25], $0x4000  }
0x217: {  	[sflag:s25] =	ssyncset.done $0x0  }
0x218: {  	[sflag:s25] =	ssyncadd.s32 $0xFFFFC000  }
0x219: {  	_ =	swait.ge [sflag:s26], $0x80  }
0x21a: {  	[sflag:s26] =	ssyncset.done $0x0  }
0x21b: {  	[sflag:s26] =	ssyncadd.s32 $0xFFFFFF80  }
0x21c: {  	_ =	swait.ge [sflag:s31], $0x4000  }
0x21d: {  	[sflag:s31] =	ssyncset.done $0x0  }
0x21e: {  	s1 =	rddreg [dreg:$0x11];
	[sflag:s31] =	ssyncadd.s32 $0xFFFFC000  }
0x21f: {  	[tilespmem:s0], [sflag:$0x2] =	stream.indirect.gather [hbm4b:s5+s30], $0x80, s1, s30, $0xb8;
	[tilespmem:$0x1D580] =	vst v63  }
0x220: {  	_ = 	snop  }
0x221: {  	[spmem:s2] =	stream.indirect.scatter.add.f32 [tilespmem:s23], [sflag:$0x3], $0x80, s7, s30, $0xb8;
	[tilespmem:$0x1D580] =	vst v63  }
0x222: {  	_ = 	snop  }
0x223: {  	[spmem:s3] =	stream.indirect.scatter.add.f32 [tilespmem:s24], [sflag:$0x5], $0x1, s7, s30, $0xb8;
	[tilespmem:$0x1D580] =	vst v63  }
0x224: {  	_ =	swait.ge [sflag:s25], $0x4000  }
0x225: {  	[sflag:s25] =	ssyncset.done $0x0  }
0x226: {  	[sflag:s25] =	ssyncadd.s32 $0xFFFFC000  }
0x227: {  	_ =	swait.ge [sflag:s26], $0x80  }
0x228: {  	[sflag:s26] =	ssyncset.done $0x0  }
0x229: {  	[sflag:s26] =	ssyncadd.s32 $0xFFFFFF80  }
0x22a: {  	_ =	swait.ge [sflag:s31], $0x4000  }
0x22b: {  	[sflag:s31] =	ssyncset.done $0x0  }
0x22c: {  	s1 =	rddreg [dreg:$0x12];
	[sflag:s31] =	ssyncadd.s32 $0xFFFFC000  }
0x22d: {  	[tilespmem:s23], [sflag:$0x2] =	stream.indirect.gather [hbm4b:s5+s30], $0x80, s1, s30, $0xb8;
	[tilespmem:$0x1D580] =	vst v63  }
0x22e: {  	_ = 	snop  }
0x22f: {  	[spmem:s2] =	stream.indirect.scatter.add.f32 [tilespmem:s0], [sflag:$0x3], $0x80, s8, s30, $0xb8;
	[tilespmem:$0x1D580] =	vst v63  }
0x230: {  	_ = 	snop  }
0x231: {  	[spmem:s3] =	stream.indirect.scatter.add.f32 [tilespmem:s24], [sflag:$0x5], $0x1, s8, s30, $0xb8;
	[tilespmem:$0x1D580] =	vst v63  }
0x232: {  	_ =	swait.ge [sflag:s25], $0x4000  }
0x233: {  	[sflag:s25] =	ssyncset.done $0x0  }
0x234: {  	[sflag:s25] =	ssyncadd.s32 $0xFFFFC000  }
0x235: {  	_ =	swait.ge [sflag:s26], $0x80  }
0x236: {  	[sflag:s26] =	ssyncset.done $0x0  }
0x237: {  	[sflag:s26] =	ssyncadd.s32 $0xFFFFFF80  }
0x238: {  	_ =	swait.ge [sflag:s31], $0x4000  }
0x239: {  	[sflag:s31] =	ssyncset.done $0x0  }
0x23a: {  	s1 =	rddreg [dreg:$0x13];
	[sflag:s31] =	ssyncadd.s32 $0xFFFFC000  }
0x23b: {  	[tilespmem:s0], [sflag:$0x2] =	stream.indirect.gather [hbm4b:s5+s30], $0x80, s1, s30, $0xb8;
	[tilespmem:$0x1D580] =	vst v63  }
0x23c: {  	_ = 	snop  }
0x23d: {  	[spmem:s2] =	stream.indirect.scatter.add.f32 [tilespmem:s23], [sflag:$0x3], $0x80, s9, s30, $0xb8;
	[tilespmem:$0x1D580] =	vst v63  }
0x23e: {  	_ = 	snop  }
0x23f: {  	[spmem:s3] =	stream.indirect.scatter.add.f32 [tilespmem:s24], [sflag:$0x5], $0x1, s9, s30, $0xb8;
	[tilespmem:$0x1D580] =	vst v63  }
0x240: {  	_ =	swait.ge [sflag:s25], $0x4000  }
0x241: {  	[sflag:s25] =	ssyncset.done $0x0  }
0x242: {  	[sflag:s25] =	ssyncadd.s32 $0xFFFFC000  }
0x243: {  	_ =	swait.ge [sflag:s26], $0x80  }
0x244: {  	[sflag:s26] =	ssyncset.done $0x0  }
0x245: {  	[sflag:s26] =	ssyncadd.s32 $0xFFFFFF80  }
0x246: {  	_ =	swait.ge [sflag:s31], $0x4000  }
0x247: {  	[sflag:s31] =	ssyncset.done $0x0  }
0x248: {  	s1 =	simm.s32 $0xF80;
	[sflag:s31] =	ssyncadd.s32 $0xFFFFC000  }
0x249: {  	[spmem:s2] =	stream.indirect.scatter.add.f32 [tilespmem:s0], [sflag:$0x3], $0x80, s1, s30, $0xb8;
	[tilespmem:$0x1D580] =	vst v63  }
0x24a: {  	p0 =	sne.s32 s11, $0x400  }
0x24b: {  	[spmem:s3] =	stream.indirect.scatter.add.f32 [tilespmem:s24], [sflag:$0x5], $0x1, s1, s30, $0xb8;
	[tilespmem:$0x1D580] =	vst v63  }
.Ltmp1:
0x24c: {  	_ =	swait.ge [sflag:s25], $0x4000;
	(pc) =	sbr.rel @p0 .LBB2_4-.Ltmp1, $4  }
0x24d: {  	[sflag:s25] =	ssyncset.done $0x0  }
0x24e: {  	[sflag:s25] =	ssyncadd.s32 $0xFFFFC000  }
0x24f: {  	_ =	swait.ge [sflag:s26], $0x80  }
0x250: {  	s11 =	sadd.s32 $0x100, s11;
	s1 =	rddreg [dreg:$0x6];
	[sflag:s26] =	ssyncset.done $0x0  }
0x251: {  	s11 =	rddreg [dreg:$0x5];
	[sflag:s26] =	ssyncadd.s32 $0xFFFFFF80;
	s1 =	sadd.s32 s10, s1  }
0x252: {  	[tilespmem:s28], [sflag:$0x1] =	stream.linear.gather [hbm4b:s1+s28], $0x800, $0x38;
	[tilespmem:$0x1D580] =	vst v63  }
0x253: {  	s11 =	sadd.s32 s10, s11  }
0x254: {  	[tilespmem:s4], [sflag:$0x1] =	stream.linear.gather [hbm4b:s11+s28], $0x800, $0x38;
	[tilespmem:$0x1D580] =	vst v63  }
0x255: {  	_ =	swait.ge [sflag:s29], $0x800  }
0x256: {  	[sflag:s29] =	ssyncset.done $0x0  }
0x257: {  	[sflag:s29] =	ssyncadd.s32 $0xFFFFF800  }
0x258: {  	_ =	swait.ge [sflag:s29], $0x800  }
0x259: {  	[sflag:s29] =	ssyncset.done $0x0  }
0x25a: {  	[sflag:s29] =	ssyncadd.s32 $0xFFFFF800  }
0x25b: {  	[tilespmem:s23], [sflag:$0x2] =	stream.indirect.gather [hbm4b:s5+s30], $0x80, s28, s30, $0xb8;
	[tilespmem:$0x1D580] =	vst v63  }
0x25c: {  	_ =	swait.ge [sflag:s31], $0x4000  }
0x25d: {  	[sflag:s31] =	ssyncset.done $0x0  }
0x25e: {  	[sflag:s31] =	ssyncadd.s32 $0xFFFFC000  }
0x25f: {  	[tilespmem:s0], [sflag:$0x2] =	stream.indirect.gather [hbm4b:s5+s30], $0x80, s30, s30, $0xb8;
	[tilespmem:$0x1D580] =	vst v63  }
0x260: {  	_ = 	snop  }
0x261: {  	[spmem:s2] =	stream.indirect.scatter.add.f32 [tilespmem:s23], [sflag:$0x3], $0x80, s4, s30, $0xb8;
	[tilespmem:$0x1D580] =	vst v63  }
0x262: {  	_ = 	snop  }
0x263: {  	[spmem:s3] =	stream.indirect.scatter.add.f32 [tilespmem:s24], [sflag:$0x5], $0x1, s4, s30, $0xb8;
	[tilespmem:$0x1D580] =	vst v63  }
0x264: {  	_ =	swait.ge [sflag:s25], $0x4000  }
0x265: {  	[sflag:s25] =	ssyncset.done $0x0  }
0x266: {  	[sflag:s25] =	ssyncadd.s32 $0xFFFFC000  }
0x267: {  	_ =	swait.ge [sflag:s26], $0x80  }
0x268: {  	[sflag:s26] =	ssyncset.done $0x0  }
0x269: {  	[sflag:s26] =	ssyncadd.s32 $0xFFFFFF80  }
0x26a: {  	_ =	swait.ge [sflag:s31], $0x4000  }
0x26b: {  	[sflag:s31] =	ssyncset.done $0x0  }
0x26c: {  	[sflag:s31] =	ssyncadd.s32 $0xFFFFC000  }
0x26d: {  	[tilespmem:s23], [sflag:$0x2] =	stream.indirect.gather [hbm4b:s5+s30], $0x80, s13, s30, $0xb8;
	[tilespmem:$0x1D580] =	vst v63  }
0x26e: {  	_ = 	snop  }
0x26f: {  	[spmem:s2] =	stream.indirect.scatter.add.f32 [tilespmem:s0], [sflag:$0x3], $0x80, s12, s30, $0xb8;
	[tilespmem:$0x1D580] =	vst v63  }
0x270: {  	_ = 	snop  }
0x271: {  	[spmem:s3] =	stream.indirect.scatter.add.f32 [tilespmem:s24], [sflag:$0x5], $0x1, s12, s30, $0xb8;
	[tilespmem:$0x1D580] =	vst v63  }
0x272: {  	_ =	swait.ge [sflag:s25], $0x4000  }
0x273: {  	[sflag:s25] =	ssyncset.done $0x0  }
0x274: {  	[sflag:s25] =	ssyncadd.s32 $0xFFFFC000  }
0x275: {  	_ =	swait.ge [sflag:s26], $0x80  }
0x276: {  	[sflag:s26] =	ssyncset.done $0x0  }
0x277: {  	[sflag:s26] =	ssyncadd.s32 $0xFFFFFF80  }
0x278: {  	_ =	swait.ge [sflag:s31], $0x4000  }
0x279: {  	[sflag:s31] =	ssyncset.done $0x0  }
0x27a: {  	s10 =	rddreg [dreg:$0x7];
	[sflag:s31] =	ssyncadd.s32 $0xFFFFC000  }
0x27b: {  	[tilespmem:s0], [sflag:$0x2] =	stream.indirect.gather [hbm4b:s5+s30], $0x80, s10, s30, $0xb8;
	[tilespmem:$0x1D580] =	vst v63  }
0x27c: {  	_ = 	snop  }
0x27d: {  	[spmem:s2] =	stream.indirect.scatter.add.f32 [tilespmem:s23], [sflag:$0x3], $0x80, s14, s30, $0xb8;
	[tilespmem:$0x1D580] =	vst v63  }
0x27e: {  	_ = 	snop  }
0x27f: {  	[spmem:s3] =	stream.indirect.scatter.add.f32 [tilespmem:s24], [sflag:$0x5], $0x1, s14, s30, $0xb8;
	[tilespmem:$0x1D580] =	vst v63  }
0x280: {  	_ =	swait.ge [sflag:s25], $0x4000  }
0x281: {  	[sflag:s25] =	ssyncset.done $0x0  }
0x282: {  	[sflag:s25] =	ssyncadd.s32 $0xFFFFC000  }
0x283: {  	_ =	swait.ge [sflag:s26], $0x80  }
0x284: {  	[sflag:s26] =	ssyncset.done $0x0  }
0x285: {  	[sflag:s26] =	ssyncadd.s32 $0xFFFFFF80  }
0x286: {  	_ =	swait.ge [sflag:s31], $0x4000  }
0x287: {  	[sflag:s31] =	ssyncset.done $0x0  }
0x288: {  	s11 =	rddreg [dreg:$0x8];
	[sflag:s31] =	ssyncadd.s32 $0xFFFFC000  }
0x289: {  	[tilespmem:s23], [sflag:$0x2] =	stream.indirect.gather [hbm4b:s5+s30], $0x80, s11, s30, $0xb8;
	[tilespmem:$0x1D580] =	vst v63  }
0x28a: {  	_ = 	snop  }
0x28b: {  	[spmem:s2] =	stream.indirect.scatter.add.f32 [tilespmem:s0], [sflag:$0x3], $0x80, s15, s30, $0xb8;
	[tilespmem:$0x1D580] =	vst v63  }
0x28c: {  	_ = 	snop  }
0x28d: {  	[spmem:s3] =	stream.indirect.scatter.add.f32 [tilespmem:s24], [sflag:$0x5], $0x1, s15, s30, $0xb8;
	[tilespmem:$0x1D580] =	vst v63  }
0x28e: {  	_ =	swait.ge [sflag:s25], $0x4000  }
0x28f: {  	[sflag:s25] =	ssyncset.done $0x0  }
0x290: {  	[sflag:s25] =	ssyncadd.s32 $0xFFFFC000  }
0x291: {  	_ =	swait.ge [sflag:s26], $0x80  }
0x292: {  	[sflag:s26] =	ssyncset.done $0x0  }
0x293: {  	[sflag:s26] =	ssyncadd.s32 $0xFFFFFF80  }
0x294: {  	_ =	swait.ge [sflag:s31], $0x4000  }
0x295: {  	[sflag:s31] =	ssyncset.done $0x0  }
0x296: {  	s12 =	rddreg [dreg:$0x9];
	[sflag:s31] =	ssyncadd.s32 $0xFFFFC000  }
0x297: {  	[tilespmem:s0], [sflag:$0x2] =	stream.indirect.gather [hbm4b:s5+s30], $0x80, s12, s30, $0xb8;
	[tilespmem:$0x1D580] =	vst v63  }
0x298: {  	_ = 	snop  }
0x299: {  	[spmem:s2] =	stream.indirect.scatter.add.f32 [tilespmem:s23], [sflag:$0x3], $0x80, s16, s30, $0xb8;
	[tilespmem:$0x1D580] =	vst v63  }
0x29a: {  	_ = 	snop  }
0x29b: {  	[spmem:s3] =	stream.indirect.scatter.add.f32 [tilespmem:s24], [sflag:$0x5], $0x1, s16, s30, $0xb8;
	[tilespmem:$0x1D580] =	vst v63  }
0x29c: {  	_ =	swait.ge [sflag:s25], $0x4000  }
0x29d: {  	[sflag:s25] =	ssyncset.done $0x0  }
0x29e: {  	[sflag:s25] =	ssyncadd.s32 $0xFFFFC000  }
0x29f: {  	_ =	swait.ge [sflag:s26], $0x80  }
0x2a0: {  	[sflag:s26] =	ssyncset.done $0x0  }
0x2a1: {  	[sflag:s26] =	ssyncadd.s32 $0xFFFFFF80  }
0x2a2: {  	_ =	swait.ge [sflag:s31], $0x4000  }
0x2a3: {  	[sflag:s31] =	ssyncset.done $0x0  }
0x2a4: {  	s4 =	rddreg [dreg:$0xa];
	[sflag:s31] =	ssyncadd.s32 $0xFFFFC000  }
0x2a5: {  	[tilespmem:s23], [sflag:$0x2] =	stream.indirect.gather [hbm4b:s5+s30], $0x80, s4, s30, $0xb8;
	[tilespmem:$0x1D580] =	vst v63  }
0x2a6: {  	_ = 	snop  }
0x2a7: {  	[spmem:s2] =	stream.indirect.scatter.add.f32 [tilespmem:s0], [sflag:$0x3], $0x80, s17, s30, $0xb8;
	[tilespmem:$0x1D580] =	vst v63  }
0x2a8: {  	_ = 	snop  }
0x2a9: {  	[spmem:s3] =	stream.indirect.scatter.add.f32 [tilespmem:s24], [sflag:$0x5], $0x1, s17, s30, $0xb8;
	[tilespmem:$0x1D580] =	vst v63  }
0x2aa: {  	_ =	swait.ge [sflag:s25], $0x4000  }
0x2ab: {  	[sflag:s25] =	ssyncset.done $0x0  }
0x2ac: {  	[sflag:s25] =	ssyncadd.s32 $0xFFFFC000  }
0x2ad: {  	_ =	swait.ge [sflag:s26], $0x80  }
0x2ae: {  	[sflag:s26] =	ssyncset.done $0x0  }
0x2af: {  	[sflag:s26] =	ssyncadd.s32 $0xFFFFFF80  }
0x2b0: {  	_ =	swait.ge [sflag:s31], $0x4000  }
0x2b1: {  	[sflag:s31] =	ssyncset.done $0x0  }
0x2b2: {  	s10 =	rddreg [dreg:$0xb];
	[sflag:s31] =	ssyncadd.s32 $0xFFFFC000  }
0x2b3: {  	[tilespmem:s0], [sflag:$0x2] =	stream.indirect.gather [hbm4b:s5+s30], $0x80, s10, s30, $0xb8;
	[tilespmem:$0x1D580] =	vst v63  }
0x2b4: {  	_ = 	snop  }
0x2b5: {  	[spmem:s2] =	stream.indirect.scatter.add.f32 [tilespmem:s23], [sflag:$0x3], $0x80, s18, s30, $0xb8;
	[tilespmem:$0x1D580] =	vst v63  }
0x2b6: {  	_ = 	snop  }
0x2b7: {  	[spmem:s3] =	stream.indirect.scatter.add.f32 [tilespmem:s24], [sflag:$0x5], $0x1, s18, s30, $0xb8;
	[tilespmem:$0x1D580] =	vst v63  }
0x2b8: {  	_ =	swait.ge [sflag:s25], $0x4000  }
0x2b9: {  	[sflag:s25] =	ssyncset.done $0x0  }
0x2ba: {  	[sflag:s25] =	ssyncadd.s32 $0xFFFFC000  }
0x2bb: {  	_ =	swait.ge [sflag:s26], $0x80  }
0x2bc: {  	[sflag:s26] =	ssyncset.done $0x0  }
0x2bd: {  	[sflag:s26] =	ssyncadd.s32 $0xFFFFFF80  }
0x2be: {  	_ =	swait.ge [sflag:s31], $0x4000  }
0x2bf: {  	[sflag:s31] =	ssyncset.done $0x0  }
0x2c0: {  	s11 =	rddreg [dreg:$0xc];
	[sflag:s31] =	ssyncadd.s32 $0xFFFFC000  }
0x2c1: {  	[tilespmem:s23], [sflag:$0x2] =	stream.indirect.gather [hbm4b:s5+s30], $0x80, s11, s30, $0xb8;
	[tilespmem:$0x1D580] =	vst v63  }
0x2c2: {  	_ = 	snop  }
0x2c3: {  	[spmem:s2] =	stream.indirect.scatter.add.f32 [tilespmem:s0], [sflag:$0x3], $0x80, s19, s30, $0xb8;
	[tilespmem:$0x1D580] =	vst v63  }
0x2c4: {  	_ = 	snop  }
0x2c5: {  	[spmem:s3] =	stream.indirect.scatter.add.f32 [tilespmem:s24], [sflag:$0x5], $0x1, s19, s30, $0xb8;
	[tilespmem:$0x1D580] =	vst v63  }
0x2c6: {  	_ =	swait.ge [sflag:s25], $0x4000  }
0x2c7: {  	[sflag:s25] =	ssyncset.done $0x0  }
0x2c8: {  	[sflag:s25] =	ssyncadd.s32 $0xFFFFC000  }
0x2c9: {  	_ =	swait.ge [sflag:s26], $0x80  }
0x2ca: {  	[sflag:s26] =	ssyncset.done $0x0  }
0x2cb: {  	[sflag:s26] =	ssyncadd.s32 $0xFFFFFF80  }
0x2cc: {  	_ =	swait.ge [sflag:s31], $0x4000  }
0x2cd: {  	[sflag:s31] =	ssyncset.done $0x0  }
0x2ce: {  	s12 =	rddreg [dreg:$0xd];
	[sflag:s31] =	ssyncadd.s32 $0xFFFFC000  }
0x2cf: {  	[tilespmem:s0], [sflag:$0x2] =	stream.indirect.gather [hbm4b:s5+s30], $0x80, s12, s30, $0xb8;
	[tilespmem:$0x1D580] =	vst v63  }
0x2d0: {  	_ = 	snop  }
0x2d1: {  	[spmem:s2] =	stream.indirect.scatter.add.f32 [tilespmem:s23], [sflag:$0x3], $0x80, s20, s30, $0xb8;
	[tilespmem:$0x1D580] =	vst v63  }
0x2d2: {  	_ = 	snop  }
0x2d3: {  	[spmem:s3] =	stream.indirect.scatter.add.f32 [tilespmem:s24], [sflag:$0x5], $0x1, s20, s30, $0xb8;
	[tilespmem:$0x1D580] =	vst v63  }
0x2d4: {  	_ =	swait.ge [sflag:s25], $0x4000  }
0x2d5: {  	[sflag:s25] =	ssyncset.done $0x0  }
0x2d6: {  	[sflag:s25] =	ssyncadd.s32 $0xFFFFC000  }
0x2d7: {  	_ =	swait.ge [sflag:s26], $0x80  }
0x2d8: {  	[sflag:s26] =	ssyncset.done $0x0  }
0x2d9: {  	[sflag:s26] =	ssyncadd.s32 $0xFFFFFF80  }
0x2da: {  	_ =	swait.ge [sflag:s31], $0x4000  }
0x2db: {  	[sflag:s31] =	ssyncset.done $0x0  }
0x2dc: {  	s16 =	rddreg [dreg:$0xe];
	[sflag:s31] =	ssyncadd.s32 $0xFFFFC000  }
0x2dd: {  	[tilespmem:s23], [sflag:$0x2] =	stream.indirect.gather [hbm4b:s5+s30], $0x80, s16, s30, $0xb8;
	[tilespmem:$0x1D580] =	vst v63  }
0x2de: {  	_ = 	snop  }
0x2df: {  	[spmem:s2] =	stream.indirect.scatter.add.f32 [tilespmem:s0], [sflag:$0x3], $0x80, s21, s30, $0xb8;
	[tilespmem:$0x1D580] =	vst v63  }
0x2e0: {  	_ = 	snop  }
0x2e1: {  	[spmem:s3] =	stream.indirect.scatter.add.f32 [tilespmem:s24], [sflag:$0x5], $0x1, s21, s30, $0xb8;
	[tilespmem:$0x1D580] =	vst v63  }
0x2e2: {  	_ =	swait.ge [sflag:s25], $0x4000  }
0x2e3: {  	[sflag:s25] =	ssyncset.done $0x0  }
0x2e4: {  	[sflag:s25] =	ssyncadd.s32 $0xFFFFC000  }
0x2e5: {  	_ =	swait.ge [sflag:s26], $0x80  }
0x2e6: {  	[sflag:s26] =	ssyncset.done $0x0  }
0x2e7: {  	[sflag:s26] =	ssyncadd.s32 $0xFFFFFF80  }
0x2e8: {  	_ =	swait.ge [sflag:s31], $0x4000  }
0x2e9: {  	[sflag:s31] =	ssyncset.done $0x0  }
0x2ea: {  	s4 =	rddreg [dreg:$0xf];
	[sflag:s31] =	ssyncadd.s32 $0xFFFFC000  }
0x2eb: {  	[tilespmem:s0], [sflag:$0x2] =	stream.indirect.gather [hbm4b:s5+s30], $0x80, s4, s30, $0xb8;
	[tilespmem:$0x1D580] =	vst v63  }
0x2ec: {  	_ = 	snop  }
0x2ed: {  	[spmem:s2] =	stream.indirect.scatter.add.f32 [tilespmem:s23], [sflag:$0x3], $0x80, s22, s30, $0xb8;
	[tilespmem:$0x1D580] =	vst v63  }
0x2ee: {  	_ = 	snop  }
0x2ef: {  	[spmem:s3] =	stream.indirect.scatter.add.f32 [tilespmem:s24], [sflag:$0x5], $0x1, s22, s30, $0xb8;
	[tilespmem:$0x1D580] =	vst v63  }
0x2f0: {  	_ =	swait.ge [sflag:s25], $0x4000  }
0x2f1: {  	[sflag:s25] =	ssyncset.done $0x0  }
0x2f2: {  	[sflag:s25] =	ssyncadd.s32 $0xFFFFC000  }
0x2f3: {  	_ =	swait.ge [sflag:s26], $0x80  }
0x2f4: {  	[sflag:s26] =	ssyncset.done $0x0  }
0x2f5: {  	[sflag:s26] =	ssyncadd.s32 $0xFFFFFF80  }
0x2f6: {  	_ =	swait.ge [sflag:s31], $0x4000  }
0x2f7: {  	[sflag:s31] =	ssyncset.done $0x0  }
0x2f8: {  	s10 =	rddreg [dreg:$0x10];
	[sflag:s31] =	ssyncadd.s32 $0xFFFFC000  }
0x2f9: {  	[tilespmem:s23], [sflag:$0x2] =	stream.indirect.gather [hbm4b:s5+s30], $0x80, s10, s30, $0xb8;
	[tilespmem:$0x1D580] =	vst v63  }
0x2fa: {  	_ = 	snop  }
0x2fb: {  	[spmem:s2] =	stream.indirect.scatter.add.f32 [tilespmem:s0], [sflag:$0x3], $0x80, s6, s30, $0xb8;
	[tilespmem:$0x1D580] =	vst v63  }
0x2fc: {  	_ = 	snop  }
0x2fd: {  	[spmem:s3] =	stream.indirect.scatter.add.f32 [tilespmem:s24], [sflag:$0x5], $0x1, s6, s30, $0xb8;
	[tilespmem:$0x1D580] =	vst v63  }
0x2fe: {  	_ =	swait.ge [sflag:s25], $0x4000  }
0x2ff: {  	[sflag:s25] =	ssyncset.done $0x0  }
0x300: {  	[sflag:s25] =	ssyncadd.s32 $0xFFFFC000  }
0x301: {  	_ =	swait.ge [sflag:s26], $0x80  }
0x302: {  	[sflag:s26] =	ssyncset.done $0x0  }
0x303: {  	[sflag:s26] =	ssyncadd.s32 $0xFFFFFF80  }
0x304: {  	_ =	swait.ge [sflag:s31], $0x4000  }
0x305: {  	[sflag:s31] =	ssyncset.done $0x0  }
0x306: {  	s11 =	rddreg [dreg:$0x11];
	[sflag:s31] =	ssyncadd.s32 $0xFFFFC000  }
0x307: {  	[tilespmem:s0], [sflag:$0x2] =	stream.indirect.gather [hbm4b:s5+s30], $0x80, s11, s30, $0xb8;
	[tilespmem:$0x1D580] =	vst v63  }
0x308: {  	_ = 	snop  }
0x309: {  	[spmem:s2] =	stream.indirect.scatter.add.f32 [tilespmem:s23], [sflag:$0x3], $0x80, s7, s30, $0xb8;
	[tilespmem:$0x1D580] =	vst v63  }
0x30a: {  	_ = 	snop  }
0x30b: {  	[spmem:s3] =	stream.indirect.scatter.add.f32 [tilespmem:s24], [sflag:$0x5], $0x1, s7, s30, $0xb8;
	[tilespmem:$0x1D580] =	vst v63  }
0x30c: {  	_ =	swait.ge [sflag:s25], $0x4000  }
0x30d: {  	[sflag:s25] =	ssyncset.done $0x0  }
0x30e: {  	[sflag:s25] =	ssyncadd.s32 $0xFFFFC000  }
0x30f: {  	_ =	swait.ge [sflag:s26], $0x80  }
0x310: {  	[sflag:s26] =	ssyncset.done $0x0  }
0x311: {  	[sflag:s26] =	ssyncadd.s32 $0xFFFFFF80  }
0x312: {  	_ =	swait.ge [sflag:s31], $0x4000  }
0x313: {  	[sflag:s31] =	ssyncset.done $0x0  }
0x314: {  	s12 =	rddreg [dreg:$0x12];
	[sflag:s31] =	ssyncadd.s32 $0xFFFFC000  }
0x315: {  	[tilespmem:s23], [sflag:$0x2] =	stream.indirect.gather [hbm4b:s5+s30], $0x80, s12, s30, $0xb8;
	[tilespmem:$0x1D580] =	vst v63  }
0x316: {  	_ = 	snop  }
0x317: {  	[spmem:s2] =	stream.indirect.scatter.add.f32 [tilespmem:s0], [sflag:$0x3], $0x80, s8, s30, $0xb8;
	[tilespmem:$0x1D580] =	vst v63  }
0x318: {  	_ = 	snop  }
0x319: {  	[spmem:s3] =	stream.indirect.scatter.add.f32 [tilespmem:s24], [sflag:$0x5], $0x1, s8, s30, $0xb8;
	[tilespmem:$0x1D580] =	vst v63  }
0x31a: {  	_ =	swait.ge [sflag:s25], $0x4000  }
0x31b: {  	[sflag:s25] =	ssyncset.done $0x0  }
0x31c: {  	[sflag:s25] =	ssyncadd.s32 $0xFFFFC000  }
0x31d: {  	_ =	swait.ge [sflag:s26], $0x80  }
0x31e: {  	[sflag:s26] =	ssyncset.done $0x0  }
0x31f: {  	[sflag:s26] =	ssyncadd.s32 $0xFFFFFF80  }
0x320: {  	_ =	swait.ge [sflag:s31], $0x4000  }
0x321: {  	[sflag:s31] =	ssyncset.done $0x0  }
0x322: {  	s16 =	rddreg [dreg:$0x13];
	[sflag:s31] =	ssyncadd.s32 $0xFFFFC000  }
0x323: {  	[tilespmem:s0], [sflag:$0x2] =	stream.indirect.gather [hbm4b:s5+s30], $0x80, s16, s30, $0xb8;
	[tilespmem:$0x1D580] =	vst v63  }
0x324: {  	_ = 	snop  }
0x325: {  	[spmem:s2] =	stream.indirect.scatter.add.f32 [tilespmem:s23], [sflag:$0x3], $0x80, s9, s30, $0xb8;
	[tilespmem:$0x1D580] =	vst v63  }
0x326: {  	_ = 	snop  }
0x327: {  	[spmem:s3] =	stream.indirect.scatter.add.f32 [tilespmem:s24], [sflag:$0x5], $0x1, s9, s30, $0xb8;
	[tilespmem:$0x1D580] =	vst v63  }
0x328: {  	_ =	swait.ge [sflag:s25], $0x4000  }
0x329: {  	[sflag:s25] =	ssyncset.done $0x0  }
0x32a: {  	[sflag:s25] =	ssyncadd.s32 $0xFFFFC000  }
0x32b: {  	_ =	swait.ge [sflag:s26], $0x80  }
0x32c: {  	[sflag:s26] =	ssyncset.done $0x0  }
0x32d: {  	[sflag:s26] =	ssyncadd.s32 $0xFFFFFF80  }
0x32e: {  	_ =	swait.ge [sflag:s31], $0x4000  }
0x32f: {  	[sflag:s31] =	ssyncset.done $0x0  }
0x330: {  	s4 =	simm.s32 $0xF80;
	[sflag:s31] =	ssyncadd.s32 $0xFFFFC000  }
0x331: {  	[spmem:s2] =	stream.indirect.scatter.add.f32 [tilespmem:s0], [sflag:$0x3], $0x80, s4, s30, $0xb8;
	[tilespmem:$0x1D580] =	vst v63  }
0x332: {  	_ = 	snop  }
0x333: {  	[spmem:s3] =	stream.indirect.scatter.add.f32 [tilespmem:s24], [sflag:$0x5], $0x1, s4, s30, $0xb8;
	[tilespmem:$0x1D580] =	vst v63  }
0x334: {  	_ =	swait.ge [sflag:s25], $0x4000  }
0x335: {  	[sflag:s25] =	ssyncset.done $0x0  }
0x336: {  	[sflag:s25] =	ssyncadd.s32 $0xFFFFC000  }
0x337: {  	_ =	swait.ge [sflag:s26], $0x80  }
0x338: {  	[sflag:s26] =	ssyncset.done $0x0  }
0x339: {  	[sflag:s26] =	ssyncadd.s32 $0xFFFFFF80  }
0x33a: {  	[bflag:$0x0] =	sbarrier.arrive $0xFFFF  }
0x33b: {  	s6 =	simm.s32 $0x9080;
	s12 =	rddreg [dreg:$0x19]  }
0x33c: {  	[tilespmem:s6], [sflag:$0x5] =	stream.linear.gather [spmem:s12], $0x280, $0x38;
	[tilespmem:$0x1D580] =	vst v63  }
0x33d: {  	_ =	swait.ge [sflag:s26], $0x280  }
0x33e: {  	[sflag:s26] =	ssyncset.done $0x0  }
0x33f: {  	s10 =	rddreg [dreg:$0x1e];
	[sflag:s26] =	ssyncadd.s32 $0xFFFFFD80  }
0x340: {  	[hbm4b:s10+s30] =	stream.strided.scatter [tilespmem:s6], [sflag:$0x4], $0x280, s13, s30, $0x38;
	[tilespmem:$0x1D580] =	vst v63  }
0x341: {  	s4 =	simm.s32 $0x6;
	s11 =	rddreg [dreg:$0x14]  }
0x342: {  	[tilespmem:s23], [sflag:$0x6] =	stream.linear.gather [spmem:s11], $0x4000, $0x38;
	[tilespmem:$0x1D580] =	vst v63  }
0x343: {  	_ =	swait.ge [sflag:s4], $0x4000  }
0x344: {  	[sflag:s4] =	ssyncset.done $0x0  }
0x345: {  	s16 =	rddreg [dreg:$0x15];
	[sflag:s4] =	ssyncadd.s32 $0xFFFFC000  }
0x346: {  	[tilespmem:s0], [sflag:$0x6] =	stream.linear.gather [spmem:s16], $0x4000, $0x38;
	[tilespmem:$0x1D580] =	vst v63  }
0x347: {  	s6 =	rddreg [dreg:$0x1f]  }
0x348: {  	[hbm4b:s6+s28] =	stream.linear.scatter [tilespmem:s23], [sflag:$0x7], $0x4000, $0x38;
	[tilespmem:$0x1D580] =	vst v63  }
0x349: {  	_ =	swait.ge [sflag:s4], $0x4000  }
0x34a: {  	[sflag:s4] =	ssyncset.done $0x0  }
0x34b: {  	s6 =	simm.s32 $0x7;
	[sflag:s4] =	ssyncadd.s32 $0xFFFFC000  }
0x34c: {  	_ =	swait.ge [sflag:s6], $0x4000  }
0x34d: {  	[sflag:s6] =	ssyncset.done $0x0;
	s10 =	rddreg [dreg:$0x16]  }
0x34e: {  	s11 =	sld [smem:$0x7F9];
	[sflag:s6] =	ssyncadd.s32 $0xFFFFC000  }
0x34f: {  	[tilespmem:s23], [sflag:$0x6] =	stream.linear.gather [spmem:s10], $0x4000, $0x38;
	[tilespmem:$0x1D580] =	vst v63  }
0x350: {  	_ = 	snop  }
0x351: {  	[hbm4b:s11+s28] =	stream.linear.scatter [tilespmem:s0], [sflag:$0x7], $0x4000, $0x38;
	[tilespmem:$0x1D580] =	vst v63  }
0x352: {  	_ =	swait.ge [sflag:s4], $0x4000  }
0x353: {  	[sflag:s4] =	ssyncset.done $0x0  }
0x354: {  	[sflag:s4] =	ssyncadd.s32 $0xFFFFC000  }
0x355: {  	_ =	swait.ge [sflag:s6], $0x4000  }
0x356: {  	[sflag:s6] =	ssyncset.done $0x0;
	s16 =	rddreg [dreg:$0x17]  }
0x357: {  	s10 =	sld [smem:$0x7FA];
	[sflag:s6] =	ssyncadd.s32 $0xFFFFC000  }
0x358: {  	[tilespmem:s0], [sflag:$0x6] =	stream.linear.gather [spmem:s16], $0x4000, $0x38;
	[tilespmem:$0x1D580] =	vst v63  }
0x359: {  	_ = 	snop  }
0x35a: {  	[hbm4b:s10+s28] =	stream.linear.scatter [tilespmem:s23], [sflag:$0x7], $0x4000, $0x38;
	[tilespmem:$0x1D580] =	vst v63  }
0x35b: {  	_ =	swait.ge [sflag:s4], $0x4000  }
0x35c: {  	[sflag:s4] =	ssyncset.done $0x0  }
0x35d: {  	[sflag:s4] =	ssyncadd.s32 $0xFFFFC000  }
0x35e: {  	_ =	swait.ge [sflag:s6], $0x4000  }
0x35f: {  	[sflag:s6] =	ssyncset.done $0x0;
	s11 =	rddreg [dreg:$0x18]  }
0x360: {  	s16 =	sld [smem:$0x7FB];
	[sflag:s6] =	ssyncadd.s32 $0xFFFFC000  }
0x361: {  	[tilespmem:s23], [sflag:$0x6] =	stream.linear.gather [spmem:s11], $0x4000, $0x38;
	[tilespmem:$0x1D580] =	vst v63  }
0x362: {  	_ = 	snop  }
0x363: {  	[hbm4b:s16+s28] =	stream.linear.scatter [tilespmem:s0], [sflag:$0x7], $0x4000, $0x38;
	[tilespmem:$0x1D580] =	vst v63  }
0x364: {  	_ =	swait.ge [sflag:s4], $0x4000  }
0x365: {  	[sflag:s4] =	ssyncset.done $0x0  }
0x366: {  	[sflag:s4] =	ssyncadd.s32 $0xFFFFC000  }
0x367: {  	_ =	swait.ge [sflag:s6], $0x4000  }
0x368: {  	s4 =	sld [smem:$0x7FC]  }
0x369: {  	[sflag:s6] =	ssyncset.done $0x0  }
0x36a: {  	[sflag:s6] =	ssyncadd.s32 $0xFFFFC000  }
0x36b: {  	[hbm4b:s4+s28] =	stream.linear.scatter [tilespmem:s23], [sflag:$0x7], $0x4000, $0x38;
	[tilespmem:$0x1D580] =	vst v63  }
0x36c: {  	_ =	swait.ge [sflag:s6], $0x4000  }
0x36d: {  	[sflag:s6] =	ssyncset.done $0x0  }
0x36e: {  	s10 =	simm.s32 $0x4;
	[sflag:s6] =	ssyncadd.s32 $0xFFFFC000  }
0x36f: {  	_ =	swait.ge [sflag:s10], $0x280  }
0x370: {  	s11 =	sld [smem:$0x7F8]  }
0x371: {  	s16 =	sld [smem:$0x7FD];
	_ =	sdelay $0x1  }
0x372: {  	s6 =	sadd.s32 $0x1, s11  }
0x373: {  	p0 =	sne.s32 s6, s16  }
.Ltmp2:
0x374: {  	_ = 	snop;
	(pc) =	sbr.rel @p0 .LBB2_1-.Ltmp2, $3  }
0x375: {  	_ =	sdelay $0x1  }
0x376: {  	[sflag:s10] =	ssyncset.done $0x0  }
0x377: {  	[sflag:s10] =	ssyncadd.s32 $0xFFFFFD80;
	s16 =	simm.s32 $0x0  }
0x378: {  	_ =	sfence.sel $0x180000  }
0x379: {  	[bflag:$0x0] =	sbarrier.arrive $0xFFFF  }
0x37a: {  	_ =	strace $0x90000047  }
0x37b: {  	s0 =	stileid.u32;
	[bflag:$0x2] =	sbarrier.arrive $0xFFFF  }
0x37c: {  	p0 =	sne.s32 s0, $0x0;
	s0 =	rddreg [dreg:$0x4]  }
0x37d: {  	s0 =	sadd.s32 @!p0 $0x100000, s0  }
0x37e: {  	[sflag:s0] =	ssyncadd.tile.s32 @!p0 $0x1;
	_ =	shalt  }
.Lfunc_end2:
_tile_overlayer_lowered:
.L_overlay_start_2:
0x37f: {  	(tag) =	ssettag $0x2  }
0x380: {  	s0 =	rddreg [dreg:$0x0];
	s2 =	stileid.u32  }
0x381: {  	s1 =	rddreg [dreg:$0x1];
	p0 =	sne.s32 s2, $0x0  }
0x382: {  	s3 =	rddreg [dreg:$0x2];
	[bflag:$0x3] =	sbarrier.arrive $0xFFFF;
	s2 =	simm.s32 @!p0 $0x1C08  }
0x383: {  	[timem:s3], [sflag:s2] =	dma.local @!p0 [hbm:s0], s1  }
0x384: {  	s0 =	simm.s32 @!p0 $0x8  }
0x385: {  	_ =	swait.ge @!p0 [sflag:s0], s1  }
0x386: {  	s1 =	ssub.s32 @!p0 $0x0, s1;
	[sflag:s0] =	ssyncset.done @!p0 $0x0  }
0x387: {  	[sflag:s0] =	ssyncadd.s32 @!p0 s1  }
0x388: {  	[bflag:$0x3] =	sbarrier.arrive $0xFFFF  }
0x389: {  	_ =	shalt  }

</sc_bundles>
